<compile_context>
chip_gen: v7x
topology: tpu7x:2x2x1
jax: 0.10.2.dev20260603
libtpu: 0.0.44.dev20260713+nightly
codegen_flags: <defaults>
</compile_context>

<pallas_src>
import jax
import jax.numpy as jnp
from jax import lax
from jax.experimental import pallas as pl
from jax.experimental.pallas import tpu as pltpu
from jax.experimental.pallas import tpu_sc as plsc

NC = 2
NS = 16
NW = NC * NS
K = 128
NBUF = 3

_MESH = plsc.VectorSubcoreMesh(core_axis_name="c", subcore_axis_name="s")


def _deg_body(src_hbm, dst_hbm, ones_hbm, zeros_hbm,
              dego_hbm, degi_hbm,
              sidx, didx, ones_v, dego_sh, degi_sh, semo, semi):
    c = lax.axis_index("c")
    s = lax.axis_index("s")
    t = c * NS + s
    npad = dego_hbm.shape[1]
    rpt = npad // NS
    nchunks = src_hbm.shape[1]

    pltpu.sync_copy(zeros_hbm.at[pl.ds(s * rpt, rpt)],
                    dego_sh.at[pl.ds(s * rpt, rpt)])
    pltpu.sync_copy(zeros_hbm.at[pl.ds(s * rpt, rpt)],
                    degi_sh.at[pl.ds(s * rpt, rpt)])
    pltpu.sync_copy(ones_hbm, ones_v)
    pltpu.sync_copy(src_hbm.at[t], sidx)
    pltpu.sync_copy(dst_hbm.at[t], didx)
    plsc.subcore_barrier()

    def body(j, carry):
        @pl.when(j > 0)
        def _drain():
            pltpu.make_async_copy(ones_v, dego_sh.at[sidx.at[0]],
                                  semo).wait()
            pltpu.make_async_copy(ones_v, degi_sh.at[didx.at[0]],
                                  semi).wait()

        pltpu.async_copy(ones_v, dego_sh.at[sidx.at[j]], semo, add=True)
        pltpu.async_copy(ones_v, degi_sh.at[didx.at[j]], semi, add=True)
        return carry

    lax.fori_loop(0, nchunks, body, 0)
    pltpu.make_async_copy(ones_v, dego_sh.at[sidx.at[0]], semo).wait()
    pltpu.make_async_copy(ones_v, degi_sh.at[didx.at[0]], semi).wait()
    plsc.subcore_barrier()

    pltpu.sync_copy(dego_sh.at[pl.ds(s * rpt, rpt)],
                    dego_hbm.at[c, pl.ds(s * rpt, rpt)])
    pltpu.sync_copy(degi_sh.at[pl.ds(s * rpt, rpt)],
                    degi_hbm.at[c, pl.ds(s * rpt, rpt)])


def _layer_body(ha_hbm, hb_hbm, src_hbm, dst_hbm, zeros_hbm, out_hbm,
                sidx, dbufs, bufs, h_sh, agg_sh, isems, gsems, ssems):
    c = lax.axis_index("c")
    s = lax.axis_index("s")
    npad, dh = ha_hbm.shape
    rpt = npad // NS
    nck = src_hbm.shape[1]
    ngroups = nck // NBUF

    pltpu.sync_copy(zeros_hbm.at[pl.ds(s * rpt, rpt)],
                    agg_sh.at[pl.ds(s * rpt, rpt)])

    @pl.when(c == 0)
    def _stage_a():
        pltpu.sync_copy(ha_hbm.at[pl.ds(s * rpt, rpt)],
                        h_sh.at[pl.ds(s * rpt, rpt)])

    @pl.when(c == 1)
    def _stage_b():
        pltpu.sync_copy(hb_hbm.at[pl.ds(s * rpt, rpt)],
                        h_sh.at[pl.ds(s * rpt, rpt)])

    pltpu.sync_copy(src_hbm.at[s], sidx)
    pltpu.async_copy(dst_hbm.at[s, 0], dbufs[0], isems[0])
    plsc.subcore_barrier()

    def process_group(g, p, tail, pfg, pfp):
        j0 = g * NBUF
        gathers = [pltpu.async_copy(h_sh.at[sidx.at[j0 + b]], bufs[b],
                                    gsems[b]) for b in range(NBUF - 1)]
        if tail:
            pltpu.make_async_copy(bufs[NBUF - 1],
                                  agg_sh.at[dbufs[1 - p].at[NBUF - 1]],
                                  ssems[NBUF - 1]).wait()
        pltpu.async_copy(dst_hbm.at[s, pfg], dbufs[pfp], isems[pfp])
        gathers.append(
            pltpu.async_copy(h_sh.at[sidx.at[j0 + NBUF - 1]], bufs[NBUF - 1],
                             gsems[NBUF - 1]))
        pltpu.make_async_copy(dst_hbm.at[s, g], dbufs[p], isems[p]).wait()
        prev = None
        for b in range(NBUF):
            gathers[b].wait()
            if prev is not None:
                prev.wait()
            prev = pltpu.async_copy(bufs[b], agg_sh.at[dbufs[p].at[b]],
                                    ssems[b], add=True)

    def pair(pr, carry):
        g0 = 2 * pr
        process_group(g0, 0, True, g0 + 1, 1)
        process_group(g0 + 1, 1, True, lax.rem(g0 + 2, ngroups), 0)
        return carry

    process_group(0, 0, False, 1, 1)
    process_group(1, 1, True, 2, 0)
    lax.fori_loop(1, ngroups // 2, pair, 0)
    pltpu.make_async_copy(bufs[NBUF - 1], agg_sh.at[dbufs[1].at[NBUF - 1]],
                          ssems[NBUF - 1]).wait()
    pltpu.make_async_copy(dst_hbm.at[s, 0], dbufs[0],
                          isems[0]).wait()
    plsc.subcore_barrier()
    pltpu.sync_copy(agg_sh.at[pl.ds(s * rpt, rpt)],
                    out_hbm.at[c, pl.ds(s * rpt, rpt)])


def _mm_scale_body(x_ref, w_ref, da_ref, db_ref, oa_ref, ob_ref):
    deg = da_ref[...] + db_ref[...]
    scale = lax.rsqrt(jnp.where(deg > 0, deg, 1.0))
    r = jnp.dot(x_ref[...], w_ref[...],
                preferred_element_type=jnp.float32) * scale
    dh = r.shape[1] // 2
    oa_ref[...] = r[:, :dh]
    ob_ref[...] = r[:, dh:]


def _combine_mm_body(aa_ref, ab_ref, dia_ref, dib_ref,
                     b_ref, w_ref, doa_ref, dob_ref, oa_ref, ob_ref):
    degi = dia_ref[...] + dib_ref[...]
    si = lax.rsqrt(jnp.where(degi > 0, degi, 1.0))
    agg = jnp.concatenate([aa_ref[...], ab_ref[...]], axis=1)
    x = jnp.maximum(agg * si + b_ref[...], 0.0)
    dego = doa_ref[...] + dob_ref[...]
    so = lax.rsqrt(jnp.where(dego > 0, dego, 1.0))
    r = jnp.dot(x, w_ref[...], preferred_element_type=jnp.float32) * so
    dh = r.shape[1] // 2
    oa_ref[...] = r[:, :dh]
    ob_ref[...] = r[:, dh:]


def _readout_body(aa_ref, ab_ref, dia_ref, dib_ref,
                  b_ref, w_ref, bfc_ref, o_ref):
    degi = dia_ref[...] + dib_ref[...]
    si = lax.rsqrt(jnp.where(degi > 0, degi, 1.0))
    agg = jnp.concatenate([aa_ref[...], ab_ref[...]], axis=1)
    x = jnp.maximum(agg * si + b_ref[...], 0.0)
    o_ref[...] = jnp.dot(x, w_ref[...],
                         preferred_element_type=jnp.float32) + bfc_ref[...]


def kernel(features, edge_index, W1, b1, W2, b2, Wfc, bfc):
    n, d = features.shape
    dh = d // 2
    e = edge_index.shape[1]
    npad = ((n + NW * 16 - 1) // (NW * 16)) * (NW * 16)
    nck16 = -(-e // (NS * K))
    nck16 = ((nck16 + 2 * NBUF - 1) // (2 * NBUF)) * (2 * NBUF)
    ngroups = nck16 // NBUF
    epad = NS * nck16 * K
    nck32 = epad // (NW * K)

    src = edge_index[0].astype(jnp.int32)
    dst = edge_index[1].astype(jnp.int32)
    fill = jnp.full((epad - e,), npad - 1, jnp.int32)
    srcp = jnp.concatenate([src, fill])
    dstp = jnp.concatenate([dst, fill])
    src16 = srcp.reshape(NS, nck16, K)
    dst16 = dstp.reshape(NS, ngroups, NBUF, K)
    src32 = srcp.reshape(NW, nck32, K)
    dst32 = dstp.reshape(NW, nck32, K)

    xpad = jnp.concatenate(
        [features, jnp.zeros((npad - n, d), jnp.float32)], axis=0)
    zeros_half = jnp.zeros((npad, dh), jnp.float32)
    zeros1 = jnp.zeros((npad,), jnp.float32)
    ones1 = jnp.ones((K,), jnp.float32)

    deg_call = pl.kernel(
        _deg_body,
        out_type=(jax.ShapeDtypeStruct((NC, npad), jnp.float32),
                  jax.ShapeDtypeStruct((NC, npad), jnp.float32)),
        mesh=_MESH,
        scratch_types=[
            pltpu.VMEM((nck32, K), jnp.int32),
            pltpu.VMEM((nck32, K), jnp.int32),
            pltpu.VMEM((K,), jnp.float32),
            pltpu.VMEM_SHARED((npad,), jnp.float32),
            pltpu.VMEM_SHARED((npad,), jnp.float32),
            pltpu.SemaphoreType.DMA,
            pltpu.SemaphoreType.DMA,
        ],
    )
    dego_t, degi_t = deg_call(src32, dst32, ones1, zeros1)
    dego0, dego1 = dego_t[0][:, None], dego_t[1][:, None]
    degi0, degi1 = degi_t[0][:, None], degi_t[1][:, None]

    rt = 1024
    grid = (npad // rt,)
    half_out = (jax.ShapeDtypeStruct((npad, dh), jnp.float32),
                jax.ShapeDtypeStruct((npad, dh), jnp.float32))
    half_specs = [pl.BlockSpec((rt, dh), lambda i: (i, 0)),
                  pl.BlockSpec((rt, dh), lambda i: (i, 0))]
    mm_scale = pl.pallas_call(
        _mm_scale_body,
        grid=grid,
        in_specs=[
            pl.BlockSpec((rt, d), lambda i: (i, 0)),
            pl.BlockSpec((d, d), lambda i: (0, 0)),
            pl.BlockSpec((rt, 1), lambda i: (i, 0)),
            pl.BlockSpec((rt, 1), lambda i: (i, 0)),
        ],
        out_specs=half_specs,
        out_shape=half_out,
    )
    h1a, h1b = mm_scale(xpad, W1, dego0, dego1)

    layer_call = pl.kernel(
        _layer_body,
        out_type=jax.ShapeDtypeStruct((NC, npad, dh), jnp.float32),
        mesh=_MESH,
        compiler_params=pltpu.CompilerParams(use_tc_tiling_on_sc=False),
        scratch_types=[
            pltpu.VMEM((nck16, K), jnp.int32),
            tuple(pltpu.VMEM((NBUF, K), jnp.int32) for _ in range(2)),
            tuple(pltpu.VMEM((K, dh), jnp.float32) for _ in range(NBUF)),
            pltpu.VMEM_SHARED((npad, dh), jnp.float32),
            pltpu.VMEM_SHARED((npad, dh), jnp.float32),
            tuple(pltpu.SemaphoreType.DMA for _ in range(2)),
            tuple(pltpu.SemaphoreType.DMA for _ in range(NBUF)),
            tuple(pltpu.SemaphoreType.DMA for _ in range(NBUF)),
        ],
    )
    agg1 = layer_call(h1a, h1b, src16, dst16, zeros_half)

    b1r = b1.reshape(1, d)
    combine_mm = pl.pallas_call(
        _combine_mm_body,
        grid=grid,
        in_specs=[
            pl.BlockSpec((rt, dh), lambda i: (i, 0)),
            pl.BlockSpec((rt, dh), lambda i: (i, 0)),
            pl.BlockSpec((rt, 1), lambda i: (i, 0)),
            pl.BlockSpec((rt, 1), lambda i: (i, 0)),
            pl.BlockSpec((1, d), lambda i: (0, 0)),
            pl.BlockSpec((d, d), lambda i: (0, 0)),
            pl.BlockSpec((rt, 1), lambda i: (i, 0)),
            pl.BlockSpec((rt, 1), lambda i: (i, 0)),
        ],
        out_specs=half_specs,
        out_shape=half_out,
    )
    h2a, h2b = combine_mm(agg1[0], agg1[1], degi0, degi1,
                          b1r, W2, dego0, dego1)

    agg2 = layer_call(h2a, h2b, src16, dst16, zeros_half)

    b2r = b2.reshape(1, d)
    bfcr = bfc.reshape(1, 1)
    readout = pl.pallas_call(
        _readout_body,
        grid=grid,
        in_specs=[
            pl.BlockSpec((rt, dh), lambda i: (i, 0)),
            pl.BlockSpec((rt, dh), lambda i: (i, 0)),
            pl.BlockSpec((rt, 1), lambda i: (i, 0)),
            pl.BlockSpec((rt, 1), lambda i: (i, 0)),
            pl.BlockSpec((1, d), lambda i: (0, 0)),
            pl.BlockSpec((d, 1), lambda i: (0, 0)),
            pl.BlockSpec((1, 1), lambda i: (0, 0)),
        ],
        out_specs=pl.BlockSpec((rt, 1), lambda i: (i, 0)),
        out_shape=jax.ShapeDtypeStruct((npad, 1), jnp.float32),
    )
    y = readout(agg2[0], agg2[1], degi0, degi1, b2r,
                Wfc, bfcr)
    return y[:n]

# --- scband reference (transcript-rebuilt; emitter-appended) ---
"""Pipeline reference for scband-gcnnode-regression-76390288327438 (READ-ONLY COPY).

The authoritative reference and input builder live on the scoring server;
editing this copy changes nothing except your own understanding.
"""

import jax, jax.numpy as jnp
import numpy as np

N = 10000
E = 320000
D_IN = 128
D_HID = 128


def setup_inputs(seed: int = 0) -> dict:
    key = jax.random.key(seed)
    ks = jax.random.split(key, 9)
    features = jax.random.normal(ks[0], (N, D_IN), dtype=jnp.float32)
    edge_index = jax.random.randint(ks[1], (2, E), 0, N, dtype=jnp.int64)
    s1 = 1.0 / np.sqrt(D_IN)
    s2 = 1.0 / np.sqrt(D_HID)
    W1 = jax.random.uniform(ks[2], (D_IN, D_HID), minval=-s1, maxval=s1, dtype=jnp.float32)
    b1 = jnp.zeros((D_HID,), dtype=jnp.float32)
    W2 = jax.random.uniform(ks[3], (D_HID, D_HID), minval=-s2, maxval=s2, dtype=jnp.float32)
    b2 = jnp.zeros((D_HID,), dtype=jnp.float32)
    Wfc = jax.random.uniform(ks[4], (D_HID, 1), minval=-s2, maxval=s2, dtype=jnp.float32)
    bfc = jnp.zeros((1,), dtype=jnp.float32)
    return {"features": features, "edge_index": edge_index, "W1": W1, "b1": b1,
            "W2": W2, "b2": b2, "Wfc": Wfc, "bfc": bfc}


def _graph_conv(x, src, dst, W, b, deg_out_inv_sqrt, deg_in_inv_sqrt):
    # DGL GraphConv with norm='both': D^{-1/2} A D^{-1/2} X W + b
    h = x @ W
    msg = h[src] * deg_out_inv_sqrt[src][:, None]
    agg = jnp.zeros((N, h.shape[1]), dtype=h.dtype).at[dst].add(msg)
    return agg * deg_in_inv_sqrt[:, None] + b


def reference(features, edge_index, W1, b1, W2, b2, Wfc, bfc):
    src = edge_index[0]
    dst = edge_index[1]
    ones = jnp.ones((E,), dtype=jnp.float32)
    deg_out = jnp.zeros((N,), dtype=jnp.float32).at[src].add(ones)
    deg_in = jnp.zeros((N,), dtype=jnp.float32).at[dst].add(ones)
    deg_out_inv_sqrt = jnp.where(deg_out > 0, deg_out, 1.0) ** -0.5
    deg_in_inv_sqrt = jnp.where(deg_in > 0, deg_in, 1.0) ** -0.5
    x = jax.nn.relu(_graph_conv(features, src, dst, W1, b1, deg_out_inv_sqrt, deg_in_inv_sqrt))
    # dropout(p=0.5) is identity in eval mode
    x = jax.nn.relu(_graph_conv(x, src, dst, W2, b2, deg_out_inv_sqrt, deg_in_inv_sqrt))
    return x @ Wfc + bfc

if __name__ == "__main__":
    import jax
    _d = setup_inputs()
    print(jax.jit(kernel)(*tuple(_d.values())))

</pallas_src>

<mosaic_0001>
#map = affine_map<(d0, d1) -> (0, 0, 0)>
#map1 = affine_map<(d0, d1) -> (0)>
#map2 = affine_map<(d0, d1) -> (0, 0)>
module attributes {stable_mosaic.version = 14 : i64} {
  func.func @_deg_body(%arg0: i32, %arg1: i32, %arg2: memref<32x81x128xi32, #tpu.memory_space<hbm>>, %arg3: memref<32x81x128xi32, #tpu.memory_space<hbm>>, %arg4: memref<128xf32, #tpu.memory_space<hbm>>, %arg5: memref<10240xf32, #tpu.memory_space<hbm>>, %arg6: memref<2x10240xf32, #tpu.memory_space<hbm>>, %arg7: memref<2x10240xf32, #tpu.memory_space<hbm>>, %arg8: memref<81x128xi32, #tpu.memory_space<vmem>>, %arg9: memref<81x128xi32, #tpu.memory_space<vmem>>, %arg10: memref<128xf32, #tpu.memory_space<vmem>>, %arg11: memref<10240xf32, #tpu.memory_space<vmem_shared>>, %arg12: memref<10240xf32, #tpu.memory_space<vmem_shared>>, %arg13: memref<!tpu.dma_semaphore, #tpu.memory_space<semaphore_mem>>, %arg14: memref<!tpu.dma_semaphore, #tpu.memory_space<semaphore_mem>>) attributes {dimension_semantics = [#tpu.dimension_semantics<core_parallel>, #tpu.dimension_semantics<subcore_parallel>], iteration_bounds = array<i64: 2, 16>, scalar_prefetch = 0 : i64, scratch_operands = 7 : i64, tpu.core_type = #tpu.core_type<sc_vector_subcore>, window_params = [{transform_indices = #map}, {transform_indices = #map}, {transform_indices = #map1}, {transform_indices = #map1}, {transform_indices = #map2}, {transform_indices = #map2}]} {
    %mul3A = arith.constant 16 : i32
    %mul3A_0 = arith.muli %arg0, %mul3A : i32
    %add3A = arith.addi %mul3A_0, %arg1 : i32
    %mul3A_1 = arith.constant 640 : i32
    %mul3A_2 = arith.muli %arg1, %mul3A_1 : i32
    %mul3A_3 = arith.constant 640 : i32
    %mul3A_4 = arith.muli %arg1, %mul3A_3 : i32
    "tpu.region"() ({
      %run_scoped3A = tpu.sem_alloc : memref<!tpu.dma_semaphore, #tpu.memory_space<semaphore_mem>>
      %dma_start3A = tpu.memref_slice %arg11[%mul3A_4] : memref<10240xf32, #tpu.memory_space<vmem_shared>> -> memref<640xf32, #tpu.memory_space<vmem_shared>>
      %dma_start3A_34 = tpu.memref_slice %arg5[%mul3A_2] : memref<10240xf32, #tpu.memory_space<hbm>> -> memref<640xf32, #tpu.memory_space<hbm>>
      tpu.enqueue_dma source(%dma_start3A_34 : memref<640xf32, #tpu.memory_space<hbm>>) target(%dma_start3A : memref<640xf32, #tpu.memory_space<vmem_shared>>) target_semaphore(%run_scoped3A : memref<!tpu.dma_semaphore, #tpu.memory_space<semaphore_mem>>)
      %dma_wait3A_35 = tpu.memref_slice %arg11[%mul3A_4] : memref<10240xf32, #tpu.memory_space<vmem_shared>> -> memref<640xf32, #tpu.memory_space<vmem_shared>>
      %dma_wait3A_36 = tpu.memref_slice %arg5[%mul3A_2] : memref<10240xf32, #tpu.memory_space<hbm>> -> memref<640xf32, #tpu.memory_space<hbm>>
      tpu.wait_dma2 semaphore(%run_scoped3A : memref<!tpu.dma_semaphore, #tpu.memory_space<semaphore_mem>>) src(%dma_wait3A_36 : memref<640xf32, #tpu.memory_space<hbm>>) dst(%dma_wait3A_35 : memref<640xf32, #tpu.memory_space<vmem_shared>>)
      tpu.yield
    }) : () -> ()
    %mul3A_5 = arith.constant 640 : i32
    %mul3A_6 = arith.muli %arg1, %mul3A_5 : i32
    %mul3A_7 = arith.constant 640 : i32
    %mul3A_8 = arith.muli %arg1, %mul3A_7 : i32
    "tpu.region"() ({
      %run_scoped3A = tpu.sem_alloc : memref<!tpu.dma_semaphore, #tpu.memory_space<semaphore_mem>>
      %dma_start3A = tpu.memref_slice %arg12[%mul3A_8] : memref<10240xf32, #tpu.memory_space<vmem_shared>> -> memref<640xf32, #tpu.memory_space<vmem_shared>>
      %dma_start3A_34 = tpu.memref_slice %arg5[%mul3A_6] : memref<10240xf32, #tpu.memory_space<hbm>> -> memref<640xf32, #tpu.memory_space<hbm>>
      tpu.enqueue_dma source(%dma_start3A_34 : memref<640xf32, #tpu.memory_space<hbm>>) target(%dma_start3A : memref<640xf32, #tpu.memory_space<vmem_shared>>) target_semaphore(%run_scoped3A : memref<!tpu.dma_semaphore, #tpu.memory_space<semaphore_mem>>)
      %dma_wait3A_35 = tpu.memref_slice %arg12[%mul3A_8] : memref<10240xf32, #tpu.memory_space<vmem_shared>> -> memref<640xf32, #tpu.memory_space<vmem_shared>>
      %dma_wait3A_36 = tpu.memref_slice %arg5[%mul3A_6] : memref<10240xf32, #tpu.memory_space<hbm>> -> memref<640xf32, #tpu.memory_space<hbm>>
      tpu.wait_dma2 semaphore(%run_scoped3A : memref<!tpu.dma_semaphore, #tpu.memory_space<semaphore_mem>>) src(%dma_wait3A_36 : memref<640xf32, #tpu.memory_space<hbm>>) dst(%dma_wait3A_35 : memref<640xf32, #tpu.memory_space<vmem_shared>>)
      tpu.yield
    }) : () -> ()
    "tpu.region"() ({
      %run_scoped3A = tpu.sem_alloc : memref<!tpu.dma_semaphore, #tpu.memory_space<semaphore_mem>>
      tpu.enqueue_dma source(%arg4 : memref<128xf32, #tpu.memory_space<hbm>>) target(%arg10 : memref<128xf32, #tpu.memory_space<vmem>>) target_semaphore(%run_scoped3A : memref<!tpu.dma_semaphore, #tpu.memory_space<semaphore_mem>>)
      tpu.wait_dma2 semaphore(%run_scoped3A : memref<!tpu.dma_semaphore, #tpu.memory_space<semaphore_mem>>) src(%arg4 : memref<128xf32, #tpu.memory_space<hbm>>) dst(%arg10 : memref<128xf32, #tpu.memory_space<vmem>>)
      tpu.yield
    }) : () -> ()
    "tpu.region"() ({
      %run_scoped3A = tpu.sem_alloc : memref<!tpu.dma_semaphore, #tpu.memory_space<semaphore_mem>>
      %dma_start3A = arith.constant 0 : i32
      %dma_start3A_34 = arith.constant 0 : i32
      %dma_start3A_35 = tpu.memref_slice %arg2[%add3A, %dma_start3A, %dma_start3A_34] : memref<32x81x128xi32, #tpu.memory_space<hbm>> -> memref<1x81x128xi32, #tpu.memory_space<hbm>>
      %dma_start3A_36 = tpu.memref_squeeze %dma_start3A_35 : memref<1x81x128xi32, #tpu.memory_space<hbm>> -> memref<81x128xi32, #tpu.memory_space<hbm>>
      %dma_start3A_37 = arith.constant 0 : i32
      %dma_start3A_38 = arith.constant 0 : i32
      %dma_start3A_39 = tpu.memref_slice %arg2[%add3A, %dma_start3A_37, %dma_start3A_38] : memref<32x81x128xi32, #tpu.memory_space<hbm>> -> memref<1x81x128xi32, #tpu.memory_space<hbm>>
      %dma_start3A_40 = tpu.memref_squeeze %dma_start3A_39 : memref<1x81x128xi32, #tpu.memory_space<hbm>> -> memref<81x128xi32, #tpu.memory_space<hbm>>
      tpu.enqueue_dma source(%dma_start3A_40 : memref<81x128xi32, #tpu.memory_space<hbm>>) target(%arg8 : memref<81x128xi32, #tpu.memory_space<vmem>>) target_semaphore(%run_scoped3A : memref<!tpu.dma_semaphore, #tpu.memory_space<semaphore_mem>>)
      %dma_wait3A_41 = arith.constant 0 : i32
      %dma_wait3A_42 = arith.constant 0 : i32
      %dma_wait3A_43 = tpu.memref_slice %arg2[%add3A, %dma_wait3A_41, %dma_wait3A_42] : memref<32x81x128xi32, #tpu.memory_space<hbm>> -> memref<1x81x128xi32, #tpu.memory_space<hbm>>
      %dma_wait3A_44 = tpu.memref_squeeze %dma_wait3A_43 : memref<1x81x128xi32, #tpu.memory_space<hbm>> -> memref<81x128xi32, #tpu.memory_space<hbm>>
      %dma_wait3A_45 = arith.constant 0 : i32
      %dma_wait3A_46 = arith.constant 0 : i32
      %dma_wait3A_47 = tpu.memref_slice %arg2[%add3A, %dma_wait3A_45, %dma_wait3A_46] : memref<32x81x128xi32, #tpu.memory_space<hbm>> -> memref<1x81x128xi32, #tpu.memory_space<hbm>>
      %dma_wait3A_48 = tpu.memref_squeeze %dma_wait3A_47 : memref<1x81x128xi32, #tpu.memory_space<hbm>> -> memref<81x128xi32, #tpu.memory_space<hbm>>
      tpu.wait_dma2 semaphore(%run_scoped3A : memref<!tpu.dma_semaphore, #tpu.memory_space<semaphore_mem>>) src(%dma_wait3A_48 : memref<81x128xi32, #tpu.memory_space<hbm>>) dst(%arg8 : memref<81x128xi32, #tpu.memory_space<vmem>>)
      tpu.yield
    }) : () -> ()
    "tpu.region"() ({
      %run_scoped3A = tpu.sem_alloc : memref<!tpu.dma_semaphore, #tpu.memory_space<semaphore_mem>>
      %dma_start3A = arith.constant 0 : i32
      %dma_start3A_34 = arith.constant 0 : i32
      %dma_start3A_35 = tpu.memref_slice %arg3[%add3A, %dma_start3A, %dma_start3A_34] : memref<32x81x128xi32, #tpu.memory_space<hbm>> -> memref<1x81x128xi32, #tpu.memory_space<hbm>>
      %dma_start3A_36 = tpu.memref_squeeze %dma_start3A_35 : memref<1x81x128xi32, #tpu.memory_space<hbm>> -> memref<81x128xi32, #tpu.memory_space<hbm>>
      %dma_start3A_37 = arith.constant 0 : i32
      %dma_start3A_38 = arith.constant 0 : i32
      %dma_start3A_39 = tpu.memref_slice %arg3[%add3A, %dma_start3A_37, %dma_start3A_38] : memref<32x81x128xi32, #tpu.memory_space<hbm>> -> memref<1x81x128xi32, #tpu.memory_space<hbm>>
      %dma_start3A_40 = tpu.memref_squeeze %dma_start3A_39 : memref<1x81x128xi32, #tpu.memory_space<hbm>> -> memref<81x128xi32, #tpu.memory_space<hbm>>
      tpu.enqueue_dma source(%dma_start3A_40 : memref<81x128xi32, #tpu.memory_space<hbm>>) target(%arg9 : memref<81x128xi32, #tpu.memory_space<vmem>>) target_semaphore(%run_scoped3A : memref<!tpu.dma_semaphore, #tpu.memory_space<semaphore_mem>>)
      %dma_wait3A_41 = arith.constant 0 : i32
      %dma_wait3A_42 = arith.constant 0 : i32
      %dma_wait3A_43 = tpu.memref_slice %arg3[%add3A, %dma_wait3A_41, %dma_wait3A_42] : memref<32x81x128xi32, #tpu.memory_space<hbm>> -> memref<1x81x128xi32, #tpu.memory_space<hbm>>
      %dma_wait3A_44 = tpu.memref_squeeze %dma_wait3A_43 : memref<1x81x128xi32, #tpu.memory_space<hbm>> -> memref<81x128xi32, #tpu.memory_space<hbm>>
      %dma_wait3A_45 = arith.constant 0 : i32
      %dma_wait3A_46 = arith.constant 0 : i32
      %dma_wait3A_47 = tpu.memref_slice %arg3[%add3A, %dma_wait3A_45, %dma_wait3A_46] : memref<32x81x128xi32, #tpu.memory_space<hbm>> -> memref<1x81x128xi32, #tpu.memory_space<hbm>>
      %dma_wait3A_48 = tpu.memref_squeeze %dma_wait3A_47 : memref<1x81x128xi32, #tpu.memory_space<hbm>> -> memref<81x128xi32, #tpu.memory_space<hbm>>
      tpu.wait_dma2 semaphore(%run_scoped3A : memref<!tpu.dma_semaphore, #tpu.memory_space<semaphore_mem>>) src(%dma_wait3A_48 : memref<81x128xi32, #tpu.memory_space<hbm>>) dst(%arg9 : memref<81x128xi32, #tpu.memory_space<vmem>>)
      tpu.yield
    }) : () -> ()
    %barrier3A = arith.constant 0 : index
    tpu.barrier barrier_id(%barrier3A)
    %scan3A = arith.constant 0 : i32
    %scan3A_9 = arith.constant 0 : i32
    %scan3A_10 = arith.constant 81 : i32
    %scan3A_11 = arith.addi %scan3A_9, %scan3A_10 : i32
    %scan3A_12 = arith.constant 1 : i32
    scf.for %scan3A_34 = %scan3A_9 to %scan3A_11 step %scan3A_12  : i32 {
      %gt3A = arith.constant 0 : i32
      %gt3A_35 = arith.cmpi sgt, %scan3A_34, %gt3A : i32
      %convert_element_type3A = arith.extui %gt3A_35 : i1 to i32
      %cond3A = arith.constant 0 : i32
      %cond3A_36 = arith.cmpi ne, %convert_element_type3A, %cond3A : i32
      scf.if %cond3A_36 {
        %dma_wait3A_46 = arith.constant 0 : i32
        %dma_wait3A_47 = arith.constant 0 : i32
        %dma_wait3A_48 = tpu.memref_slice %arg8[%dma_wait3A_46, %dma_wait3A_47] : memref<81x128xi32, #tpu.memory_space<vmem>> -> memref<1x128xi32, #tpu.memory_space<vmem>>
        %dma_wait3A_49 = tpu.memref_squeeze %dma_wait3A_48 : memref<1x128xi32, #tpu.memory_space<vmem>> -> memref<128xi32, #tpu.memory_space<vmem>>
        %dma_wait3A_50 = arith.constant 0 : i32
        %dma_wait3A_51 = tpu.memref_slice %arg11[%dma_wait3A_50] : memref<10240xf32, #tpu.memory_space<vmem_shared>> -> memref<10240xf32, #tpu.memory_space<vmem_shared>>
        tpu.wait_indirect_dma semaphore(%arg13 : memref<!tpu.dma_semaphore, #tpu.memory_space<semaphore_mem>>) src(%arg10 : memref<128xf32, #tpu.memory_space<vmem>>) dst(%dma_wait3A_51 : memref<10240xf32, #tpu.memory_space<vmem_shared>>)
        %dma_wait3A_52 = arith.constant 0 : i32
        %dma_wait3A_53 = arith.constant 0 : i32
        %dma_wait3A_54 = tpu.memref_slice %arg9[%dma_wait3A_52, %dma_wait3A_53] : memref<81x128xi32, #tpu.memory_space<vmem>> -> memref<1x128xi32, #tpu.memory_space<vmem>>
        %dma_wait3A_55 = tpu.memref_squeeze %dma_wait3A_54 : memref<1x128xi32, #tpu.memory_space<vmem>> -> memref<128xi32, #tpu.memory_space<vmem>>
        %dma_wait3A_56 = arith.constant 0 : i32
        %dma_wait3A_57 = tpu.memref_slice %arg12[%dma_wait3A_56] : memref<10240xf32, #tpu.memory_space<vmem_shared>> -> memref<10240xf32, #tpu.memory_space<vmem_shared>>
        tpu.wait_indirect_dma semaphore(%arg14 : memref<!tpu.dma_semaphore, #tpu.memory_space<semaphore_mem>>) src(%arg10 : memref<128xf32, #tpu.memory_space<vmem>>) dst(%dma_wait3A_57 : memref<10240xf32, #tpu.memory_space<vmem_shared>>)
      } else {
      }
      %dma_start3A = arith.constant 0 : i32
      %dma_start3A_37 = tpu.memref_slice %arg8[%scan3A_34, %dma_start3A] : memref<81x128xi32, #tpu.memory_space<vmem>> -> memref<1x128xi32, #tpu.memory_space<vmem>>
      %dma_start3A_38 = tpu.memref_squeeze %dma_start3A_37 : memref<1x128xi32, #tpu.memory_space<vmem>> -> memref<128xi32, #tpu.memory_space<vmem>>
      %dma_start3A_39 = arith.constant 0 : i32
      %dma_start3A_40 = tpu.memref_slice %arg11[%dma_start3A_39] : memref<10240xf32, #tpu.memory_space<vmem_shared>> -> memref<10240xf32, #tpu.memory_space<vmem_shared>>
      tpu.enqueue_indirect_dma source(%arg10 : memref<128xf32, #tpu.memory_space<vmem>>) target(%dma_start3A_40 : memref<10240xf32, #tpu.memory_space<vmem_shared>>) offsets(%dma_start3A_38 : memref<128xi32, #tpu.memory_space<vmem>>) semaphore(%arg13 : memref<!tpu.dma_semaphore, #tpu.memory_space<semaphore_mem>>) {add = true}
      %dma_start3A_41 = arith.constant 0 : i32
      %dma_start3A_42 = tpu.memref_slice %arg9[%scan3A_34, %dma_start3A_41] : memref<81x128xi32, #tpu.memory_space<vmem>> -> memref<1x128xi32, #tpu.memory_space<vmem>>
      %dma_start3A_43 = tpu.memref_squeeze %dma_start3A_42 : memref<1x128xi32, #tpu.memory_space<vmem>> -> memref<128xi32, #tpu.memory_space<vmem>>
      %dma_start3A_44 = arith.constant 0 : i32
      %dma_start3A_45 = tpu.memref_slice %arg12[%dma_start3A_44] : memref<10240xf32, #tpu.memory_space<vmem_shared>> -> memref<10240xf32, #tpu.memory_space<vmem_shared>>
      tpu.enqueue_indirect_dma source(%arg10 : memref<128xf32, #tpu.memory_space<vmem>>) target(%dma_start3A_45 : memref<10240xf32, #tpu.memory_space<vmem_shared>>) offsets(%dma_start3A_43 : memref<128xi32, #tpu.memory_space<vmem>>) semaphore(%arg14 : memref<!tpu.dma_semaphore, #tpu.memory_space<semaphore_mem>>) {add = true}
    }
    %scan3A_13 = arith.constant 81 : i32
    %dma_wait3A = arith.constant 0 : i32
    %dma_wait3A_14 = arith.constant 0 : i32
    %dma_wait3A_15 = tpu.memref_slice %arg8[%dma_wait3A, %dma_wait3A_14] : memref<81x128xi32, #tpu.memory_space<vmem>> -> memref<1x128xi32, #tpu.memory_space<vmem>>
    %dma_wait3A_16 = tpu.memref_squeeze %dma_wait3A_15 : memref<1x128xi32, #tpu.memory_space<vmem>> -> memref<128xi32, #tpu.memory_space<vmem>>
    %dma_wait3A_17 = arith.constant 0 : i32
    %dma_wait3A_18 = tpu.memref_slice %arg11[%dma_wait3A_17] : memref<10240xf32, #tpu.memory_space<vmem_shared>> -> memref<10240xf32, #tpu.memory_space<vmem_shared>>
    tpu.wait_indirect_dma semaphore(%arg13 : memref<!tpu.dma_semaphore, #tpu.memory_space<semaphore_mem>>) src(%arg10 : memref<128xf32, #tpu.memory_space<vmem>>) dst(%dma_wait3A_18 : memref<10240xf32, #tpu.memory_space<vmem_shared>>)
    %dma_wait3A_19 = arith.constant 0 : i32
    %dma_wait3A_20 = arith.constant 0 : i32
    %dma_wait3A_21 = tpu.memref_slice %arg9[%dma_wait3A_19, %dma_wait3A_20] : memref<81x128xi32, #tpu.memory_space<vmem>> -> memref<1x128xi32, #tpu.memory_space<vmem>>
    %dma_wait3A_22 = tpu.memref_squeeze %dma_wait3A_21 : memref<1x128xi32, #tpu.memory_space<vmem>> -> memref<128xi32, #tpu.memory_space<vmem>>
    %dma_wait3A_23 = arith.constant 0 : i32
    %dma_wait3A_24 = tpu.memref_slice %arg12[%dma_wait3A_23] : memref<10240xf32, #tpu.memory_space<vmem_shared>> -> memref<10240xf32, #tpu.memory_space<vmem_shared>>
    tpu.wait_indirect_dma semaphore(%arg14 : memref<!tpu.dma_semaphore, #tpu.memory_space<semaphore_mem>>) src(%arg10 : memref<128xf32, #tpu.memory_space<vmem>>) dst(%dma_wait3A_24 : memref<10240xf32, #tpu.memory_space<vmem_shared>>)
    %barrier3A_25 = arith.constant 0 : index
    tpu.barrier barrier_id(%barrier3A_25)
    %mul3A_26 = arith.constant 640 : i32
    %mul3A_27 = arith.muli %arg1, %mul3A_26 : i32
    %mul3A_28 = arith.constant 640 : i32
    %mul3A_29 = arith.muli %arg1, %mul3A_28 : i32
    "tpu.region"() ({
      %run_scoped3A = tpu.sem_alloc : memref<!tpu.dma_semaphore, #tpu.memory_space<semaphore_mem>>
      %dma_start3A = tpu.memref_slice %arg6[%arg0, %mul3A_29] : memref<2x10240xf32, #tpu.memory_space<hbm>> -> memref<1x640xf32, #tpu.memory_space<hbm>>
      %dma_start3A_34 = tpu.memref_squeeze %dma_start3A : memref<1x640xf32, #tpu.memory_space<hbm>> -> memref<640xf32, #tpu.memory_space<hbm>>
      %dma_start3A_35 = tpu.memref_slice %arg11[%mul3A_27] : memref<10240xf32, #tpu.memory_space<vmem_shared>> -> memref<640xf32, #tpu.memory_space<vmem_shared>>
      tpu.enqueue_dma source(%dma_start3A_35 : memref<640xf32, #tpu.memory_space<vmem_shared>>) target(%dma_start3A_34 : memref<640xf32, #tpu.memory_space<hbm>>) target_semaphore(%run_scoped3A : memref<!tpu.dma_semaphore, #tpu.memory_space<semaphore_mem>>)
      %dma_wait3A_36 = tpu.memref_slice %arg6[%arg0, %mul3A_29] : memref<2x10240xf32, #tpu.memory_space<hbm>> -> memref<1x640xf32, #tpu.memory_space<hbm>>
      %dma_wait3A_37 = tpu.memref_squeeze %dma_wait3A_36 : memref<1x640xf32, #tpu.memory_space<hbm>> -> memref<640xf32, #tpu.memory_space<hbm>>
      %dma_wait3A_38 = tpu.memref_slice %arg11[%mul3A_27] : memref<10240xf32, #tpu.memory_space<vmem_shared>> -> memref<640xf32, #tpu.memory_space<vmem_shared>>
      tpu.wait_dma2 semaphore(%run_scoped3A : memref<!tpu.dma_semaphore, #tpu.memory_space<semaphore_mem>>) src(%dma_wait3A_38 : memref<640xf32, #tpu.memory_space<vmem_shared>>) dst(%dma_wait3A_37 : memref<640xf32, #tpu.memory_space<hbm>>)
      tpu.yield
    }) : () -> ()
    %mul3A_30 = arith.constant 640 : i32
    %mul3A_31 = arith.muli %arg1, %mul3A_30 : i32
    %mul3A_32 = arith.constant 640 : i32
    %mul3A_33 = arith.muli %arg1, %mul3A_32 : i32
    "tpu.region"() ({
      %run_scoped3A = tpu.sem_alloc : memref<!tpu.dma_semaphore, #tpu.memory_space<semaphore_mem>>
      %dma_start3A = tpu.memref_slice %arg7[%arg0, %mul3A_33] : memref<2x10240xf32, #tpu.memory_space<hbm>> -> memref<1x640xf32, #tpu.memory_space<hbm>>
      %dma_start3A_34 = tpu.memref_squeeze %dma_start3A : memref<1x640xf32, #tpu.memory_space<hbm>> -> memref<640xf32, #tpu.memory_space<hbm>>
      %dma_start3A_35 = tpu.memref_slice %arg12[%mul3A_31] : memref<10240xf32, #tpu.memory_space<vmem_shared>> -> memref<640xf32, #tpu.memory_space<vmem_shared>>
      tpu.enqueue_dma source(%dma_start3A_35 : memref<640xf32, #tpu.memory_space<vmem_shared>>) target(%dma_start3A_34 : memref<640xf32, #tpu.memory_space<hbm>>) target_semaphore(%run_scoped3A : memref<!tpu.dma_semaphore, #tpu.memory_space<semaphore_mem>>)
      %dma_wait3A_36 = tpu.memref_slice %arg7[%arg0, %mul3A_33] : memref<2x10240xf32, #tpu.memory_space<hbm>> -> memref<1x640xf32, #tpu.memory_space<hbm>>
      %dma_wait3A_37 = tpu.memref_squeeze %dma_wait3A_36 : memref<1x640xf32, #tpu.memory_space<hbm>> -> memref<640xf32, #tpu.memory_space<hbm>>
      %dma_wait3A_38 = tpu.memref_slice %arg12[%mul3A_31] : memref<10240xf32, #tpu.memory_space<vmem_shared>> -> memref<640xf32, #tpu.memory_space<vmem_shared>>
      tpu.wait_dma2 semaphore(%run_scoped3A : memref<!tpu.dma_semaphore, #tpu.memory_space<semaphore_mem>>) src(%dma_wait3A_38 : memref<640xf32, #tpu.memory_space<vmem_shared>>) dst(%dma_wait3A_37 : memref<640xf32, #tpu.memory_space<hbm>>)
      tpu.yield
    }) : () -> ()
    return
  }
}

#map = affine_map<(d0, d1) -> (0, 0)>
#map1 = affine_map<(d0, d1) -> (0, 0, 0)>
#map2 = affine_map<(d0, d1) -> (0, 0, 0, 0)>
module attributes {stable_mosaic.version = 14 : i64} {
  func.func @_layer_body(%arg0: i32, %arg1: i32, %arg2: memref<10240x64xf32, #tpu.memory_space<hbm>>, %arg3: memref<10240x64xf32, #tpu.memory_space<hbm>>, %arg4: memref<16x162x128xi32, #tpu.memory_space<hbm>>, %arg5: memref<16x54x3x128xi32, #tpu.memory_space<hbm>>, %arg6: memref<10240x64xf32, #tpu.memory_space<hbm>>, %arg7: memref<2x10240x64xf32, #tpu.memory_space<hbm>>, %arg8: memref<162x128xi32, #tpu.memory_space<vmem>>, %arg9: memref<3x128xi32, #tpu.memory_space<vmem>>, %arg10: memref<3x128xi32, #tpu.memory_space<vmem>>, %arg11: memref<128x64xf32, #tpu.memory_space<vmem>>, %arg12: memref<128x64xf32, #tpu.memory_space<vmem>>, %arg13: memref<128x64xf32, #tpu.memory_space<vmem>>, %arg14: memref<10240x64xf32, #tpu.memory_space<vmem_shared>>, %arg15: memref<10240x64xf32, #tpu.memory_space<vmem_shared>>, %arg16: memref<!tpu.dma_semaphore, #tpu.memory_space<semaphore_mem>>, %arg17: memref<!tpu.dma_semaphore, #tpu.memory_space<semaphore_mem>>, %arg18: memref<!tpu.dma_semaphore, #tpu.memory_space<semaphore_mem>>, %arg19: memref<!tpu.dma_semaphore, #tpu.memory_space<semaphore_mem>>, %arg20: memref<!tpu.dma_semaphore, #tpu.memory_space<semaphore_mem>>, %arg21: memref<!tpu.dma_semaphore, #tpu.memory_space<semaphore_mem>>, %arg22: memref<!tpu.dma_semaphore, #tpu.memory_space<semaphore_mem>>, %arg23: memref<!tpu.dma_semaphore, #tpu.memory_space<semaphore_mem>>) attributes {dimension_semantics = [#tpu.dimension_semantics<core_parallel>, #tpu.dimension_semantics<subcore_parallel>], iteration_bounds = array<i64: 2, 16>, scalar_prefetch = 0 : i64, scratch_operands = 16 : i64, tpu.core_type = #tpu.core_type<sc_vector_subcore>, window_params = [{transform_indices = #map}, {transform_indices = #map}, {transform_indices = #map1}, {transform_indices = #map2}, {transform_indices = #map}, {transform_indices = #map1}]} {
    %mul3A = arith.constant 640 : i32
    %mul3A_0 = arith.muli %arg1, %mul3A : i32
    %mul3A_1 = arith.constant 640 : i32
    %mul3A_2 = arith.muli %arg1, %mul3A_1 : i32
    "tpu.region"() ({
      %run_scoped3A = tpu.sem_alloc : memref<!tpu.dma_semaphore, #tpu.memory_space<semaphore_mem>>
      %dma_start3A_240 = arith.constant 0 : i32
      %dma_start3A_241 = tpu.memref_slice %arg15[%mul3A_2, %dma_start3A_240] : memref<10240x64xf32, #tpu.memory_space<vmem_shared>> -> memref<640x64xf32, #tpu.memory_space<vmem_shared>>
      %dma_start3A_242 = arith.constant 0 : i32
      %dma_start3A_243 = tpu.memref_slice %arg6[%mul3A_0, %dma_start3A_242] : memref<10240x64xf32, #tpu.memory_space<hbm>> -> memref<640x64xf32, #tpu.memory_space<hbm>>
      tpu.enqueue_dma source(%dma_start3A_243 : memref<640x64xf32, #tpu.memory_space<hbm>>) target(%dma_start3A_241 : memref<640x64xf32, #tpu.memory_space<vmem_shared>>) target_semaphore(%run_scoped3A : memref<!tpu.dma_semaphore, #tpu.memory_space<semaphore_mem>>)
      %dma_wait3A_244 = arith.constant 0 : i32
      %dma_wait3A_245 = tpu.memref_slice %arg15[%mul3A_2, %dma_wait3A_244] : memref<10240x64xf32, #tpu.memory_space<vmem_shared>> -> memref<640x64xf32, #tpu.memory_space<vmem_shared>>
      %dma_wait3A_246 = arith.constant 0 : i32
      %dma_wait3A_247 = tpu.memref_slice %arg6[%mul3A_0, %dma_wait3A_246] : memref<10240x64xf32, #tpu.memory_space<hbm>> -> memref<640x64xf32, #tpu.memory_space<hbm>>
      tpu.wait_dma2 semaphore(%run_scoped3A : memref<!tpu.dma_semaphore, #tpu.memory_space<semaphore_mem>>) src(%dma_wait3A_247 : memref<640x64xf32, #tpu.memory_space<hbm>>) dst(%dma_wait3A_245 : memref<640x64xf32, #tpu.memory_space<vmem_shared>>)
      tpu.yield
    }) : () -> ()
    %eq3A = arith.constant 0 : i32
    %eq3A_3 = arith.cmpi eq, %arg0, %eq3A : i32
    %convert_element_type3A = arith.extui %eq3A_3 : i1 to i32
    %cond3A = arith.constant 0 : i32
    %cond3A_4 = arith.cmpi ne, %convert_element_type3A, %cond3A : i32
    scf.if %cond3A_4 {
      %mul3A_240 = arith.constant 640 : i32
      %mul3A_241 = arith.muli %arg1, %mul3A_240 : i32
      %mul3A_242 = arith.constant 640 : i32
      %mul3A_243 = arith.muli %arg1, %mul3A_242 : i32
      "tpu.region"() ({
        %run_scoped3A = tpu.sem_alloc : memref<!tpu.dma_semaphore, #tpu.memory_space<semaphore_mem>>
        %dma_start3A_244 = arith.constant 0 : i32
        %dma_start3A_245 = tpu.memref_slice %arg14[%mul3A_243, %dma_start3A_244] : memref<10240x64xf32, #tpu.memory_space<vmem_shared>> -> memref<640x64xf32, #tpu.memory_space<vmem_shared>>
        %dma_start3A_246 = arith.constant 0 : i32
        %dma_start3A_247 = tpu.memref_slice %arg2[%mul3A_241, %dma_start3A_246] : memref<10240x64xf32, #tpu.memory_space<hbm>> -> memref<640x64xf32, #tpu.memory_space<hbm>>
        tpu.enqueue_dma source(%dma_start3A_247 : memref<640x64xf32, #tpu.memory_space<hbm>>) target(%dma_start3A_245 : memref<640x64xf32, #tpu.memory_space<vmem_shared>>) target_semaphore(%run_scoped3A : memref<!tpu.dma_semaphore, #tpu.memory_space<semaphore_mem>>)
        %dma_wait3A_248 = arith.constant 0 : i32
        %dma_wait3A_249 = tpu.memref_slice %arg14[%mul3A_243, %dma_wait3A_248] : memref<10240x64xf32, #tpu.memory_space<vmem_shared>> -> memref<640x64xf32, #tpu.memory_space<vmem_shared>>
        %dma_wait3A_250 = arith.constant 0 : i32
        %dma_wait3A_251 = tpu.memref_slice %arg2[%mul3A_241, %dma_wait3A_250] : memref<10240x64xf32, #tpu.memory_space<hbm>> -> memref<640x64xf32, #tpu.memory_space<hbm>>
        tpu.wait_dma2 semaphore(%run_scoped3A : memref<!tpu.dma_semaphore, #tpu.memory_space<semaphore_mem>>) src(%dma_wait3A_251 : memref<640x64xf32, #tpu.memory_space<hbm>>) dst(%dma_wait3A_249 : memref<640x64xf32, #tpu.memory_space<vmem_shared>>)
        tpu.yield
      }) : () -> ()
    } else {
    }
    %eq3A_5 = arith.constant 1 : i32
    %eq3A_6 = arith.cmpi eq, %arg0, %eq3A_5 : i32
    %convert_element_type3A_7 = arith.extui %eq3A_6 : i1 to i32
    %cond3A_8 = arith.constant 0 : i32
    %cond3A_9 = arith.cmpi ne, %convert_element_type3A_7, %cond3A_8 : i32
    scf.if %cond3A_9 {
      %mul3A_240 = arith.constant 640 : i32
      %mul3A_241 = arith.muli %arg1, %mul3A_240 : i32
      %mul3A_242 = arith.constant 640 : i32
      %mul3A_243 = arith.muli %arg1, %mul3A_242 : i32
      "tpu.region"() ({
        %run_scoped3A = tpu.sem_alloc : memref<!tpu.dma_semaphore, #tpu.memory_space<semaphore_mem>>
        %dma_start3A_244 = arith.constant 0 : i32
        %dma_start3A_245 = tpu.memref_slice %arg14[%mul3A_243, %dma_start3A_244] : memref<10240x64xf32, #tpu.memory_space<vmem_shared>> -> memref<640x64xf32, #tpu.memory_space<vmem_shared>>
        %dma_start3A_246 = arith.constant 0 : i32
        %dma_start3A_247 = tpu.memref_slice %arg3[%mul3A_241, %dma_start3A_246] : memref<10240x64xf32, #tpu.memory_space<hbm>> -> memref<640x64xf32, #tpu.memory_space<hbm>>
        tpu.enqueue_dma source(%dma_start3A_247 : memref<640x64xf32, #tpu.memory_space<hbm>>) target(%dma_start3A_245 : memref<640x64xf32, #tpu.memory_space<vmem_shared>>) target_semaphore(%run_scoped3A : memref<!tpu.dma_semaphore, #tpu.memory_space<semaphore_mem>>)
        %dma_wait3A_248 = arith.constant 0 : i32
        %dma_wait3A_249 = tpu.memref_slice %arg14[%mul3A_243, %dma_wait3A_248] : memref<10240x64xf32, #tpu.memory_space<vmem_shared>> -> memref<640x64xf32, #tpu.memory_space<vmem_shared>>
        %dma_wait3A_250 = arith.constant 0 : i32
        %dma_wait3A_251 = tpu.memref_slice %arg3[%mul3A_241, %dma_wait3A_250] : memref<10240x64xf32, #tpu.memory_space<hbm>> -> memref<640x64xf32, #tpu.memory_space<hbm>>
        tpu.wait_dma2 semaphore(%run_scoped3A : memref<!tpu.dma_semaphore, #tpu.memory_space<semaphore_mem>>) src(%dma_wait3A_251 : memref<640x64xf32, #tpu.memory_space<hbm>>) dst(%dma_wait3A_249 : memref<640x64xf32, #tpu.memory_space<vmem_shared>>)
        tpu.yield
      }) : () -> ()
    } else {
    }
    "tpu.region"() ({
      %run_scoped3A = tpu.sem_alloc : memref<!tpu.dma_semaphore, #tpu.memory_space<semaphore_mem>>
      %dma_start3A_240 = arith.constant 0 : i32
      %dma_start3A_241 = arith.constant 0 : i32
      %dma_start3A_242 = tpu.memref_slice %arg4[%arg1, %dma_start3A_240, %dma_start3A_241] : memref<16x162x128xi32, #tpu.memory_space<hbm>> -> memref<1x162x128xi32, #tpu.memory_space<hbm>>
      %dma_start3A_243 = tpu.memref_squeeze %dma_start3A_242 : memref<1x162x128xi32, #tpu.memory_space<hbm>> -> memref<162x128xi32, #tpu.memory_space<hbm>>
      %dma_start3A_244 = arith.constant 0 : i32
      %dma_start3A_245 = arith.constant 0 : i32
      %dma_start3A_246 = tpu.memref_slice %arg4[%arg1, %dma_start3A_244, %dma_start3A_245] : memref<16x162x128xi32, #tpu.memory_space<hbm>> -> memref<1x162x128xi32, #tpu.memory_space<hbm>>
      %dma_start3A_247 = tpu.memref_squeeze %dma_start3A_246 : memref<1x162x128xi32, #tpu.memory_space<hbm>> -> memref<162x128xi32, #tpu.memory_space<hbm>>
      tpu.enqueue_dma source(%dma_start3A_247 : memref<162x128xi32, #tpu.memory_space<hbm>>) target(%arg8 : memref<162x128xi32, #tpu.memory_space<vmem>>) target_semaphore(%run_scoped3A : memref<!tpu.dma_semaphore, #tpu.memory_space<semaphore_mem>>)
      %dma_wait3A_248 = arith.constant 0 : i32
      %dma_wait3A_249 = arith.constant 0 : i32
      %dma_wait3A_250 = tpu.memref_slice %arg4[%arg1, %dma_wait3A_248, %dma_wait3A_249] : memref<16x162x128xi32, #tpu.memory_space<hbm>> -> memref<1x162x128xi32, #tpu.memory_space<hbm>>
      %dma_wait3A_251 = tpu.memref_squeeze %dma_wait3A_250 : memref<1x162x128xi32, #tpu.memory_space<hbm>> -> memref<162x128xi32, #tpu.memory_space<hbm>>
      %dma_wait3A_252 = arith.constant 0 : i32
      %dma_wait3A_253 = arith.constant 0 : i32
      %dma_wait3A_254 = tpu.memref_slice %arg4[%arg1, %dma_wait3A_252, %dma_wait3A_253] : memref<16x162x128xi32, #tpu.memory_space<hbm>> -> memref<1x162x128xi32, #tpu.memory_space<hbm>>
      %dma_wait3A_255 = tpu.memref_squeeze %dma_wait3A_254 : memref<1x162x128xi32, #tpu.memory_space<hbm>> -> memref<162x128xi32, #tpu.memory_space<hbm>>
      tpu.wait_dma2 semaphore(%run_scoped3A : memref<!tpu.dma_semaphore, #tpu.memory_space<semaphore_mem>>) src(%dma_wait3A_255 : memref<162x128xi32, #tpu.memory_space<hbm>>) dst(%arg8 : memref<162x128xi32, #tpu.memory_space<vmem>>)
      tpu.yield
    }) : () -> ()
    %dma_start3A = arith.constant 0 : i32
    %dma_start3A_10 = arith.constant 0 : i32
    %dma_start3A_11 = arith.constant 0 : i32
    %dma_start3A_12 = tpu.memref_slice %arg5[%arg1, %dma_start3A, %dma_start3A_10, %dma_start3A_11] : memref<16x54x3x128xi32, #tpu.memory_space<hbm>> -> memref<1x1x3x128xi32, #tpu.memory_space<hbm>>
    %dma_start3A_13 = tpu.memref_squeeze %dma_start3A_12 : memref<1x1x3x128xi32, #tpu.memory_space<hbm>> -> memref<3x128xi32, #tpu.memory_space<hbm>>
    %dma_start3A_14 = arith.constant 0 : i32
    %dma_start3A_15 = arith.constant 0 : i32
    %dma_start3A_16 = tpu.memref_slice %arg5[%arg1, %dma_start3A, %dma_start3A_14, %dma_start3A_15] : memref<16x54x3x128xi32, #tpu.memory_space<hbm>> -> memref<1x1x3x128xi32, #tpu.memory_space<hbm>>
    %dma_start3A_17 = tpu.memref_squeeze %dma_start3A_16 : memref<1x1x3x128xi32, #tpu.memory_space<hbm>> -> memref<3x128xi32, #tpu.memory_space<hbm>>
    tpu.enqueue_dma source(%dma_start3A_17 : memref<3x128xi32, #tpu.memory_space<hbm>>) target(%arg9 : memref<3x128xi32, #tpu.memory_space<vmem>>) target_semaphore(%arg16 : memref<!tpu.dma_semaphore, #tpu.memory_space<semaphore_mem>>)
    %barrier3A = arith.constant 0 : index
    tpu.barrier barrier_id(%barrier3A)
    %dma_start3A_18 = arith.constant 0 : i32
    %dma_start3A_19 = arith.constant 0 : i32
    %dma_start3A_20 = tpu.memref_slice %arg8[%dma_start3A_18, %dma_start3A_19] : memref<162x128xi32, #tpu.memory_space<vmem>> -> memref<1x128xi32, #tpu.memory_space<vmem>>
    %dma_start3A_21 = tpu.memref_squeeze %dma_start3A_20 : memref<1x128xi32, #tpu.memory_space<vmem>> -> memref<128xi32, #tpu.memory_space<vmem>>
    %dma_start3A_22 = arith.constant 0 : i32
    %dma_start3A_23 = arith.constant 0 : i32
    %dma_start3A_24 = tpu.memref_slice %arg14[%dma_start3A_22, %dma_start3A_23] : memref<10240x64xf32, #tpu.memory_space<vmem_shared>> -> memref<10240x64xf32, #tpu.memory_space<vmem_shared>>
    tpu.enqueue_indirect_dma source(%dma_start3A_24 : memref<10240x64xf32, #tpu.memory_space<vmem_shared>>) target(%arg11 : memref<128x64xf32, #tpu.memory_space<vmem>>) offsets(%dma_start3A_21 : memref<128xi32, #tpu.memory_space<vmem>>) semaphore(%arg18 : memref<!tpu.dma_semaphore, #tpu.memory_space<semaphore_mem>>)
    %dma_start3A_25 = arith.constant 1 : i32
    %dma_start3A_26 = arith.constant 0 : i32
    %dma_start3A_27 = tpu.memref_slice %arg8[%dma_start3A_25, %dma_start3A_26] : memref<162x128xi32, #tpu.memory_space<vmem>> -> memref<1x128xi32, #tpu.memory_space<vmem>>
    %dma_start3A_28 = tpu.memref_squeeze %dma_start3A_27 : memref<1x128xi32, #tpu.memory_space<vmem>> -> memref<128xi32, #tpu.memory_space<vmem>>
    %dma_start3A_29 = arith.constant 0 : i32
    %dma_start3A_30 = arith.constant 0 : i32
    %dma_start3A_31 = tpu.memref_slice %arg14[%dma_start3A_29, %dma_start3A_30] : memref<10240x64xf32, #tpu.memory_space<vmem_shared>> -> memref<10240x64xf32, #tpu.memory_space<vmem_shared>>
    tpu.enqueue_indirect_dma source(%dma_start3A_31 : memref<10240x64xf32, #tpu.memory_space<vmem_shared>>) target(%arg12 : memref<128x64xf32, #tpu.memory_space<vmem>>) offsets(%dma_start3A_28 : memref<128xi32, #tpu.memory_space<vmem>>) semaphore(%arg19 : memref<!tpu.dma_semaphore, #tpu.memory_space<semaphore_mem>>)
    %dma_start3A_32 = arith.constant 1 : i32
    %dma_start3A_33 = arith.constant 0 : i32
    %dma_start3A_34 = arith.constant 0 : i32
    %dma_start3A_35 = tpu.memref_slice %arg5[%arg1, %dma_start3A_32, %dma_start3A_33, %dma_start3A_34] : memref<16x54x3x128xi32, #tpu.memory_space<hbm>> -> memref<1x1x3x128xi32, #tpu.memory_space<hbm>>
    %dma_start3A_36 = tpu.memref_squeeze %dma_start3A_35 : memref<1x1x3x128xi32, #tpu.memory_space<hbm>> -> memref<3x128xi32, #tpu.memory_space<hbm>>
    %dma_start3A_37 = arith.constant 0 : i32
    %dma_start3A_38 = arith.constant 0 : i32
    %dma_start3A_39 = tpu.memref_slice %arg5[%arg1, %dma_start3A_32, %dma_start3A_37, %dma_start3A_38] : memref<16x54x3x128xi32, #tpu.memory_space<hbm>> -> memref<1x1x3x128xi32, #tpu.memory_space<hbm>>
    %dma_start3A_40 = tpu.memref_squeeze %dma_start3A_39 : memref<1x1x3x128xi32, #tpu.memory_space<hbm>> -> memref<3x128xi32, #tpu.memory_space<hbm>>
    tpu.enqueue_dma source(%dma_start3A_40 : memref<3x128xi32, #tpu.memory_space<hbm>>) target(%arg10 : memref<3x128xi32, #tpu.memory_space<vmem>>) target_semaphore(%arg17 : memref<!tpu.dma_semaphore, #tpu.memory_space<semaphore_mem>>)
    %dma_start3A_41 = arith.constant 2 : i32
    %dma_start3A_42 = arith.constant 0 : i32
    %dma_start3A_43 = tpu.memref_slice %arg8[%dma_start3A_41, %dma_start3A_42] : memref<162x128xi32, #tpu.memory_space<vmem>> -> memref<1x128xi32, #tpu.memory_space<vmem>>
    %dma_start3A_44 = tpu.memref_squeeze %dma_start3A_43 : memref<1x128xi32, #tpu.memory_space<vmem>> -> memref<128xi32, #tpu.memory_space<vmem>>
    %dma_start3A_45 = arith.constant 0 : i32
    %dma_start3A_46 = arith.constant 0 : i32
    %dma_start3A_47 = tpu.memref_slice %arg14[%dma_start3A_45, %dma_start3A_46] : memref<10240x64xf32, #tpu.memory_space<vmem_shared>> -> memref<10240x64xf32, #tpu.memory_space<vmem_shared>>
    tpu.enqueue_indirect_dma source(%dma_start3A_47 : memref<10240x64xf32, #tpu.memory_space<vmem_shared>>) target(%arg13 : memref<128x64xf32, #tpu.memory_space<vmem>>) offsets(%dma_start3A_44 : memref<128xi32, #tpu.memory_space<vmem>>) semaphore(%arg20 : memref<!tpu.dma_semaphore, #tpu.memory_space<semaphore_mem>>)
    %dma_wait3A = arith.constant 0 : i32
    %dma_wait3A_48 = arith.constant 0 : i32
    %dma_wait3A_49 = arith.constant 0 : i32
    %dma_wait3A_50 = tpu.memref_slice %arg5[%arg1, %dma_wait3A, %dma_wait3A_48, %dma_wait3A_49] : memref<16x54x3x128xi32, #tpu.memory_space<hbm>> -> memref<1x1x3x128xi32, #tpu.memory_space<hbm>>
    %dma_wait3A_51 = tpu.memref_squeeze %dma_wait3A_50 : memref<1x1x3x128xi32, #tpu.memory_space<hbm>> -> memref<3x128xi32, #tpu.memory_space<hbm>>
    %dma_wait3A_52 = arith.constant 0 : i32
    %dma_wait3A_53 = arith.constant 0 : i32
    %dma_wait3A_54 = tpu.memref_slice %arg5[%arg1, %dma_wait3A, %dma_wait3A_52, %dma_wait3A_53] : memref<16x54x3x128xi32, #tpu.memory_space<hbm>> -> memref<1x1x3x128xi32, #tpu.memory_space<hbm>>
    %dma_wait3A_55 = tpu.memref_squeeze %dma_wait3A_54 : memref<1x1x3x128xi32, #tpu.memory_space<hbm>> -> memref<3x128xi32, #tpu.memory_space<hbm>>
    tpu.wait_dma2 semaphore(%arg16 : memref<!tpu.dma_semaphore, #tpu.memory_space<semaphore_mem>>) src(%dma_wait3A_55 : memref<3x128xi32, #tpu.memory_space<hbm>>) dst(%arg9 : memref<3x128xi32, #tpu.memory_space<vmem>>)
    %dma_wait3A_56 = arith.constant 0 : i32
    %dma_wait3A_57 = arith.constant 0 : i32
    %dma_wait3A_58 = tpu.memref_slice %arg8[%dma_wait3A_56, %dma_wait3A_57] : memref<162x128xi32, #tpu.memory_space<vmem>> -> memref<1x128xi32, #tpu.memory_space<vmem>>
    %dma_wait3A_59 = tpu.memref_squeeze %dma_wait3A_58 : memref<1x128xi32, #tpu.memory_space<vmem>> -> memref<128xi32, #tpu.memory_space<vmem>>
    %dma_wait3A_60 = arith.constant 0 : i32
    %dma_wait3A_61 = arith.constant 0 : i32
    %dma_wait3A_62 = tpu.memref_slice %arg14[%dma_wait3A_60, %dma_wait3A_61] : memref<10240x64xf32, #tpu.memory_space<vmem_shared>> -> memref<10240x64xf32, #tpu.memory_space<vmem_shared>>
    tpu.wait_indirect_dma semaphore(%arg18 : memref<!tpu.dma_semaphore, #tpu.memory_space<semaphore_mem>>) src(%dma_wait3A_62 : memref<10240x64xf32, #tpu.memory_space<vmem_shared>>) dst(%arg11 : memref<128x64xf32, #tpu.memory_space<vmem>>)
    %dma_start3A_63 = arith.constant 0 : i32
    %dma_start3A_64 = arith.constant 0 : i32
    %dma_start3A_65 = tpu.memref_slice %arg9[%dma_start3A_63, %dma_start3A_64] : memref<3x128xi32, #tpu.memory_space<vmem>> -> memref<1x128xi32, #tpu.memory_space<vmem>>
    %dma_start3A_66 = tpu.memref_squeeze %dma_start3A_65 : memref<1x128xi32, #tpu.memory_space<vmem>> -> memref<128xi32, #tpu.memory_space<vmem>>
    %dma_start3A_67 = arith.constant 0 : i32
    %dma_start3A_68 = arith.constant 0 : i32
    %dma_start3A_69 = tpu.memref_slice %arg15[%dma_start3A_67, %dma_start3A_68] : memref<10240x64xf32, #tpu.memory_space<vmem_shared>> -> memref<10240x64xf32, #tpu.memory_space<vmem_shared>>
    tpu.enqueue_indirect_dma source(%arg11 : memref<128x64xf32, #tpu.memory_space<vmem>>) target(%dma_start3A_69 : memref<10240x64xf32, #tpu.memory_space<vmem_shared>>) offsets(%dma_start3A_66 : memref<128xi32, #tpu.memory_space<vmem>>) semaphore(%arg21 : memref<!tpu.dma_semaphore, #tpu.memory_space<semaphore_mem>>) {add = true}
    %dma_wait3A_70 = arith.constant 1 : i32
    %dma_wait3A_71 = arith.constant 0 : i32
    %dma_wait3A_72 = tpu.memref_slice %arg8[%dma_wait3A_70, %dma_wait3A_71] : memref<162x128xi32, #tpu.memory_space<vmem>> -> memref<1x128xi32, #tpu.memory_space<vmem>>
    %dma_wait3A_73 = tpu.memref_squeeze %dma_wait3A_72 : memref<1x128xi32, #tpu.memory_space<vmem>> -> memref<128xi32, #tpu.memory_space<vmem>>
    %dma_wait3A_74 = arith.constant 0 : i32
    %dma_wait3A_75 = arith.constant 0 : i32
    %dma_wait3A_76 = tpu.memref_slice %arg14[%dma_wait3A_74, %dma_wait3A_75] : memref<10240x64xf32, #tpu.memory_space<vmem_shared>> -> memref<10240x64xf32, #tpu.memory_space<vmem_shared>>
    tpu.wait_indirect_dma semaphore(%arg19 : memref<!tpu.dma_semaphore, #tpu.memory_space<semaphore_mem>>) src(%dma_wait3A_76 : memref<10240x64xf32, #tpu.memory_space<vmem_shared>>) dst(%arg12 : memref<128x64xf32, #tpu.memory_space<vmem>>)
    %dma_wait3A_77 = arith.constant 0 : i32
    %dma_wait3A_78 = arith.constant 0 : i32
    %dma_wait3A_79 = tpu.memref_slice %arg9[%dma_wait3A_77, %dma_wait3A_78] : memref<3x128xi32, #tpu.memory_space<vmem>> -> memref<1x128xi32, #tpu.memory_space<vmem>>
    %dma_wait3A_80 = tpu.memref_squeeze %dma_wait3A_79 : memref<1x128xi32, #tpu.memory_space<vmem>> -> memref<128xi32, #tpu.memory_space<vmem>>
    %dma_wait3A_81 = arith.constant 0 : i32
    %dma_wait3A_82 = arith.constant 0 : i32
    %dma_wait3A_83 = tpu.memref_slice %arg15[%dma_wait3A_81, %dma_wait3A_82] : memref<10240x64xf32, #tpu.memory_space<vmem_shared>> -> memref<10240x64xf32, #tpu.memory_space<vmem_shared>>
    tpu.wait_indirect_dma semaphore(%arg21 : memref<!tpu.dma_semaphore, #tpu.memory_space<semaphore_mem>>) src(%arg11 : memref<128x64xf32, #tpu.memory_space<vmem>>) dst(%dma_wait3A_83 : memref<10240x64xf32, #tpu.memory_space<vmem_shared>>)
    %dma_start3A_84 = arith.constant 1 : i32
    %dma_start3A_85 = arith.constant 0 : i32
    %dma_start3A_86 = tpu.memref_slice %arg9[%dma_start3A_84, %dma_start3A_85] : memref<3x128xi32, #tpu.memory_space<vmem>> -> memref<1x128xi32, #tpu.memory_space<vmem>>
    %dma_start3A_87 = tpu.memref_squeeze %dma_start3A_86 : memref<1x128xi32, #tpu.memory_space<vmem>> -> memref<128xi32, #tpu.memory_space<vmem>>
    %dma_start3A_88 = arith.constant 0 : i32
    %dma_start3A_89 = arith.constant 0 : i32
    %dma_start3A_90 = tpu.memref_slice %arg15[%dma_start3A_88, %dma_start3A_89] : memref<10240x64xf32, #tpu.memory_space<vmem_shared>> -> memref<10240x64xf32, #tpu.memory_space<vmem_shared>>
    tpu.enqueue_indirect_dma source(%arg12 : memref<128x64xf32, #tpu.memory_space<vmem>>) target(%dma_start3A_90 : memref<10240x64xf32, #tpu.memory_space<vmem_shared>>) offsets(%dma_start3A_87 : memref<128xi32, #tpu.memory_space<vmem>>) semaphore(%arg22 : memref<!tpu.dma_semaphore, #tpu.memory_space<semaphore_mem>>) {add = true}
    %dma_wait3A_91 = arith.constant 2 : i32
    %dma_wait3A_92 = arith.constant 0 : i32
    %dma_wait3A_93 = tpu.memref_slice %arg8[%dma_wait3A_91, %dma_wait3A_92] : memref<162x128xi32, #tpu.memory_space<vmem>> -> memref<1x128xi32, #tpu.memory_space<vmem>>
    %dma_wait3A_94 = tpu.memref_squeeze %dma_wait3A_93 : memref<1x128xi32, #tpu.memory_space<vmem>> -> memref<128xi32, #tpu.memory_space<vmem>>
    %dma_wait3A_95 = arith.constant 0 : i32
    %dma_wait3A_96 = arith.constant 0 : i32
    %dma_wait3A_97 = tpu.memref_slice %arg14[%dma_wait3A_95, %dma_wait3A_96] : memref<10240x64xf32, #tpu.memory_space<vmem_shared>> -> memref<10240x64xf32, #tpu.memory_space<vmem_shared>>
    tpu.wait_indirect_dma semaphore(%arg20 : memref<!tpu.dma_semaphore, #tpu.memory_space<semaphore_mem>>) src(%dma_wait3A_97 : memref<10240x64xf32, #tpu.memory_space<vmem_shared>>) dst(%arg13 : memref<128x64xf32, #tpu.memory_space<vmem>>)
    %dma_wait3A_98 = arith.constant 1 : i32
    %dma_wait3A_99 = arith.constant 0 : i32
    %dma_wait3A_100 = tpu.memref_slice %arg9[%dma_wait3A_98, %dma_wait3A_99] : memref<3x128xi32, #tpu.memory_space<vmem>> -> memref<1x128xi32, #tpu.memory_space<vmem>>
    %dma_wait3A_101 = tpu.memref_squeeze %dma_wait3A_100 : memref<1x128xi32, #tpu.memory_space<vmem>> -> memref<128xi32, #tpu.memory_space<vmem>>
    %dma_wait3A_102 = arith.constant 0 : i32
    %dma_wait3A_103 = arith.constant 0 : i32
    %dma_wait3A_104 = tpu.memref_slice %arg15[%dma_wait3A_102, %dma_wait3A_103] : memref<10240x64xf32, #tpu.memory_space<vmem_shared>> -> memref<10240x64xf32, #tpu.memory_space<vmem_shared>>
    tpu.wait_indirect_dma semaphore(%arg22 : memref<!tpu.dma_semaphore, #tpu.memory_space<semaphore_mem>>) src(%arg12 : memref<128x64xf32, #tpu.memory_space<vmem>>) dst(%dma_wait3A_104 : memref<10240x64xf32, #tpu.memory_space<vmem_shared>>)
    %dma_start3A_105 = arith.constant 2 : i32
    %dma_start3A_106 = arith.constant 0 : i32
    %dma_start3A_107 = tpu.memref_slice %arg9[%dma_start3A_105, %dma_start3A_106] : memref<3x128xi32, #tpu.memory_space<vmem>> -> memref<1x128xi32, #tpu.memory_space<vmem>>
    %dma_start3A_108 = tpu.memref_squeeze %dma_start3A_107 : memref<1x128xi32, #tpu.memory_space<vmem>> -> memref<128xi32, #tpu.memory_space<vmem>>
    %dma_start3A_109 = arith.constant 0 : i32
    %dma_start3A_110 = arith.constant 0 : i32
    %dma_start3A_111 = tpu.memref_slice %arg15[%dma_start3A_109, %dma_start3A_110] : memref<10240x64xf32, #tpu.memory_space<vmem_shared>> -> memref<10240x64xf32, #tpu.memory_space<vmem_shared>>
    tpu.enqueue_indirect_dma source(%arg13 : memref<128x64xf32, #tpu.memory_space<vmem>>) target(%dma_start3A_111 : memref<10240x64xf32, #tpu.memory_space<vmem_shared>>) offsets(%dma_start3A_108 : memref<128xi32, #tpu.memory_space<vmem>>) semaphore(%arg23 : memref<!tpu.dma_semaphore, #tpu.memory_space<semaphore_mem>>) {add = true}
    %dma_start3A_112 = arith.constant 3 : i32
    %dma_start3A_113 = arith.constant 0 : i32
    %dma_start3A_114 = tpu.memref_slice %arg8[%dma_start3A_112, %dma_start3A_113] : memref<162x128xi32, #tpu.memory_space<vmem>> -> memref<1x128xi32, #tpu.memory_space<vmem>>
    %dma_start3A_115 = tpu.memref_squeeze %dma_start3A_114 : memref<1x128xi32, #tpu.memory_space<vmem>> -> memref<128xi32, #tpu.memory_space<vmem>>
    %dma_start3A_116 = arith.constant 0 : i32
    %dma_start3A_117 = arith.constant 0 : i32
    %dma_start3A_118 = tpu.memref_slice %arg14[%dma_start3A_116, %dma_start3A_117] : memref<10240x64xf32, #tpu.memory_space<vmem_shared>> -> memref<10240x64xf32, #tpu.memory_space<vmem_shared>>
    tpu.enqueue_indirect_dma source(%dma_start3A_118 : memref<10240x64xf32, #tpu.memory_space<vmem_shared>>) target(%arg11 : memref<128x64xf32, #tpu.memory_space<vmem>>) offsets(%dma_start3A_115 : memref<128xi32, #tpu.memory_space<vmem>>) semaphore(%arg18 : memref<!tpu.dma_semaphore, #tpu.memory_space<semaphore_mem>>)
    %dma_start3A_119 = arith.constant 4 : i32
    %dma_start3A_120 = arith.constant 0 : i32
    %dma_start3A_121 = tpu.memref_slice %arg8[%dma_start3A_119, %dma_start3A_120] : memref<162x128xi32, #tpu.memory_space<vmem>> -> memref<1x128xi32, #tpu.memory_space<vmem>>
    %dma_start3A_122 = tpu.memref_squeeze %dma_start3A_121 : memref<1x128xi32, #tpu.memory_space<vmem>> -> memref<128xi32, #tpu.memory_space<vmem>>
    %dma_start3A_123 = arith.constant 0 : i32
    %dma_start3A_124 = arith.constant 0 : i32
    %dma_start3A_125 = tpu.memref_slice %arg14[%dma_start3A_123, %dma_start3A_124] : memref<10240x64xf32, #tpu.memory_space<vmem_shared>> -> memref<10240x64xf32, #tpu.memory_space<vmem_shared>>
    tpu.enqueue_indirect_dma source(%dma_start3A_125 : memref<10240x64xf32, #tpu.memory_space<vmem_shared>>) target(%arg12 : memref<128x64xf32, #tpu.memory_space<vmem>>) offsets(%dma_start3A_122 : memref<128xi32, #tpu.memory_space<vmem>>) semaphore(%arg19 : memref<!tpu.dma_semaphore, #tpu.memory_space<semaphore_mem>>)
    %dma_wait3A_126 = arith.constant 2 : i32
    %dma_wait3A_127 = arith.constant 0 : i32
    %dma_wait3A_128 = tpu.memref_slice %arg9[%dma_wait3A_126, %dma_wait3A_127] : memref<3x128xi32, #tpu.memory_space<vmem>> -> memref<1x128xi32, #tpu.memory_space<vmem>>
    %dma_wait3A_129 = tpu.memref_squeeze %dma_wait3A_128 : memref<1x128xi32, #tpu.memory_space<vmem>> -> memref<128xi32, #tpu.memory_space<vmem>>
    %dma_wait3A_130 = arith.constant 0 : i32
    %dma_wait3A_131 = arith.constant 0 : i32
    %dma_wait3A_132 = tpu.memref_slice %arg15[%dma_wait3A_130, %dma_wait3A_131] : memref<10240x64xf32, #tpu.memory_space<vmem_shared>> -> memref<10240x64xf32, #tpu.memory_space<vmem_shared>>
    tpu.wait_indirect_dma semaphore(%arg23 : memref<!tpu.dma_semaphore, #tpu.memory_space<semaphore_mem>>) src(%arg13 : memref<128x64xf32, #tpu.memory_space<vmem>>) dst(%dma_wait3A_132 : memref<10240x64xf32, #tpu.memory_space<vmem_shared>>)
    %dma_start3A_133 = arith.constant 2 : i32
    %dma_start3A_134 = arith.constant 0 : i32
    %dma_start3A_135 = arith.constant 0 : i32
    %dma_start3A_136 = tpu.memref_slice %arg5[%arg1, %dma_start3A_133, %dma_start3A_134, %dma_start3A_135] : memref<16x54x3x128xi32, #tpu.memory_space<hbm>> -> memref<1x1x3x128xi32, #tpu.memory_space<hbm>>
    %dma_start3A_137 = tpu.memref_squeeze %dma_start3A_136 : memref<1x1x3x128xi32, #tpu.memory_space<hbm>> -> memref<3x128xi32, #tpu.memory_space<hbm>>
    %dma_start3A_138 = arith.constant 0 : i32
    %dma_start3A_139 = arith.constant 0 : i32
    %dma_start3A_140 = tpu.memref_slice %arg5[%arg1, %dma_start3A_133, %dma_start3A_138, %dma_start3A_139] : memref<16x54x3x128xi32, #tpu.memory_space<hbm>> -> memref<1x1x3x128xi32, #tpu.memory_space<hbm>>
    %dma_start3A_141 = tpu.memref_squeeze %dma_start3A_140 : memref<1x1x3x128xi32, #tpu.memory_space<hbm>> -> memref<3x128xi32, #tpu.memory_space<hbm>>
    tpu.enqueue_dma source(%dma_start3A_141 : memref<3x128xi32, #tpu.memory_space<hbm>>) target(%arg9 : memref<3x128xi32, #tpu.memory_space<vmem>>) target_semaphore(%arg16 : memref<!tpu.dma_semaphore, #tpu.memory_space<semaphore_mem>>)
    %dma_start3A_142 = arith.constant 5 : i32
    %dma_start3A_143 = arith.constant 0 : i32
    %dma_start3A_144 = tpu.memref_slice %arg8[%dma_start3A_142, %dma_start3A_143] : memref<162x128xi32, #tpu.memory_space<vmem>> -> memref<1x128xi32, #tpu.memory_space<vmem>>
    %dma_start3A_145 = tpu.memref_squeeze %dma_start3A_144 : memref<1x128xi32, #tpu.memory_space<vmem>> -> memref<128xi32, #tpu.memory_space<vmem>>
    %dma_start3A_146 = arith.constant 0 : i32
    %dma_start3A_147 = arith.constant 0 : i32
    %dma_start3A_148 = tpu.memref_slice %arg14[%dma_start3A_146, %dma_start3A_147] : memref<10240x64xf32, #tpu.memory_space<vmem_shared>> -> memref<10240x64xf32, #tpu.memory_space<vmem_shared>>
    tpu.enqueue_indirect_dma source(%dma_start3A_148 : memref<10240x64xf32, #tpu.memory_space<vmem_shared>>) target(%arg13 : memref<128x64xf32, #tpu.memory_space<vmem>>) offsets(%dma_start3A_145 : memref<128xi32, #tpu.memory_space<vmem>>) semaphore(%arg20 : memref<!tpu.dma_semaphore, #tpu.memory_space<semaphore_mem>>)
    %dma_wait3A_149 = arith.constant 1 : i32
    %dma_wait3A_150 = arith.constant 0 : i32
    %dma_wait3A_151 = arith.constant 0 : i32
    %dma_wait3A_152 = tpu.memref_slice %arg5[%arg1, %dma_wait3A_149, %dma_wait3A_150, %dma_wait3A_151] : memref<16x54x3x128xi32, #tpu.memory_space<hbm>> -> memref<1x1x3x128xi32, #tpu.memory_space<hbm>>
    %dma_wait3A_153 = tpu.memref_squeeze %dma_wait3A_152 : memref<1x1x3x128xi32, #tpu.memory_space<hbm>> -> memref<3x128xi32, #tpu.memory_space<hbm>>
    %dma_wait3A_154 = arith.constant 0 : i32
    %dma_wait3A_155 = arith.constant 0 : i32
    %dma_wait3A_156 = tpu.memref_slice %arg5[%arg1, %dma_wait3A_149, %dma_wait3A_154, %dma_wait3A_155] : memref<16x54x3x128xi32, #tpu.memory_space<hbm>> -> memref<1x1x3x128xi32, #tpu.memory_space<hbm>>
    %dma_wait3A_157 = tpu.memref_squeeze %dma_wait3A_156 : memref<1x1x3x128xi32, #tpu.memory_space<hbm>> -> memref<3x128xi32, #tpu.memory_space<hbm>>
    tpu.wait_dma2 semaphore(%arg17 : memref<!tpu.dma_semaphore, #tpu.memory_space<semaphore_mem>>) src(%dma_wait3A_157 : memref<3x128xi32, #tpu.memory_space<hbm>>) dst(%arg10 : memref<3x128xi32, #tpu.memory_space<vmem>>)
    %dma_wait3A_158 = arith.constant 3 : i32
    %dma_wait3A_159 = arith.constant 0 : i32
    %dma_wait3A_160 = tpu.memref_slice %arg8[%dma_wait3A_158, %dma_wait3A_159] : memref<162x128xi32, #tpu.memory_space<vmem>> -> memref<1x128xi32, #tpu.memory_space<vmem>>
    %dma_wait3A_161 = tpu.memref_squeeze %dma_wait3A_160 : memref<1x128xi32, #tpu.memory_space<vmem>> -> memref<128xi32, #tpu.memory_space<vmem>>
    %dma_wait3A_162 = arith.constant 0 : i32
    %dma_wait3A_163 = arith.constant 0 : i32
    %dma_wait3A_164 = tpu.memref_slice %arg14[%dma_wait3A_162, %dma_wait3A_163] : memref<10240x64xf32, #tpu.memory_space<vmem_shared>> -> memref<10240x64xf32, #tpu.memory_space<vmem_shared>>
    tpu.wait_indirect_dma semaphore(%arg18 : memref<!tpu.dma_semaphore, #tpu.memory_space<semaphore_mem>>) src(%dma_wait3A_164 : memref<10240x64xf32, #tpu.memory_space<vmem_shared>>) dst(%arg11 : memref<128x64xf32, #tpu.memory_space<vmem>>)
    %dma_start3A_165 = arith.constant 0 : i32
    %dma_start3A_166 = arith.constant 0 : i32
    %dma_start3A_167 = tpu.memref_slice %arg10[%dma_start3A_165, %dma_start3A_166] : memref<3x128xi32, #tpu.memory_space<vmem>> -> memref<1x128xi32, #tpu.memory_space<vmem>>
    %dma_start3A_168 = tpu.memref_squeeze %dma_start3A_167 : memref<1x128xi32, #tpu.memory_space<vmem>> -> memref<128xi32, #tpu.memory_space<vmem>>
    %dma_start3A_169 = arith.constant 0 : i32
    %dma_start3A_170 = arith.constant 0 : i32
    %dma_start3A_171 = tpu.memref_slice %arg15[%dma_start3A_169, %dma_start3A_170] : memref<10240x64xf32, #tpu.memory_space<vmem_shared>> -> memref<10240x64xf32, #tpu.memory_space<vmem_shared>>
    tpu.enqueue_indirect_dma source(%arg11 : memref<128x64xf32, #tpu.memory_space<vmem>>) target(%dma_start3A_171 : memref<10240x64xf32, #tpu.memory_space<vmem_shared>>) offsets(%dma_start3A_168 : memref<128xi32, #tpu.memory_space<vmem>>) semaphore(%arg21 : memref<!tpu.dma_semaphore, #tpu.memory_space<semaphore_mem>>) {add = true}
    %dma_wait3A_172 = arith.constant 4 : i32
    %dma_wait3A_173 = arith.constant 0 : i32
    %dma_wait3A_174 = tpu.memref_slice %arg8[%dma_wait3A_172, %dma_wait3A_173] : memref<162x128xi32, #tpu.memory_space<vmem>> -> memref<1x128xi32, #tpu.memory_space<vmem>>
    %dma_wait3A_175 = tpu.memref_squeeze %dma_wait3A_174 : memref<1x128xi32, #tpu.memory_space<vmem>> -> memref<128xi32, #tpu.memory_space<vmem>>
    %dma_wait3A_176 = arith.constant 0 : i32
    %dma_wait3A_177 = arith.constant 0 : i32
    %dma_wait3A_178 = tpu.memref_slice %arg14[%dma_wait3A_176, %dma_wait3A_177] : memref<10240x64xf32, #tpu.memory_space<vmem_shared>> -> memref<10240x64xf32, #tpu.memory_space<vmem_shared>>
    tpu.wait_indirect_dma semaphore(%arg19 : memref<!tpu.dma_semaphore, #tpu.memory_space<semaphore_mem>>) src(%dma_wait3A_178 : memref<10240x64xf32, #tpu.memory_space<vmem_shared>>) dst(%arg12 : memref<128x64xf32, #tpu.memory_space<vmem>>)
    %dma_wait3A_179 = arith.constant 0 : i32
    %dma_wait3A_180 = arith.constant 0 : i32
    %dma_wait3A_181 = tpu.memref_slice %arg10[%dma_wait3A_179, %dma_wait3A_180] : memref<3x128xi32, #tpu.memory_space<vmem>> -> memref<1x128xi32, #tpu.memory_space<vmem>>
    %dma_wait3A_182 = tpu.memref_squeeze %dma_wait3A_181 : memref<1x128xi32, #tpu.memory_space<vmem>> -> memref<128xi32, #tpu.memory_space<vmem>>
    %dma_wait3A_183 = arith.constant 0 : i32
    %dma_wait3A_184 = arith.constant 0 : i32
    %dma_wait3A_185 = tpu.memref_slice %arg15[%dma_wait3A_183, %dma_wait3A_184] : memref<10240x64xf32, #tpu.memory_space<vmem_shared>> -> memref<10240x64xf32, #tpu.memory_space<vmem_shared>>
    tpu.wait_indirect_dma semaphore(%arg21 : memref<!tpu.dma_semaphore, #tpu.memory_space<semaphore_mem>>) src(%arg11 : memref<128x64xf32, #tpu.memory_space<vmem>>) dst(%dma_wait3A_185 : memref<10240x64xf32, #tpu.memory_space<vmem_shared>>)
    %dma_start3A_186 = arith.constant 1 : i32
    %dma_start3A_187 = arith.constant 0 : i32
    %dma_start3A_188 = tpu.memref_slice %arg10[%dma_start3A_186, %dma_start3A_187] : memref<3x128xi32, #tpu.memory_space<vmem>> -> memref<1x128xi32, #tpu.memory_space<vmem>>
    %dma_start3A_189 = tpu.memref_squeeze %dma_start3A_188 : memref<1x128xi32, #tpu.memory_space<vmem>> -> memref<128xi32, #tpu.memory_space<vmem>>
    %dma_start3A_190 = arith.constant 0 : i32
    %dma_start3A_191 = arith.constant 0 : i32
    %dma_start3A_192 = tpu.memref_slice %arg15[%dma_start3A_190, %dma_start3A_191] : memref<10240x64xf32, #tpu.memory_space<vmem_shared>> -> memref<10240x64xf32, #tpu.memory_space<vmem_shared>>
    tpu.enqueue_indirect_dma source(%arg12 : memref<128x64xf32, #tpu.memory_space<vmem>>) target(%dma_start3A_192 : memref<10240x64xf32, #tpu.memory_space<vmem_shared>>) offsets(%dma_start3A_189 : memref<128xi32, #tpu.memory_space<vmem>>) semaphore(%arg22 : memref<!tpu.dma_semaphore, #tpu.memory_space<semaphore_mem>>) {add = true}
    %dma_wait3A_193 = arith.constant 5 : i32
    %dma_wait3A_194 = arith.constant 0 : i32
    %dma_wait3A_195 = tpu.memref_slice %arg8[%dma_wait3A_193, %dma_wait3A_194] : memref<162x128xi32, #tpu.memory_space<vmem>> -> memref<1x128xi32, #tpu.memory_space<vmem>>
    %dma_wait3A_196 = tpu.memref_squeeze %dma_wait3A_195 : memref<1x128xi32, #tpu.memory_space<vmem>> -> memref<128xi32, #tpu.memory_space<vmem>>
    %dma_wait3A_197 = arith.constant 0 : i32
    %dma_wait3A_198 = arith.constant 0 : i32
    %dma_wait3A_199 = tpu.memref_slice %arg14[%dma_wait3A_197, %dma_wait3A_198] : memref<10240x64xf32, #tpu.memory_space<vmem_shared>> -> memref<10240x64xf32, #tpu.memory_space<vmem_shared>>
    tpu.wait_indirect_dma semaphore(%arg20 : memref<!tpu.dma_semaphore, #tpu.memory_space<semaphore_mem>>) src(%dma_wait3A_199 : memref<10240x64xf32, #tpu.memory_space<vmem_shared>>) dst(%arg13 : memref<128x64xf32, #tpu.memory_space<vmem>>)
    %dma_wait3A_200 = arith.constant 1 : i32
    %dma_wait3A_201 = arith.constant 0 : i32
    %dma_wait3A_202 = tpu.memref_slice %arg10[%dma_wait3A_200, %dma_wait3A_201] : memref<3x128xi32, #tpu.memory_space<vmem>> -> memref<1x128xi32, #tpu.memory_space<vmem>>
    %dma_wait3A_203 = tpu.memref_squeeze %dma_wait3A_202 : memref<1x128xi32, #tpu.memory_space<vmem>> -> memref<128xi32, #tpu.memory_space<vmem>>
    %dma_wait3A_204 = arith.constant 0 : i32
    %dma_wait3A_205 = arith.constant 0 : i32
    %dma_wait3A_206 = tpu.memref_slice %arg15[%dma_wait3A_204, %dma_wait3A_205] : memref<10240x64xf32, #tpu.memory_space<vmem_shared>> -> memref<10240x64xf32, #tpu.memory_space<vmem_shared>>
    tpu.wait_indirect_dma semaphore(%arg22 : memref<!tpu.dma_semaphore, #tpu.memory_space<semaphore_mem>>) src(%arg12 : memref<128x64xf32, #tpu.memory_space<vmem>>) dst(%dma_wait3A_206 : memref<10240x64xf32, #tpu.memory_space<vmem_shared>>)
    %dma_start3A_207 = arith.constant 2 : i32
    %dma_start3A_208 = arith.constant 0 : i32
    %dma_start3A_209 = tpu.memref_slice %arg10[%dma_start3A_207, %dma_start3A_208] : memref<3x128xi32, #tpu.memory_space<vmem>> -> memref<1x128xi32, #tpu.memory_space<vmem>>
    %dma_start3A_210 = tpu.memref_squeeze %dma_start3A_209 : memref<1x128xi32, #tpu.memory_space<vmem>> -> memref<128xi32, #tpu.memory_space<vmem>>
    %dma_start3A_211 = arith.constant 0 : i32
    %dma_start3A_212 = arith.constant 0 : i32
    %dma_start3A_213 = tpu.memref_slice %arg15[%dma_start3A_211, %dma_start3A_212] : memref<10240x64xf32, #tpu.memory_space<vmem_shared>> -> memref<10240x64xf32, #tpu.memory_space<vmem_shared>>
    tpu.enqueue_indirect_dma source(%arg13 : memref<128x64xf32, #tpu.memory_space<vmem>>) target(%dma_start3A_213 : memref<10240x64xf32, #tpu.memory_space<vmem_shared>>) offsets(%dma_start3A_210 : memref<128xi32, #tpu.memory_space<vmem>>) semaphore(%arg23 : memref<!tpu.dma_semaphore, #tpu.memory_space<semaphore_mem>>) {add = true}
    %scan3A = arith.constant 0 : i32
    %scan3A_214 = arith.constant 1 : i32
    %scan3A_215 = arith.constant 26 : i32
    %scan3A_216 = arith.addi %scan3A_214, %scan3A_215 : i32
    %scan3A_217 = arith.constant 1 : i32
    scf.for %scan3A_240 = %scan3A_214 to %scan3A_216 step %scan3A_217  : i32 {
      %mul3A_241 = arith.constant 2 : i32
      %mul3A_242 = arith.muli %mul3A_241, %scan3A_240 : i32
      %add3A = arith.constant 1 : i32
      %add3A_243 = arith.addi %mul3A_242, %add3A : i32
      %mul3A_244 = arith.constant 3 : i32
      %mul3A_245 = arith.muli %mul3A_242, %mul3A_244 : i32
      %add3A_246 = arith.constant 0 : i32
      %add3A_247 = arith.addi %mul3A_245, %add3A_246 : i32
      %dma_start3A_248 = arith.constant 0 : i32
      %dma_start3A_249 = tpu.memref_slice %arg8[%add3A_247, %dma_start3A_248] : memref<162x128xi32, #tpu.memory_space<vmem>> -> memref<1x128xi32, #tpu.memory_space<vmem>>
      %dma_start3A_250 = tpu.memref_squeeze %dma_start3A_249 : memref<1x128xi32, #tpu.memory_space<vmem>> -> memref<128xi32, #tpu.memory_space<vmem>>
      %dma_start3A_251 = arith.constant 0 : i32
      %dma_start3A_252 = arith.constant 0 : i32
      %dma_start3A_253 = tpu.memref_slice %arg14[%dma_start3A_251, %dma_start3A_252] : memref<10240x64xf32, #tpu.memory_space<vmem_shared>> -> memref<10240x64xf32, #tpu.memory_space<vmem_shared>>
      tpu.enqueue_indirect_dma source(%dma_start3A_253 : memref<10240x64xf32, #tpu.memory_space<vmem_shared>>) target(%arg11 : memref<128x64xf32, #tpu.memory_space<vmem>>) offsets(%dma_start3A_250 : memref<128xi32, #tpu.memory_space<vmem>>) semaphore(%arg18 : memref<!tpu.dma_semaphore, #tpu.memory_space<semaphore_mem>>)
      %add3A_254 = arith.constant 1 : i32
      %add3A_255 = arith.addi %mul3A_245, %add3A_254 : i32
      %dma_start3A_256 = arith.constant 0 : i32
      %dma_start3A_257 = tpu.memref_slice %arg8[%add3A_255, %dma_start3A_256] : memref<162x128xi32, #tpu.memory_space<vmem>> -> memref<1x128xi32, #tpu.memory_space<vmem>>
      %dma_start3A_258 = tpu.memref_squeeze %dma_start3A_257 : memref<1x128xi32, #tpu.memory_space<vmem>> -> memref<128xi32, #tpu.memory_space<vmem>>
      %dma_start3A_259 = arith.constant 0 : i32
      %dma_start3A_260 = arith.constant 0 : i32
      %dma_start3A_261 = tpu.memref_slice %arg14[%dma_start3A_259, %dma_start3A_260] : memref<10240x64xf32, #tpu.memory_space<vmem_shared>> -> memref<10240x64xf32, #tpu.memory_space<vmem_shared>>
      tpu.enqueue_indirect_dma source(%dma_start3A_261 : memref<10240x64xf32, #tpu.memory_space<vmem_shared>>) target(%arg12 : memref<128x64xf32, #tpu.memory_space<vmem>>) offsets(%dma_start3A_258 : memref<128xi32, #tpu.memory_space<vmem>>) semaphore(%arg19 : memref<!tpu.dma_semaphore, #tpu.memory_space<semaphore_mem>>)
      %dma_wait3A_262 = arith.constant 2 : i32
      %dma_wait3A_263 = arith.constant 0 : i32
      %dma_wait3A_264 = tpu.memref_slice %arg10[%dma_wait3A_262, %dma_wait3A_263] : memref<3x128xi32, #tpu.memory_space<vmem>> -> memref<1x128xi32, #tpu.memory_space<vmem>>
      %dma_wait3A_265 = tpu.memref_squeeze %dma_wait3A_264 : memref<1x128xi32, #tpu.memory_space<vmem>> -> memref<128xi32, #tpu.memory_space<vmem>>
      %dma_wait3A_266 = arith.constant 0 : i32
      %dma_wait3A_267 = arith.constant 0 : i32
      %dma_wait3A_268 = tpu.memref_slice %arg15[%dma_wait3A_266, %dma_wait3A_267] : memref<10240x64xf32, #tpu.memory_space<vmem_shared>> -> memref<10240x64xf32, #tpu.memory_space<vmem_shared>>
      tpu.wait_indirect_dma semaphore(%arg23 : memref<!tpu.dma_semaphore, #tpu.memory_space<semaphore_mem>>) src(%arg13 : memref<128x64xf32, #tpu.memory_space<vmem>>) dst(%dma_wait3A_268 : memref<10240x64xf32, #tpu.memory_space<vmem_shared>>)
      %dma_start3A_269 = arith.constant 0 : i32
      %dma_start3A_270 = arith.constant 0 : i32
      %dma_start3A_271 = tpu.memref_slice %arg5[%arg1, %add3A_243, %dma_start3A_269, %dma_start3A_270] : memref<16x54x3x128xi32, #tpu.memory_space<hbm>> -> memref<1x1x3x128xi32, #tpu.memory_space<hbm>>
      %dma_start3A_272 = tpu.memref_squeeze %dma_start3A_271 : memref<1x1x3x128xi32, #tpu.memory_space<hbm>> -> memref<3x128xi32, #tpu.memory_space<hbm>>
      %dma_start3A_273 = arith.constant 0 : i32
      %dma_start3A_274 = arith.constant 0 : i32
      %dma_start3A_275 = tpu.memref_slice %arg5[%arg1, %add3A_243, %dma_start3A_273, %dma_start3A_274] : memref<16x54x3x128xi32, #tpu.memory_space<hbm>> -> memref<1x1x3x128xi32, #tpu.memory_space<hbm>>
      %dma_start3A_276 = tpu.memref_squeeze %dma_start3A_275 : memref<1x1x3x128xi32, #tpu.memory_space<hbm>> -> memref<3x128xi32, #tpu.memory_space<hbm>>
      tpu.enqueue_dma source(%dma_start3A_276 : memref<3x128xi32, #tpu.memory_space<hbm>>) target(%arg10 : memref<3x128xi32, #tpu.memory_space<vmem>>) target_semaphore(%arg17 : memref<!tpu.dma_semaphore, #tpu.memory_space<semaphore_mem>>)
      %add3A_277 = arith.constant 3 : i32
      %add3A_278 = arith.addi %mul3A_245, %add3A_277 : i32
      %sub3A = arith.constant 1 : i32
      %sub3A_279 = arith.subi %add3A_278, %sub3A : i32
      %dma_start3A_280 = arith.constant 0 : i32
      %dma_start3A_281 = tpu.memref_slice %arg8[%sub3A_279, %dma_start3A_280] : memref<162x128xi32, #tpu.memory_space<vmem>> -> memref<1x128xi32, #tpu.memory_space<vmem>>
      %dma_start3A_282 = tpu.memref_squeeze %dma_start3A_281 : memref<1x128xi32, #tpu.memory_space<vmem>> -> memref<128xi32, #tpu.memory_space<vmem>>
      %dma_start3A_283 = arith.constant 0 : i32
      %dma_start3A_284 = arith.constant 0 : i32
      %dma_start3A_285 = tpu.memref_slice %arg14[%dma_start3A_283, %dma_start3A_284] : memref<10240x64xf32, #tpu.memory_space<vmem_shared>> -> memref<10240x64xf32, #tpu.memory_space<vmem_shared>>
      tpu.enqueue_indirect_dma source(%dma_start3A_285 : memref<10240x64xf32, #tpu.memory_space<vmem_shared>>) target(%arg13 : memref<128x64xf32, #tpu.memory_space<vmem>>) offsets(%dma_start3A_282 : memref<128xi32, #tpu.memory_space<vmem>>) semaphore(%arg20 : memref<!tpu.dma_semaphore, #tpu.memory_space<semaphore_mem>>)
      %dma_wait3A_286 = arith.constant 0 : i32
      %dma_wait3A_287 = arith.constant 0 : i32
      %dma_wait3A_288 = tpu.memref_slice %arg5[%arg1, %mul3A_242, %dma_wait3A_286, %dma_wait3A_287] : memref<16x54x3x128xi32, #tpu.memory_space<hbm>> -> memref<1x1x3x128xi32, #tpu.memory_space<hbm>>
      %dma_wait3A_289 = tpu.memref_squeeze %dma_wait3A_288 : memref<1x1x3x128xi32, #tpu.memory_space<hbm>> -> memref<3x128xi32, #tpu.memory_space<hbm>>
      %dma_wait3A_290 = arith.constant 0 : i32
      %dma_wait3A_291 = arith.constant 0 : i32
      %dma_wait3A_292 = tpu.memref_slice %arg5[%arg1, %mul3A_242, %dma_wait3A_290, %dma_wait3A_291] : memref<16x54x3x128xi32, #tpu.memory_space<hbm>> -> memref<1x1x3x128xi32, #tpu.memory_space<hbm>>
      %dma_wait3A_293 = tpu.memref_squeeze %dma_wait3A_292 : memref<1x1x3x128xi32, #tpu.memory_space<hbm>> -> memref<3x128xi32, #tpu.memory_space<hbm>>
      tpu.wait_dma2 semaphore(%arg16 : memref<!tpu.dma_semaphore, #tpu.memory_space<semaphore_mem>>) src(%dma_wait3A_293 : memref<3x128xi32, #tpu.memory_space<hbm>>) dst(%arg9 : memref<3x128xi32, #tpu.memory_space<vmem>>)
      %dma_wait3A_294 = arith.constant 0 : i32
      %dma_wait3A_295 = tpu.memref_slice %arg8[%add3A_247, %dma_wait3A_294] : memref<162x128xi32, #tpu.memory_space<vmem>> -> memref<1x128xi32, #tpu.memory_space<vmem>>
      %dma_wait3A_296 = tpu.memref_squeeze %dma_wait3A_295 : memref<1x128xi32, #tpu.memory_space<vmem>> -> memref<128xi32, #tpu.memory_space<vmem>>
      %dma_wait3A_297 = arith.constant 0 : i32
      %dma_wait3A_298 = arith.constant 0 : i32
      %dma_wait3A_299 = tpu.memref_slice %arg14[%dma_wait3A_297, %dma_wait3A_298] : memref<10240x64xf32, #tpu.memory_space<vmem_shared>> -> memref<10240x64xf32, #tpu.memory_space<vmem_shared>>
      tpu.wait_indirect_dma semaphore(%arg18 : memref<!tpu.dma_semaphore, #tpu.memory_space<semaphore_mem>>) src(%dma_wait3A_299 : memref<10240x64xf32, #tpu.memory_space<vmem_shared>>) dst(%arg11 : memref<128x64xf32, #tpu.memory_space<vmem>>)
      %dma_start3A_300 = arith.constant 0 : i32
      %dma_start3A_301 = arith.constant 0 : i32
      %dma_start3A_302 = tpu.memref_slice %arg9[%dma_start3A_300, %dma_start3A_301] : memref<3x128xi32, #tpu.memory_space<vmem>> -> memref<1x128xi32, #tpu.memory_space<vmem>>
      %dma_start3A_303 = tpu.memref_squeeze %dma_start3A_302 : memref<1x128xi32, #tpu.memory_space<vmem>> -> memref<128xi32, #tpu.memory_space<vmem>>
      %dma_start3A_304 = arith.constant 0 : i32
      %dma_start3A_305 = arith.constant 0 : i32
      %dma_start3A_306 = tpu.memref_slice %arg15[%dma_start3A_304, %dma_start3A_305] : memref<10240x64xf32, #tpu.memory_space<vmem_shared>> -> memref<10240x64xf32, #tpu.memory_space<vmem_shared>>
      tpu.enqueue_indirect_dma source(%arg11 : memref<128x64xf32, #tpu.memory_space<vmem>>) target(%dma_start3A_306 : memref<10240x64xf32, #tpu.memory_space<vmem_shared>>) offsets(%dma_start3A_303 : memref<128xi32, #tpu.memory_space<vmem>>) semaphore(%arg21 : memref<!tpu.dma_semaphore, #tpu.memory_space<semaphore_mem>>) {add = true}
      %dma_wait3A_307 = arith.constant 0 : i32
      %dma_wait3A_308 = tpu.memref_slice %arg8[%add3A_255, %dma_wait3A_307] : memref<162x128xi32, #tpu.memory_space<vmem>> -> memref<1x128xi32, #tpu.memory_space<vmem>>
      %dma_wait3A_309 = tpu.memref_squeeze %dma_wait3A_308 : memref<1x128xi32, #tpu.memory_space<vmem>> -> memref<128xi32, #tpu.memory_space<vmem>>
      %dma_wait3A_310 = arith.constant 0 : i32
      %dma_wait3A_311 = arith.constant 0 : i32
      %dma_wait3A_312 = tpu.memref_slice %arg14[%dma_wait3A_310, %dma_wait3A_311] : memref<10240x64xf32, #tpu.memory_space<vmem_shared>> -> memref<10240x64xf32, #tpu.memory_space<vmem_shared>>
      tpu.wait_indirect_dma semaphore(%arg19 : memref<!tpu.dma_semaphore, #tpu.memory_space<semaphore_mem>>) src(%dma_wait3A_312 : memref<10240x64xf32, #tpu.memory_space<vmem_shared>>) dst(%arg12 : memref<128x64xf32, #tpu.memory_space<vmem>>)
      %dma_wait3A_313 = arith.constant 0 : i32
      %dma_wait3A_314 = arith.constant 0 : i32
      %dma_wait3A_315 = tpu.memref_slice %arg9[%dma_wait3A_313, %dma_wait3A_314] : memref<3x128xi32, #tpu.memory_space<vmem>> -> memref<1x128xi32, #tpu.memory_space<vmem>>
      %dma_wait3A_316 = tpu.memref_squeeze %dma_wait3A_315 : memref<1x128xi32, #tpu.memory_space<vmem>> -> memref<128xi32, #tpu.memory_space<vmem>>
      %dma_wait3A_317 = arith.constant 0 : i32
      %dma_wait3A_318 = arith.constant 0 : i32
      %dma_wait3A_319 = tpu.memref_slice %arg15[%dma_wait3A_317, %dma_wait3A_318] : memref<10240x64xf32, #tpu.memory_space<vmem_shared>> -> memref<10240x64xf32, #tpu.memory_space<vmem_shared>>
      tpu.wait_indirect_dma semaphore(%arg21 : memref<!tpu.dma_semaphore, #tpu.memory_space<semaphore_mem>>) src(%arg11 : memref<128x64xf32, #tpu.memory_space<vmem>>) dst(%dma_wait3A_319 : memref<10240x64xf32, #tpu.memory_space<vmem_shared>>)
      %dma_start3A_320 = arith.constant 1 : i32
      %dma_start3A_321 = arith.constant 0 : i32
      %dma_start3A_322 = tpu.memref_slice %arg9[%dma_start3A_320, %dma_start3A_321] : memref<3x128xi32, #tpu.memory_space<vmem>> -> memref<1x128xi32, #tpu.memory_space<vmem>>
      %dma_start3A_323 = tpu.memref_squeeze %dma_start3A_322 : memref<1x128xi32, #tpu.memory_space<vmem>> -> memref<128xi32, #tpu.memory_space<vmem>>
      %dma_start3A_324 = arith.constant 0 : i32
      %dma_start3A_325 = arith.constant 0 : i32
      %dma_start3A_326 = tpu.memref_slice %arg15[%dma_start3A_324, %dma_start3A_325] : memref<10240x64xf32, #tpu.memory_space<vmem_shared>> -> memref<10240x64xf32, #tpu.memory_space<vmem_shared>>
      tpu.enqueue_indirect_dma source(%arg12 : memref<128x64xf32, #tpu.memory_space<vmem>>) target(%dma_start3A_326 : memref<10240x64xf32, #tpu.memory_space<vmem_shared>>) offsets(%dma_start3A_323 : memref<128xi32, #tpu.memory_space<vmem>>) semaphore(%arg22 : memref<!tpu.dma_semaphore, #tpu.memory_space<semaphore_mem>>) {add = true}
      %dma_wait3A_327 = arith.constant 0 : i32
      %dma_wait3A_328 = tpu.memref_slice %arg8[%sub3A_279, %dma_wait3A_327] : memref<162x128xi32, #tpu.memory_space<vmem>> -> memref<1x128xi32, #tpu.memory_space<vmem>>
      %dma_wait3A_329 = tpu.memref_squeeze %dma_wait3A_328 : memref<1x128xi32, #tpu.memory_space<vmem>> -> memref<128xi32, #tpu.memory_space<vmem>>
      %dma_wait3A_330 = arith.constant 0 : i32
      %dma_wait3A_331 = arith.constant 0 : i32
      %dma_wait3A_332 = tpu.memref_slice %arg14[%dma_wait3A_330, %dma_wait3A_331] : memref<10240x64xf32, #tpu.memory_space<vmem_shared>> -> memref<10240x64xf32, #tpu.memory_space<vmem_shared>>
      tpu.wait_indirect_dma semaphore(%arg20 : memref<!tpu.dma_semaphore, #tpu.memory_space<semaphore_mem>>) src(%dma_wait3A_332 : memref<10240x64xf32, #tpu.memory_space<vmem_shared>>) dst(%arg13 : memref<128x64xf32, #tpu.memory_space<vmem>>)
      %dma_wait3A_333 = arith.constant 1 : i32
      %dma_wait3A_334 = arith.constant 0 : i32
      %dma_wait3A_335 = tpu.memref_slice %arg9[%dma_wait3A_333, %dma_wait3A_334] : memref<3x128xi32, #tpu.memory_space<vmem>> -> memref<1x128xi32, #tpu.memory_space<vmem>>
      %dma_wait3A_336 = tpu.memref_squeeze %dma_wait3A_335 : memref<1x128xi32, #tpu.memory_space<vmem>> -> memref<128xi32, #tpu.memory_space<vmem>>
      %dma_wait3A_337 = arith.constant 0 : i32
      %dma_wait3A_338 = arith.constant 0 : i32
      %dma_wait3A_339 = tpu.memref_slice %arg15[%dma_wait3A_337, %dma_wait3A_338] : memref<10240x64xf32, #tpu.memory_space<vmem_shared>> -> memref<10240x64xf32, #tpu.memory_space<vmem_shared>>
      tpu.wait_indirect_dma semaphore(%arg22 : memref<!tpu.dma_semaphore, #tpu.memory_space<semaphore_mem>>) src(%arg12 : memref<128x64xf32, #tpu.memory_space<vmem>>) dst(%dma_wait3A_339 : memref<10240x64xf32, #tpu.memory_space<vmem_shared>>)
      %dma_start3A_340 = arith.constant 2 : i32
      %dma_start3A_341 = arith.constant 0 : i32
      %dma_start3A_342 = tpu.memref_slice %arg9[%dma_start3A_340, %dma_start3A_341] : memref<3x128xi32, #tpu.memory_space<vmem>> -> memref<1x128xi32, #tpu.memory_space<vmem>>
      %dma_start3A_343 = tpu.memref_squeeze %dma_start3A_342 : memref<1x128xi32, #tpu.memory_space<vmem>> -> memref<128xi32, #tpu.memory_space<vmem>>
      %dma_start3A_344 = arith.constant 0 : i32
      %dma_start3A_345 = arith.constant 0 : i32
      %dma_start3A_346 = tpu.memref_slice %arg15[%dma_start3A_344, %dma_start3A_345] : memref<10240x64xf32, #tpu.memory_space<vmem_shared>> -> memref<10240x64xf32, #tpu.memory_space<vmem_shared>>
      tpu.enqueue_indirect_dma source(%arg13 : memref<128x64xf32, #tpu.memory_space<vmem>>) target(%dma_start3A_346 : memref<10240x64xf32, #tpu.memory_space<vmem_shared>>) offsets(%dma_start3A_343 : memref<128xi32, #tpu.memory_space<vmem>>) semaphore(%arg23 : memref<!tpu.dma_semaphore, #tpu.memory_space<semaphore_mem>>) {add = true}
      %add3A_347 = arith.constant 1 : i32
      %add3A_348 = arith.addi %mul3A_242, %add3A_347 : i32
      %add3A_349 = arith.constant 2 : i32
      %add3A_350 = arith.addi %mul3A_242, %add3A_349 : i32
      %rem3A = arith.constant 54 : i32
      %rem3A_351 = arith.remsi %add3A_350, %rem3A : i32
      %mul3A_352 = arith.constant 3 : i32
      %mul3A_353 = arith.muli %add3A_348, %mul3A_352 : i32
      %add3A_354 = arith.constant 0 : i32
      %add3A_355 = arith.addi %mul3A_353, %add3A_354 : i32
      %dma_start3A_356 = arith.constant 0 : i32
      %dma_start3A_357 = tpu.memref_slice %arg8[%add3A_355, %dma_start3A_356] : memref<162x128xi32, #tpu.memory_space<vmem>> -> memref<1x128xi32, #tpu.memory_space<vmem>>
      %dma_start3A_358 = tpu.memref_squeeze %dma_start3A_357 : memref<1x128xi32, #tpu.memory_space<vmem>> -> memref<128xi32, #tpu.memory_space<vmem>>
      %dma_start3A_359 = arith.constant 0 : i32
      %dma_start3A_360 = arith.constant 0 : i32
      %dma_start3A_361 = tpu.memref_slice %arg14[%dma_start3A_359, %dma_start3A_360] : memref<10240x64xf32, #tpu.memory_space<vmem_shared>> -> memref<10240x64xf32, #tpu.memory_space<vmem_shared>>
      tpu.enqueue_indirect_dma source(%dma_start3A_361 : memref<10240x64xf32, #tpu.memory_space<vmem_shared>>) target(%arg11 : memref<128x64xf32, #tpu.memory_space<vmem>>) offsets(%dma_start3A_358 : memref<128xi32, #tpu.memory_space<vmem>>) semaphore(%arg18 : memref<!tpu.dma_semaphore, #tpu.memory_space<semaphore_mem>>)
      %add3A_362 = arith.constant 1 : i32
      %add3A_363 = arith.addi %mul3A_353, %add3A_362 : i32
      %dma_start3A_364 = arith.constant 0 : i32
      %dma_start3A_365 = tpu.memref_slice %arg8[%add3A_363, %dma_start3A_364] : memref<162x128xi32, #tpu.memory_space<vmem>> -> memref<1x128xi32, #tpu.memory_space<vmem>>
      %dma_start3A_366 = tpu.memref_squeeze %dma_start3A_365 : memref<1x128xi32, #tpu.memory_space<vmem>> -> memref<128xi32, #tpu.memory_space<vmem>>
      %dma_start3A_367 = arith.constant 0 : i32
      %dma_start3A_368 = arith.constant 0 : i32
      %dma_start3A_369 = tpu.memref_slice %arg14[%dma_start3A_367, %dma_start3A_368] : memref<10240x64xf32, #tpu.memory_space<vmem_shared>> -> memref<10240x64xf32, #tpu.memory_space<vmem_shared>>
      tpu.enqueue_indirect_dma source(%dma_start3A_369 : memref<10240x64xf32, #tpu.memory_space<vmem_shared>>) target(%arg12 : memref<128x64xf32, #tpu.memory_space<vmem>>) offsets(%dma_start3A_366 : memref<128xi32, #tpu.memory_space<vmem>>) semaphore(%arg19 : memref<!tpu.dma_semaphore, #tpu.memory_space<semaphore_mem>>)
      %dma_wait3A_370 = arith.constant 2 : i32
      %dma_wait3A_371 = arith.constant 0 : i32
      %dma_wait3A_372 = tpu.memref_slice %arg9[%dma_wait3A_370, %dma_wait3A_371] : memref<3x128xi32, #tpu.memory_space<vmem>> -> memref<1x128xi32, #tpu.memory_space<vmem>>
      %dma_wait3A_373 = tpu.memref_squeeze %dma_wait3A_372 : memref<1x128xi32, #tpu.memory_space<vmem>> -> memref<128xi32, #tpu.memory_space<vmem>>
      %dma_wait3A_374 = arith.constant 0 : i32
      %dma_wait3A_375 = arith.constant 0 : i32
      %dma_wait3A_376 = tpu.memref_slice %arg15[%dma_wait3A_374, %dma_wait3A_375] : memref<10240x64xf32, #tpu.memory_space<vmem_shared>> -> memref<10240x64xf32, #tpu.memory_space<vmem_shared>>
      tpu.wait_indirect_dma semaphore(%arg23 : memref<!tpu.dma_semaphore, #tpu.memory_space<semaphore_mem>>) src(%arg13 : memref<128x64xf32, #tpu.memory_space<vmem>>) dst(%dma_wait3A_376 : memref<10240x64xf32, #tpu.memory_space<vmem_shared>>)
      %dma_start3A_377 = arith.constant 0 : i32
      %dma_start3A_378 = arith.constant 0 : i32
      %dma_start3A_379 = tpu.memref_slice %arg5[%arg1, %rem3A_351, %dma_start3A_377, %dma_start3A_378] : memref<16x54x3x128xi32, #tpu.memory_space<hbm>> -> memref<1x1x3x128xi32, #tpu.memory_space<hbm>>
      %dma_start3A_380 = tpu.memref_squeeze %dma_start3A_379 : memref<1x1x3x128xi32, #tpu.memory_space<hbm>> -> memref<3x128xi32, #tpu.memory_space<hbm>>
      %dma_start3A_381 = arith.constant 0 : i32
      %dma_start3A_382 = arith.constant 0 : i32
      %dma_start3A_383 = tpu.memref_slice %arg5[%arg1, %rem3A_351, %dma_start3A_381, %dma_start3A_382] : memref<16x54x3x128xi32, #tpu.memory_space<hbm>> -> memref<1x1x3x128xi32, #tpu.memory_space<hbm>>
      %dma_start3A_384 = tpu.memref_squeeze %dma_start3A_383 : memref<1x1x3x128xi32, #tpu.memory_space<hbm>> -> memref<3x128xi32, #tpu.memory_space<hbm>>
      tpu.enqueue_dma source(%dma_start3A_384 : memref<3x128xi32, #tpu.memory_space<hbm>>) target(%arg9 : memref<3x128xi32, #tpu.memory_space<vmem>>) target_semaphore(%arg16 : memref<!tpu.dma_semaphore, #tpu.memory_space<semaphore_mem>>)
      %add3A_385 = arith.constant 3 : i32
      %add3A_386 = arith.addi %mul3A_353, %add3A_385 : i32
      %sub3A_387 = arith.constant 1 : i32
      %sub3A_388 = arith.subi %add3A_386, %sub3A_387 : i32
      %dma_start3A_389 = arith.constant 0 : i32
      %dma_start3A_390 = tpu.memref_slice %arg8[%sub3A_388, %dma_start3A_389] : memref<162x128xi32, #tpu.memory_space<vmem>> -> memref<1x128xi32, #tpu.memory_space<vmem>>
      %dma_start3A_391 = tpu.memref_squeeze %dma_start3A_390 : memref<1x128xi32, #tpu.memory_space<vmem>> -> memref<128xi32, #tpu.memory_space<vmem>>
      %dma_start3A_392 = arith.constant 0 : i32
      %dma_start3A_393 = arith.constant 0 : i32
      %dma_start3A_394 = tpu.memref_slice %arg14[%dma_start3A_392, %dma_start3A_393] : memref<10240x64xf32, #tpu.memory_space<vmem_shared>> -> memref<10240x64xf32, #tpu.memory_space<vmem_shared>>
      tpu.enqueue_indirect_dma source(%dma_start3A_394 : memref<10240x64xf32, #tpu.memory_space<vmem_shared>>) target(%arg13 : memref<128x64xf32, #tpu.memory_space<vmem>>) offsets(%dma_start3A_391 : memref<128xi32, #tpu.memory_space<vmem>>) semaphore(%arg20 : memref<!tpu.dma_semaphore, #tpu.memory_space<semaphore_mem>>)
      %dma_wait3A_395 = arith.constant 0 : i32
      %dma_wait3A_396 = arith.constant 0 : i32
      %dma_wait3A_397 = tpu.memref_slice %arg5[%arg1, %add3A_348, %dma_wait3A_395, %dma_wait3A_396] : memref<16x54x3x128xi32, #tpu.memory_space<hbm>> -> memref<1x1x3x128xi32, #tpu.memory_space<hbm>>
      %dma_wait3A_398 = tpu.memref_squeeze %dma_wait3A_397 : memref<1x1x3x128xi32, #tpu.memory_space<hbm>> -> memref<3x128xi32, #tpu.memory_space<hbm>>
      %dma_wait3A_399 = arith.constant 0 : i32
      %dma_wait3A_400 = arith.constant 0 : i32
      %dma_wait3A_401 = tpu.memref_slice %arg5[%arg1, %add3A_348, %dma_wait3A_399, %dma_wait3A_400] : memref<16x54x3x128xi32, #tpu.memory_space<hbm>> -> memref<1x1x3x128xi32, #tpu.memory_space<hbm>>
      %dma_wait3A_402 = tpu.memref_squeeze %dma_wait3A_401 : memref<1x1x3x128xi32, #tpu.memory_space<hbm>> -> memref<3x128xi32, #tpu.memory_space<hbm>>
      tpu.wait_dma2 semaphore(%arg17 : memref<!tpu.dma_semaphore, #tpu.memory_space<semaphore_mem>>) src(%dma_wait3A_402 : memref<3x128xi32, #tpu.memory_space<hbm>>) dst(%arg10 : memref<3x128xi32, #tpu.memory_space<vmem>>)
      %dma_wait3A_403 = arith.constant 0 : i32
      %dma_wait3A_404 = tpu.memref_slice %arg8[%add3A_355, %dma_wait3A_403] : memref<162x128xi32, #tpu.memory_space<vmem>> -> memref<1x128xi32, #tpu.memory_space<vmem>>
      %dma_wait3A_405 = tpu.memref_squeeze %dma_wait3A_404 : memref<1x128xi32, #tpu.memory_space<vmem>> -> memref<128xi32, #tpu.memory_space<vmem>>
      %dma_wait3A_406 = arith.constant 0 : i32
      %dma_wait3A_407 = arith.constant 0 : i32
      %dma_wait3A_408 = tpu.memref_slice %arg14[%dma_wait3A_406, %dma_wait3A_407] : memref<10240x64xf32, #tpu.memory_space<vmem_shared>> -> memref<10240x64xf32, #tpu.memory_space<vmem_shared>>
      tpu.wait_indirect_dma semaphore(%arg18 : memref<!tpu.dma_semaphore, #tpu.memory_space<semaphore_mem>>) src(%dma_wait3A_408 : memref<10240x64xf32, #tpu.memory_space<vmem_shared>>) dst(%arg11 : memref<128x64xf32, #tpu.memory_space<vmem>>)
      %dma_start3A_409 = arith.constant 0 : i32
      %dma_start3A_410 = arith.constant 0 : i32
      %dma_start3A_411 = tpu.memref_slice %arg10[%dma_start3A_409, %dma_start3A_410] : memref<3x128xi32, #tpu.memory_space<vmem>> -> memref<1x128xi32, #tpu.memory_space<vmem>>
      %dma_start3A_412 = tpu.memref_squeeze %dma_start3A_411 : memref<1x128xi32, #tpu.memory_space<vmem>> -> memref<128xi32, #tpu.memory_space<vmem>>
      %dma_start3A_413 = arith.constant 0 : i32
      %dma_start3A_414 = arith.constant 0 : i32
      %dma_start3A_415 = tpu.memref_slice %arg15[%dma_start3A_413, %dma_start3A_414] : memref<10240x64xf32, #tpu.memory_space<vmem_shared>> -> memref<10240x64xf32, #tpu.memory_space<vmem_shared>>
      tpu.enqueue_indirect_dma source(%arg11 : memref<128x64xf32, #tpu.memory_space<vmem>>) target(%dma_start3A_415 : memref<10240x64xf32, #tpu.memory_space<vmem_shared>>) offsets(%dma_start3A_412 : memref<128xi32, #tpu.memory_space<vmem>>) semaphore(%arg21 : memref<!tpu.dma_semaphore, #tpu.memory_space<semaphore_mem>>) {add = true}
      %dma_wait3A_416 = arith.constant 0 : i32
      %dma_wait3A_417 = tpu.memref_slice %arg8[%add3A_363, %dma_wait3A_416] : memref<162x128xi32, #tpu.memory_space<vmem>> -> memref<1x128xi32, #tpu.memory_space<vmem>>
      %dma_wait3A_418 = tpu.memref_squeeze %dma_wait3A_417 : memref<1x128xi32, #tpu.memory_space<vmem>> -> memref<128xi32, #tpu.memory_space<vmem>>
      %dma_wait3A_419 = arith.constant 0 : i32
      %dma_wait3A_420 = arith.constant 0 : i32
      %dma_wait3A_421 = tpu.memref_slice %arg14[%dma_wait3A_419, %dma_wait3A_420] : memref<10240x64xf32, #tpu.memory_space<vmem_shared>> -> memref<10240x64xf32, #tpu.memory_space<vmem_shared>>
      tpu.wait_indirect_dma semaphore(%arg19 : memref<!tpu.dma_semaphore, #tpu.memory_space<semaphore_mem>>) src(%dma_wait3A_421 : memref<10240x64xf32, #tpu.memory_space<vmem_shared>>) dst(%arg12 : memref<128x64xf32, #tpu.memory_space<vmem>>)
      %dma_wait3A_422 = arith.constant 0 : i32
      %dma_wait3A_423 = arith.constant 0 : i32
      %dma_wait3A_424 = tpu.memref_slice %arg10[%dma_wait3A_422, %dma_wait3A_423] : memref<3x128xi32, #tpu.memory_space<vmem>> -> memref<1x128xi32, #tpu.memory_space<vmem>>
      %dma_wait3A_425 = tpu.memref_squeeze %dma_wait3A_424 : memref<1x128xi32, #tpu.memory_space<vmem>> -> memref<128xi32, #tpu.memory_space<vmem>>
      %dma_wait3A_426 = arith.constant 0 : i32
      %dma_wait3A_427 = arith.constant 0 : i32
      %dma_wait3A_428 = tpu.memref_slice %arg15[%dma_wait3A_426, %dma_wait3A_427] : memref<10240x64xf32, #tpu.memory_space<vmem_shared>> -> memref<10240x64xf32, #tpu.memory_space<vmem_shared>>
      tpu.wait_indirect_dma semaphore(%arg21 : memref<!tpu.dma_semaphore, #tpu.memory_space<semaphore_mem>>) src(%arg11 : memref<128x64xf32, #tpu.memory_space<vmem>>) dst(%dma_wait3A_428 : memref<10240x64xf32, #tpu.memory_space<vmem_shared>>)
      %dma_start3A_429 = arith.constant 1 : i32
      %dma_start3A_430 = arith.constant 0 : i32
      %dma_start3A_431 = tpu.memref_slice %arg10[%dma_start3A_429, %dma_start3A_430] : memref<3x128xi32, #tpu.memory_space<vmem>> -> memref<1x128xi32, #tpu.memory_space<vmem>>
      %dma_start3A_432 = tpu.memref_squeeze %dma_start3A_431 : memref<1x128xi32, #tpu.memory_space<vmem>> -> memref<128xi32, #tpu.memory_space<vmem>>
      %dma_start3A_433 = arith.constant 0 : i32
      %dma_start3A_434 = arith.constant 0 : i32
      %dma_start3A_435 = tpu.memref_slice %arg15[%dma_start3A_433, %dma_start3A_434] : memref<10240x64xf32, #tpu.memory_space<vmem_shared>> -> memref<10240x64xf32, #tpu.memory_space<vmem_shared>>
      tpu.enqueue_indirect_dma source(%arg12 : memref<128x64xf32, #tpu.memory_space<vmem>>) target(%dma_start3A_435 : memref<10240x64xf32, #tpu.memory_space<vmem_shared>>) offsets(%dma_start3A_432 : memref<128xi32, #tpu.memory_space<vmem>>) semaphore(%arg22 : memref<!tpu.dma_semaphore, #tpu.memory_space<semaphore_mem>>) {add = true}
      %dma_wait3A_436 = arith.constant 0 : i32
      %dma_wait3A_437 = tpu.memref_slice %arg8[%sub3A_388, %dma_wait3A_436] : memref<162x128xi32, #tpu.memory_space<vmem>> -> memref<1x128xi32, #tpu.memory_space<vmem>>
      %dma_wait3A_438 = tpu.memref_squeeze %dma_wait3A_437 : memref<1x128xi32, #tpu.memory_space<vmem>> -> memref<128xi32, #tpu.memory_space<vmem>>
      %dma_wait3A_439 = arith.constant 0 : i32
      %dma_wait3A_440 = arith.constant 0 : i32
      %dma_wait3A_441 = tpu.memref_slice %arg14[%dma_wait3A_439, %dma_wait3A_440] : memref<10240x64xf32, #tpu.memory_space<vmem_shared>> -> memref<10240x64xf32, #tpu.memory_space<vmem_shared>>
      tpu.wait_indirect_dma semaphore(%arg20 : memref<!tpu.dma_semaphore, #tpu.memory_space<semaphore_mem>>) src(%dma_wait3A_441 : memref<10240x64xf32, #tpu.memory_space<vmem_shared>>) dst(%arg13 : memref<128x64xf32, #tpu.memory_space<vmem>>)
      %dma_wait3A_442 = arith.constant 1 : i32
      %dma_wait3A_443 = arith.constant 0 : i32
      %dma_wait3A_444 = tpu.memref_slice %arg10[%dma_wait3A_442, %dma_wait3A_443] : memref<3x128xi32, #tpu.memory_space<vmem>> -> memref<1x128xi32, #tpu.memory_space<vmem>>
      %dma_wait3A_445 = tpu.memref_squeeze %dma_wait3A_444 : memref<1x128xi32, #tpu.memory_space<vmem>> -> memref<128xi32, #tpu.memory_space<vmem>>
      %dma_wait3A_446 = arith.constant 0 : i32
      %dma_wait3A_447 = arith.constant 0 : i32
      %dma_wait3A_448 = tpu.memref_slice %arg15[%dma_wait3A_446, %dma_wait3A_447] : memref<10240x64xf32, #tpu.memory_space<vmem_shared>> -> memref<10240x64xf32, #tpu.memory_space<vmem_shared>>
      tpu.wait_indirect_dma semaphore(%arg22 : memref<!tpu.dma_semaphore, #tpu.memory_space<semaphore_mem>>) src(%arg12 : memref<128x64xf32, #tpu.memory_space<vmem>>) dst(%dma_wait3A_448 : memref<10240x64xf32, #tpu.memory_space<vmem_shared>>)
      %dma_start3A_449 = arith.constant 2 : i32
      %dma_start3A_450 = arith.constant 0 : i32
      %dma_start3A_451 = tpu.memref_slice %arg10[%dma_start3A_449, %dma_start3A_450] : memref<3x128xi32, #tpu.memory_space<vmem>> -> memref<1x128xi32, #tpu.memory_space<vmem>>
      %dma_start3A_452 = tpu.memref_squeeze %dma_start3A_451 : memref<1x128xi32, #tpu.memory_space<vmem>> -> memref<128xi32, #tpu.memory_space<vmem>>
      %dma_start3A_453 = arith.constant 0 : i32
      %dma_start3A_454 = arith.constant 0 : i32
      %dma_start3A_455 = tpu.memref_slice %arg15[%dma_start3A_453, %dma_start3A_454] : memref<10240x64xf32, #tpu.memory_space<vmem_shared>> -> memref<10240x64xf32, #tpu.memory_space<vmem_shared>>
      tpu.enqueue_indirect_dma source(%arg13 : memref<128x64xf32, #tpu.memory_space<vmem>>) target(%dma_start3A_455 : memref<10240x64xf32, #tpu.memory_space<vmem_shared>>) offsets(%dma_start3A_452 : memref<128xi32, #tpu.memory_space<vmem>>) semaphore(%arg23 : memref<!tpu.dma_semaphore, #tpu.memory_space<semaphore_mem>>) {add = true}
    }
    %scan3A_218 = arith.constant 26 : i32
    %dma_wait3A_219 = arith.constant 2 : i32
    %dma_wait3A_220 = arith.constant 0 : i32
    %dma_wait3A_221 = tpu.memref_slice %arg10[%dma_wait3A_219, %dma_wait3A_220] : memref<3x128xi32, #tpu.memory_space<vmem>> -> memref<1x128xi32, #tpu.memory_space<vmem>>
    %dma_wait3A_222 = tpu.memref_squeeze %dma_wait3A_221 : memref<1x128xi32, #tpu.memory_space<vmem>> -> memref<128xi32, #tpu.memory_space<vmem>>
    %dma_wait3A_223 = arith.constant 0 : i32
    %dma_wait3A_224 = arith.constant 0 : i32
    %dma_wait3A_225 = tpu.memref_slice %arg15[%dma_wait3A_223, %dma_wait3A_224] : memref<10240x64xf32, #tpu.memory_space<vmem_shared>> -> memref<10240x64xf32, #tpu.memory_space<vmem_shared>>
    tpu.wait_indirect_dma semaphore(%arg23 : memref<!tpu.dma_semaphore, #tpu.memory_space<semaphore_mem>>) src(%arg13 : memref<128x64xf32, #tpu.memory_space<vmem>>) dst(%dma_wait3A_225 : memref<10240x64xf32, #tpu.memory_space<vmem_shared>>)
    %dma_wait3A_226 = arith.constant 0 : i32
    %dma_wait3A_227 = arith.constant 0 : i32
    %dma_wait3A_228 = arith.constant 0 : i32
    %dma_wait3A_229 = tpu.memref_slice %arg5[%arg1, %dma_wait3A_226, %dma_wait3A_227, %dma_wait3A_228] : memref<16x54x3x128xi32, #tpu.memory_space<hbm>> -> memref<1x1x3x128xi32, #tpu.memory_space<hbm>>
    %dma_wait3A_230 = tpu.memref_squeeze %dma_wait3A_229 : memref<1x1x3x128xi32, #tpu.memory_space<hbm>> -> memref<3x128xi32, #tpu.memory_space<hbm>>
    %dma_wait3A_231 = arith.constant 0 : i32
    %dma_wait3A_232 = arith.constant 0 : i32
    %dma_wait3A_233 = tpu.memref_slice %arg5[%arg1, %dma_wait3A_226, %dma_wait3A_231, %dma_wait3A_232] : memref<16x54x3x128xi32, #tpu.memory_space<hbm>> -> memref<1x1x3x128xi32, #tpu.memory_space<hbm>>
    %dma_wait3A_234 = tpu.memref_squeeze %dma_wait3A_233 : memref<1x1x3x128xi32, #tpu.memory_space<hbm>> -> memref<3x128xi32, #tpu.memory_space<hbm>>
    tpu.wait_dma2 semaphore(%arg16 : memref<!tpu.dma_semaphore, #tpu.memory_space<semaphore_mem>>) src(%dma_wait3A_234 : memref<3x128xi32, #tpu.memory_space<hbm>>) dst(%arg9 : memref<3x128xi32, #tpu.memory_space<vmem>>)
    %barrier3A_235 = arith.constant 0 : index
    tpu.barrier barrier_id(%barrier3A_235)
    %mul3A_236 = arith.constant 640 : i32
    %mul3A_237 = arith.muli %arg1, %mul3A_236 : i32
    %mul3A_238 = arith.constant 640 : i32
    %mul3A_239 = arith.muli %arg1, %mul3A_238 : i32
    "tpu.region"() ({
      %run_scoped3A = tpu.sem_alloc : memref<!tpu.dma_semaphore, #tpu.memory_space<semaphore_mem>>
      %dma_start3A_240 = arith.constant 0 : i32
      %dma_start3A_241 = tpu.memref_slice %arg7[%arg0, %mul3A_239, %dma_start3A_240] : memref<2x10240x64xf32, #tpu.memory_space<hbm>> -> memref<1x640x64xf32, #tpu.memory_space<hbm>>
      %dma_start3A_242 = tpu.memref_squeeze %dma_start3A_241 : memref<1x640x64xf32, #tpu.memory_space<hbm>> -> memref<640x64xf32, #tpu.memory_space<hbm>>
      %dma_start3A_243 = arith.constant 0 : i32
      %dma_start3A_244 = tpu.memref_slice %arg15[%mul3A_237, %dma_start3A_243] : memref<10240x64xf32, #tpu.memory_space<vmem_shared>> -> memref<640x64xf32, #tpu.memory_space<vmem_shared>>
      tpu.enqueue_dma source(%dma_start3A_244 : memref<640x64xf32, #tpu.memory_space<vmem_shared>>) target(%dma_start3A_242 : memref<640x64xf32, #tpu.memory_space<hbm>>) target_semaphore(%run_scoped3A : memref<!tpu.dma_semaphore, #tpu.memory_space<semaphore_mem>>)
      %dma_wait3A_245 = arith.constant 0 : i32
      %dma_wait3A_246 = tpu.memref_slice %arg7[%arg0, %mul3A_239, %dma_wait3A_245] : memref<2x10240x64xf32, #tpu.memory_space<hbm>> -> memref<1x640x64xf32, #tpu.memory_space<hbm>>
      %dma_wait3A_247 = tpu.memref_squeeze %dma_wait3A_246 : memref<1x640x64xf32, #tpu.memory_space<hbm>> -> memref<640x64xf32, #tpu.memory_space<hbm>>
      %dma_wait3A_248 = arith.constant 0 : i32
      %dma_wait3A_249 = tpu.memref_slice %arg15[%mul3A_237, %dma_wait3A_248] : memref<10240x64xf32, #tpu.memory_space<vmem_shared>> -> memref<640x64xf32, #tpu.memory_space<vmem_shared>>
      tpu.wait_dma2 semaphore(%run_scoped3A : memref<!tpu.dma_semaphore, #tpu.memory_space<semaphore_mem>>) src(%dma_wait3A_249 : memref<640x64xf32, #tpu.memory_space<vmem_shared>>) dst(%dma_wait3A_247 : memref<640x64xf32, #tpu.memory_space<hbm>>)
      tpu.yield
    }) : () -> ()
    return
  }
}

#map = affine_map<(d0, d1) -> (0, 0)>
#map1 = affine_map<(d0, d1) -> (0, 0, 0)>
#map2 = affine_map<(d0, d1) -> (0, 0, 0, 0)>
module attributes {stable_mosaic.version = 14 : i64} {
  func.func @_layer_body(%arg0: i32, %arg1: i32, %arg2: memref<10240x64xf32, #tpu.memory_space<hbm>>, %arg3: memref<10240x64xf32, #tpu.memory_space<hbm>>, %arg4: memref<16x162x128xi32, #tpu.memory_space<hbm>>, %arg5: memref<16x54x3x128xi32, #tpu.memory_space<hbm>>, %arg6: memref<10240x64xf32, #tpu.memory_space<hbm>>, %arg7: memref<2x10240x64xf32, #tpu.memory_space<hbm>>, %arg8: memref<162x128xi32, #tpu.memory_space<vmem>>, %arg9: memref<3x128xi32, #tpu.memory_space<vmem>>, %arg10: memref<3x128xi32, #tpu.memory_space<vmem>>, %arg11: memref<128x64xf32, #tpu.memory_space<vmem>>, %arg12: memref<128x64xf32, #tpu.memory_space<vmem>>, %arg13: memref<128x64xf32, #tpu.memory_space<vmem>>, %arg14: memref<10240x64xf32, #tpu.memory_space<vmem_shared>>, %arg15: memref<10240x64xf32, #tpu.memory_space<vmem_shared>>, %arg16: memref<!tpu.dma_semaphore, #tpu.memory_space<semaphore_mem>>, %arg17: memref<!tpu.dma_semaphore, #tpu.memory_space<semaphore_mem>>, %arg18: memref<!tpu.dma_semaphore, #tpu.memory_space<semaphore_mem>>, %arg19: memref<!tpu.dma_semaphore, #tpu.memory_space<semaphore_mem>>, %arg20: memref<!tpu.dma_semaphore, #tpu.memory_space<semaphore_mem>>, %arg21: memref<!tpu.dma_semaphore, #tpu.memory_space<semaphore_mem>>, %arg22: memref<!tpu.dma_semaphore, #tpu.memory_space<semaphore_mem>>, %arg23: memref<!tpu.dma_semaphore, #tpu.memory_space<semaphore_mem>>) attributes {dimension_semantics = [#tpu.dimension_semantics<core_parallel>, #tpu.dimension_semantics<subcore_parallel>], iteration_bounds = array<i64: 2, 16>, scalar_prefetch = 0 : i64, scratch_operands = 16 : i64, tpu.core_type = #tpu.core_type<sc_vector_subcore>, window_params = [{transform_indices = #map}, {transform_indices = #map}, {transform_indices = #map1}, {transform_indices = #map2}, {transform_indices = #map}, {transform_indices = #map1}]} {
    %mul3A = arith.constant 640 : i32
    %mul3A_0 = arith.muli %arg1, %mul3A : i32
    %mul3A_1 = arith.constant 640 : i32
    %mul3A_2 = arith.muli %arg1, %mul3A_1 : i32
    "tpu.region"() ({
      %run_scoped3A = tpu.sem_alloc : memref<!tpu.dma_semaphore, #tpu.memory_space<semaphore_mem>>
      %dma_start3A_240 = arith.constant 0 : i32
      %dma_start3A_241 = tpu.memref_slice %arg15[%mul3A_2, %dma_start3A_240] : memref<10240x64xf32, #tpu.memory_space<vmem_shared>> -> memref<640x64xf32, #tpu.memory_space<vmem_shared>>
      %dma_start3A_242 = arith.constant 0 : i32
      %dma_start3A_243 = tpu.memref_slice %arg6[%mul3A_0, %dma_start3A_242] : memref<10240x64xf32, #tpu.memory_space<hbm>> -> memref<640x64xf32, #tpu.memory_space<hbm>>
      tpu.enqueue_dma source(%dma_start3A_243 : memref<640x64xf32, #tpu.memory_space<hbm>>) target(%dma_start3A_241 : memref<640x64xf32, #tpu.memory_space<vmem_shared>>) target_semaphore(%run_scoped3A : memref<!tpu.dma_semaphore, #tpu.memory_space<semaphore_mem>>)
      %dma_wait3A_244 = arith.constant 0 : i32
      %dma_wait3A_245 = tpu.memref_slice %arg15[%mul3A_2, %dma_wait3A_244] : memref<10240x64xf32, #tpu.memory_space<vmem_shared>> -> memref<640x64xf32, #tpu.memory_space<vmem_shared>>
      %dma_wait3A_246 = arith.constant 0 : i32
      %dma_wait3A_247 = tpu.memref_slice %arg6[%mul3A_0, %dma_wait3A_246] : memref<10240x64xf32, #tpu.memory_space<hbm>> -> memref<640x64xf32, #tpu.memory_space<hbm>>
      tpu.wait_dma2 semaphore(%run_scoped3A : memref<!tpu.dma_semaphore, #tpu.memory_space<semaphore_mem>>) src(%dma_wait3A_247 : memref<640x64xf32, #tpu.memory_space<hbm>>) dst(%dma_wait3A_245 : memref<640x64xf32, #tpu.memory_space<vmem_shared>>)
      tpu.yield
    }) : () -> ()
    %eq3A = arith.constant 0 : i32
    %eq3A_3 = arith.cmpi eq, %arg0, %eq3A : i32
    %convert_element_type3A = arith.extui %eq3A_3 : i1 to i32
    %cond3A = arith.constant 0 : i32
    %cond3A_4 = arith.cmpi ne, %convert_element_type3A, %cond3A : i32
    scf.if %cond3A_4 {
      %mul3A_240 = arith.constant 640 : i32
      %mul3A_241 = arith.muli %arg1, %mul3A_240 : i32
      %mul3A_242 = arith.constant 640 : i32
      %mul3A_243 = arith.muli %arg1, %mul3A_242 : i32
      "tpu.region"() ({
        %run_scoped3A = tpu.sem_alloc : memref<!tpu.dma_semaphore, #tpu.memory_space<semaphore_mem>>
        %dma_start3A_244 = arith.constant 0 : i32
        %dma_start3A_245 = tpu.memref_slice %arg14[%mul3A_243, %dma_start3A_244] : memref<10240x64xf32, #tpu.memory_space<vmem_shared>> -> memref<640x64xf32, #tpu.memory_space<vmem_shared>>
        %dma_start3A_246 = arith.constant 0 : i32
        %dma_start3A_247 = tpu.memref_slice %arg2[%mul3A_241, %dma_start3A_246] : memref<10240x64xf32, #tpu.memory_space<hbm>> -> memref<640x64xf32, #tpu.memory_space<hbm>>
        tpu.enqueue_dma source(%dma_start3A_247 : memref<640x64xf32, #tpu.memory_space<hbm>>) target(%dma_start3A_245 : memref<640x64xf32, #tpu.memory_space<vmem_shared>>) target_semaphore(%run_scoped3A : memref<!tpu.dma_semaphore, #tpu.memory_space<semaphore_mem>>)
        %dma_wait3A_248 = arith.constant 0 : i32
        %dma_wait3A_249 = tpu.memref_slice %arg14[%mul3A_243, %dma_wait3A_248] : memref<10240x64xf32, #tpu.memory_space<vmem_shared>> -> memref<640x64xf32, #tpu.memory_space<vmem_shared>>
        %dma_wait3A_250 = arith.constant 0 : i32
        %dma_wait3A_251 = tpu.memref_slice %arg2[%mul3A_241, %dma_wait3A_250] : memref<10240x64xf32, #tpu.memory_space<hbm>> -> memref<640x64xf32, #tpu.memory_space<hbm>>
        tpu.wait_dma2 semaphore(%run_scoped3A : memref<!tpu.dma_semaphore, #tpu.memory_space<semaphore_mem>>) src(%dma_wait3A_251 : memref<640x64xf32, #tpu.memory_space<hbm>>) dst(%dma_wait3A_249 : memref<640x64xf32, #tpu.memory_space<vmem_shared>>)
        tpu.yield
      }) : () -> ()
    } else {
    }
    %eq3A_5 = arith.constant 1 : i32
    %eq3A_6 = arith.cmpi eq, %arg0, %eq3A_5 : i32
    %convert_element_type3A_7 = arith.extui %eq3A_6 : i1 to i32
    %cond3A_8 = arith.constant 0 : i32
    %cond3A_9 = arith.cmpi ne, %convert_element_type3A_7, %cond3A_8 : i32
    scf.if %cond3A_9 {
      %mul3A_240 = arith.constant 640 : i32
      %mul3A_241 = arith.muli %arg1, %mul3A_240 : i32
      %mul3A_242 = arith.constant 640 : i32
      %mul3A_243 = arith.muli %arg1, %mul3A_242 : i32
      "tpu.region"() ({
        %run_scoped3A = tpu.sem_alloc : memref<!tpu.dma_semaphore, #tpu.memory_space<semaphore_mem>>
        %dma_start3A_244 = arith.constant 0 : i32
        %dma_start3A_245 = tpu.memref_slice %arg14[%mul3A_243, %dma_start3A_244] : memref<10240x64xf32, #tpu.memory_space<vmem_shared>> -> memref<640x64xf32, #tpu.memory_space<vmem_shared>>
        %dma_start3A_246 = arith.constant 0 : i32
        %dma_start3A_247 = tpu.memref_slice %arg3[%mul3A_241, %dma_start3A_246] : memref<10240x64xf32, #tpu.memory_space<hbm>> -> memref<640x64xf32, #tpu.memory_space<hbm>>
        tpu.enqueue_dma source(%dma_start3A_247 : memref<640x64xf32, #tpu.memory_space<hbm>>) target(%dma_start3A_245 : memref<640x64xf32, #tpu.memory_space<vmem_shared>>) target_semaphore(%run_scoped3A : memref<!tpu.dma_semaphore, #tpu.memory_space<semaphore_mem>>)
        %dma_wait3A_248 = arith.constant 0 : i32
        %dma_wait3A_249 = tpu.memref_slice %arg14[%mul3A_243, %dma_wait3A_248] : memref<10240x64xf32, #tpu.memory_space<vmem_shared>> -> memref<640x64xf32, #tpu.memory_space<vmem_shared>>
        %dma_wait3A_250 = arith.constant 0 : i32
        %dma_wait3A_251 = tpu.memref_slice %arg3[%mul3A_241, %dma_wait3A_250] : memref<10240x64xf32, #tpu.memory_space<hbm>> -> memref<640x64xf32, #tpu.memory_space<hbm>>
        tpu.wait_dma2 semaphore(%run_scoped3A : memref<!tpu.dma_semaphore, #tpu.memory_space<semaphore_mem>>) src(%dma_wait3A_251 : memref<640x64xf32, #tpu.memory_space<hbm>>) dst(%dma_wait3A_249 : memref<640x64xf32, #tpu.memory_space<vmem_shared>>)
        tpu.yield
      }) : () -> ()
    } else {
    }
    "tpu.region"() ({
      %run_scoped3A = tpu.sem_alloc : memref<!tpu.dma_semaphore, #tpu.memory_space<semaphore_mem>>
      %dma_start3A_240 = arith.constant 0 : i32
      %dma_start3A_241 = arith.constant 0 : i32
      %dma_start3A_242 = tpu.memref_slice %arg4[%arg1, %dma_start3A_240, %dma_start3A_241] : memref<16x162x128xi32, #tpu.memory_space<hbm>> -> memref<1x162x128xi32, #tpu.memory_space<hbm>>
      %dma_start3A_243 = tpu.memref_squeeze %dma_start3A_242 : memref<1x162x128xi32, #tpu.memory_space<hbm>> -> memref<162x128xi32, #tpu.memory_space<hbm>>
      %dma_start3A_244 = arith.constant 0 : i32
      %dma_start3A_245 = arith.constant 0 : i32
      %dma_start3A_246 = tpu.memref_slice %arg4[%arg1, %dma_start3A_244, %dma_start3A_245] : memref<16x162x128xi32, #tpu.memory_space<hbm>> -> memref<1x162x128xi32, #tpu.memory_space<hbm>>
      %dma_start3A_247 = tpu.memref_squeeze %dma_start3A_246 : memref<1x162x128xi32, #tpu.memory_space<hbm>> -> memref<162x128xi32, #tpu.memory_space<hbm>>
      tpu.enqueue_dma source(%dma_start3A_247 : memref<162x128xi32, #tpu.memory_space<hbm>>) target(%arg8 : memref<162x128xi32, #tpu.memory_space<vmem>>) target_semaphore(%run_scoped3A : memref<!tpu.dma_semaphore, #tpu.memory_space<semaphore_mem>>)
      %dma_wait3A_248 = arith.constant 0 : i32
      %dma_wait3A_249 = arith.constant 0 : i32
      %dma_wait3A_250 = tpu.memref_slice %arg4[%arg1, %dma_wait3A_248, %dma_wait3A_249] : memref<16x162x128xi32, #tpu.memory_space<hbm>> -> memref<1x162x128xi32, #tpu.memory_space<hbm>>
      %dma_wait3A_251 = tpu.memref_squeeze %dma_wait3A_250 : memref<1x162x128xi32, #tpu.memory_space<hbm>> -> memref<162x128xi32, #tpu.memory_space<hbm>>
      %dma_wait3A_252 = arith.constant 0 : i32
      %dma_wait3A_253 = arith.constant 0 : i32
      %dma_wait3A_254 = tpu.memref_slice %arg4[%arg1, %dma_wait3A_252, %dma_wait3A_253] : memref<16x162x128xi32, #tpu.memory_space<hbm>> -> memref<1x162x128xi32, #tpu.memory_space<hbm>>
      %dma_wait3A_255 = tpu.memref_squeeze %dma_wait3A_254 : memref<1x162x128xi32, #tpu.memory_space<hbm>> -> memref<162x128xi32, #tpu.memory_space<hbm>>
      tpu.wait_dma2 semaphore(%run_scoped3A : memref<!tpu.dma_semaphore, #tpu.memory_space<semaphore_mem>>) src(%dma_wait3A_255 : memref<162x128xi32, #tpu.memory_space<hbm>>) dst(%arg8 : memref<162x128xi32, #tpu.memory_space<vmem>>)
      tpu.yield
    }) : () -> ()
    %dma_start3A = arith.constant 0 : i32
    %dma_start3A_10 = arith.constant 0 : i32
    %dma_start3A_11 = arith.constant 0 : i32
    %dma_start3A_12 = tpu.memref_slice %arg5[%arg1, %dma_start3A, %dma_start3A_10, %dma_start3A_11] : memref<16x54x3x128xi32, #tpu.memory_space<hbm>> -> memref<1x1x3x128xi32, #tpu.memory_space<hbm>>
    %dma_start3A_13 = tpu.memref_squeeze %dma_start3A_12 : memref<1x1x3x128xi32, #tpu.memory_space<hbm>> -> memref<3x128xi32, #tpu.memory_space<hbm>>
    %dma_start3A_14 = arith.constant 0 : i32
    %dma_start3A_15 = arith.constant 0 : i32
    %dma_start3A_16 = tpu.memref_slice %arg5[%arg1, %dma_start3A, %dma_start3A_14, %dma_start3A_15] : memref<16x54x3x128xi32, #tpu.memory_space<hbm>> -> memref<1x1x3x128xi32, #tpu.memory_space<hbm>>
    %dma_start3A_17 = tpu.memref_squeeze %dma_start3A_16 : memref<1x1x3x128xi32, #tpu.memory_space<hbm>> -> memref<3x128xi32, #tpu.memory_space<hbm>>
    tpu.enqueue_dma source(%dma_start3A_17 : memref<3x128xi32, #tpu.memory_space<hbm>>) target(%arg9 : memref<3x128xi32, #tpu.memory_space<vmem>>) target_semaphore(%arg16 : memref<!tpu.dma_semaphore, #tpu.memory_space<semaphore_mem>>)
    %barrier3A = arith.constant 0 : index
    tpu.barrier barrier_id(%barrier3A)
    %dma_start3A_18 = arith.constant 0 : i32
    %dma_start3A_19 = arith.constant 0 : i32
    %dma_start3A_20 = tpu.memref_slice %arg8[%dma_start3A_18, %dma_start3A_19] : memref<162x128xi32, #tpu.memory_space<vmem>> -> memref<1x128xi32, #tpu.memory_space<vmem>>
    %dma_start3A_21 = tpu.memref_squeeze %dma_start3A_20 : memref<1x128xi32, #tpu.memory_space<vmem>> -> memref<128xi32, #tpu.memory_space<vmem>>
    %dma_start3A_22 = arith.constant 0 : i32
    %dma_start3A_23 = arith.constant 0 : i32
    %dma_start3A_24 = tpu.memref_slice %arg14[%dma_start3A_22, %dma_start3A_23] : memref<10240x64xf32, #tpu.memory_space<vmem_shared>> -> memref<10240x64xf32, #tpu.memory_space<vmem_shared>>
    tpu.enqueue_indirect_dma source(%dma_start3A_24 : memref<10240x64xf32, #tpu.memory_space<vmem_shared>>) target(%arg11 : memref<128x64xf32, #tpu.memory_space<vmem>>) offsets(%dma_start3A_21 : memref<128xi32, #tpu.memory_space<vmem>>) semaphore(%arg18 : memref<!tpu.dma_semaphore, #tpu.memory_space<semaphore_mem>>)
    %dma_start3A_25 = arith.constant 1 : i32
    %dma_start3A_26 = arith.constant 0 : i32
    %dma_start3A_27 = tpu.memref_slice %arg8[%dma_start3A_25, %dma_start3A_26] : memref<162x128xi32, #tpu.memory_space<vmem>> -> memref<1x128xi32, #tpu.memory_space<vmem>>
    %dma_start3A_28 = tpu.memref_squeeze %dma_start3A_27 : memref<1x128xi32, #tpu.memory_space<vmem>> -> memref<128xi32, #tpu.memory_space<vmem>>
    %dma_start3A_29 = arith.constant 0 : i32
    %dma_start3A_30 = arith.constant 0 : i32
    %dma_start3A_31 = tpu.memref_slice %arg14[%dma_start3A_29, %dma_start3A_30] : memref<10240x64xf32, #tpu.memory_space<vmem_shared>> -> memref<10240x64xf32, #tpu.memory_space<vmem_shared>>
    tpu.enqueue_indirect_dma source(%dma_start3A_31 : memref<10240x64xf32, #tpu.memory_space<vmem_shared>>) target(%arg12 : memref<128x64xf32, #tpu.memory_space<vmem>>) offsets(%dma_start3A_28 : memref<128xi32, #tpu.memory_space<vmem>>) semaphore(%arg19 : memref<!tpu.dma_semaphore, #tpu.memory_space<semaphore_mem>>)
    %dma_start3A_32 = arith.constant 1 : i32
    %dma_start3A_33 = arith.constant 0 : i32
    %dma_start3A_34 = arith.constant 0 : i32
    %dma_start3A_35 = tpu.memref_slice %arg5[%arg1, %dma_start3A_32, %dma_start3A_33, %dma_start3A_34] : memref<16x54x3x128xi32, #tpu.memory_space<hbm>> -> memref<1x1x3x128xi32, #tpu.memory_space<hbm>>
    %dma_start3A_36 = tpu.memref_squeeze %dma_start3A_35 : memref<1x1x3x128xi32, #tpu.memory_space<hbm>> -> memref<3x128xi32, #tpu.memory_space<hbm>>
    %dma_start3A_37 = arith.constant 0 : i32
    %dma_start3A_38 = arith.constant 0 : i32
    %dma_start3A_39 = tpu.memref_slice %arg5[%arg1, %dma_start3A_32, %dma_start3A_37, %dma_start3A_38] : memref<16x54x3x128xi32, #tpu.memory_space<hbm>> -> memref<1x1x3x128xi32, #tpu.memory_space<hbm>>
    %dma_start3A_40 = tpu.memref_squeeze %dma_start3A_39 : memref<1x1x3x128xi32, #tpu.memory_space<hbm>> -> memref<3x128xi32, #tpu.memory_space<hbm>>
    tpu.enqueue_dma source(%dma_start3A_40 : memref<3x128xi32, #tpu.memory_space<hbm>>) target(%arg10 : memref<3x128xi32, #tpu.memory_space<vmem>>) target_semaphore(%arg17 : memref<!tpu.dma_semaphore, #tpu.memory_space<semaphore_mem>>)
    %dma_start3A_41 = arith.constant 2 : i32
    %dma_start3A_42 = arith.constant 0 : i32
    %dma_start3A_43 = tpu.memref_slice %arg8[%dma_start3A_41, %dma_start3A_42] : memref<162x128xi32, #tpu.memory_space<vmem>> -> memref<1x128xi32, #tpu.memory_space<vmem>>
    %dma_start3A_44 = tpu.memref_squeeze %dma_start3A_43 : memref<1x128xi32, #tpu.memory_space<vmem>> -> memref<128xi32, #tpu.memory_space<vmem>>
    %dma_start3A_45 = arith.constant 0 : i32
    %dma_start3A_46 = arith.constant 0 : i32
    %dma_start3A_47 = tpu.memref_slice %arg14[%dma_start3A_45, %dma_start3A_46] : memref<10240x64xf32, #tpu.memory_space<vmem_shared>> -> memref<10240x64xf32, #tpu.memory_space<vmem_shared>>
    tpu.enqueue_indirect_dma source(%dma_start3A_47 : memref<10240x64xf32, #tpu.memory_space<vmem_shared>>) target(%arg13 : memref<128x64xf32, #tpu.memory_space<vmem>>) offsets(%dma_start3A_44 : memref<128xi32, #tpu.memory_space<vmem>>) semaphore(%arg20 : memref<!tpu.dma_semaphore, #tpu.memory_space<semaphore_mem>>)
    %dma_wait3A = arith.constant 0 : i32
    %dma_wait3A_48 = arith.constant 0 : i32
    %dma_wait3A_49 = arith.constant 0 : i32
    %dma_wait3A_50 = tpu.memref_slice %arg5[%arg1, %dma_wait3A, %dma_wait3A_48, %dma_wait3A_49] : memref<16x54x3x128xi32, #tpu.memory_space<hbm>> -> memref<1x1x3x128xi32, #tpu.memory_space<hbm>>
    %dma_wait3A_51 = tpu.memref_squeeze %dma_wait3A_50 : memref<1x1x3x128xi32, #tpu.memory_space<hbm>> -> memref<3x128xi32, #tpu.memory_space<hbm>>
    %dma_wait3A_52 = arith.constant 0 : i32
    %dma_wait3A_53 = arith.constant 0 : i32
    %dma_wait3A_54 = tpu.memref_slice %arg5[%arg1, %dma_wait3A, %dma_wait3A_52, %dma_wait3A_53] : memref<16x54x3x128xi32, #tpu.memory_space<hbm>> -> memref<1x1x3x128xi32, #tpu.memory_space<hbm>>
    %dma_wait3A_55 = tpu.memref_squeeze %dma_wait3A_54 : memref<1x1x3x128xi32, #tpu.memory_space<hbm>> -> memref<3x128xi32, #tpu.memory_space<hbm>>
    tpu.wait_dma2 semaphore(%arg16 : memref<!tpu.dma_semaphore, #tpu.memory_space<semaphore_mem>>) src(%dma_wait3A_55 : memref<3x128xi32, #tpu.memory_space<hbm>>) dst(%arg9 : memref<3x128xi32, #tpu.memory_space<vmem>>)
    %dma_wait3A_56 = arith.constant 0 : i32
    %dma_wait3A_57 = arith.constant 0 : i32
    %dma_wait3A_58 = tpu.memref_slice %arg8[%dma_wait3A_56, %dma_wait3A_57] : memref<162x128xi32, #tpu.memory_space<vmem>> -> memref<1x128xi32, #tpu.memory_space<vmem>>
    %dma_wait3A_59 = tpu.memref_squeeze %dma_wait3A_58 : memref<1x128xi32, #tpu.memory_space<vmem>> -> memref<128xi32, #tpu.memory_space<vmem>>
    %dma_wait3A_60 = arith.constant 0 : i32
    %dma_wait3A_61 = arith.constant 0 : i32
    %dma_wait3A_62 = tpu.memref_slice %arg14[%dma_wait3A_60, %dma_wait3A_61] : memref<10240x64xf32, #tpu.memory_space<vmem_shared>> -> memref<10240x64xf32, #tpu.memory_space<vmem_shared>>
    tpu.wait_indirect_dma semaphore(%arg18 : memref<!tpu.dma_semaphore, #tpu.memory_space<semaphore_mem>>) src(%dma_wait3A_62 : memref<10240x64xf32, #tpu.memory_space<vmem_shared>>) dst(%arg11 : memref<128x64xf32, #tpu.memory_space<vmem>>)
    %dma_start3A_63 = arith.constant 0 : i32
    %dma_start3A_64 = arith.constant 0 : i32
    %dma_start3A_65 = tpu.memref_slice %arg9[%dma_start3A_63, %dma_start3A_64] : memref<3x128xi32, #tpu.memory_space<vmem>> -> memref<1x128xi32, #tpu.memory_space<vmem>>
    %dma_start3A_66 = tpu.memref_squeeze %dma_start3A_65 : memref<1x128xi32, #tpu.memory_space<vmem>> -> memref<128xi32, #tpu.memory_space<vmem>>
    %dma_start3A_67 = arith.constant 0 : i32
    %dma_start3A_68 = arith.constant 0 : i32
    %dma_start3A_69 = tpu.memref_slice %arg15[%dma_start3A_67, %dma_start3A_68] : memref<10240x64xf32, #tpu.memory_space<vmem_shared>> -> memref<10240x64xf32, #tpu.memory_space<vmem_shared>>
    tpu.enqueue_indirect_dma source(%arg11 : memref<128x64xf32, #tpu.memory_space<vmem>>) target(%dma_start3A_69 : memref<10240x64xf32, #tpu.memory_space<vmem_shared>>) offsets(%dma_start3A_66 : memref<128xi32, #tpu.memory_space<vmem>>) semaphore(%arg21 : memref<!tpu.dma_semaphore, #tpu.memory_space<semaphore_mem>>) {add = true}
    %dma_wait3A_70 = arith.constant 1 : i32
    %dma_wait3A_71 = arith.constant 0 : i32
    %dma_wait3A_72 = tpu.memref_slice %arg8[%dma_wait3A_70, %dma_wait3A_71] : memref<162x128xi32, #tpu.memory_space<vmem>> -> memref<1x128xi32, #tpu.memory_space<vmem>>
    %dma_wait3A_73 = tpu.memref_squeeze %dma_wait3A_72 : memref<1x128xi32, #tpu.memory_space<vmem>> -> memref<128xi32, #tpu.memory_space<vmem>>
    %dma_wait3A_74 = arith.constant 0 : i32
    %dma_wait3A_75 = arith.constant 0 : i32
    %dma_wait3A_76 = tpu.memref_slice %arg14[%dma_wait3A_74, %dma_wait3A_75] : memref<10240x64xf32, #tpu.memory_space<vmem_shared>> -> memref<10240x64xf32, #tpu.memory_space<vmem_shared>>
    tpu.wait_indirect_dma semaphore(%arg19 : memref<!tpu.dma_semaphore, #tpu.memory_space<semaphore_mem>>) src(%dma_wait3A_76 : memref<10240x64xf32, #tpu.memory_space<vmem_shared>>) dst(%arg12 : memref<128x64xf32, #tpu.memory_space<vmem>>)
    %dma_wait3A_77 = arith.constant 0 : i32
    %dma_wait3A_78 = arith.constant 0 : i32
    %dma_wait3A_79 = tpu.memref_slice %arg9[%dma_wait3A_77, %dma_wait3A_78] : memref<3x128xi32, #tpu.memory_space<vmem>> -> memref<1x128xi32, #tpu.memory_space<vmem>>
    %dma_wait3A_80 = tpu.memref_squeeze %dma_wait3A_79 : memref<1x128xi32, #tpu.memory_space<vmem>> -> memref<128xi32, #tpu.memory_space<vmem>>
    %dma_wait3A_81 = arith.constant 0 : i32
    %dma_wait3A_82 = arith.constant 0 : i32
    %dma_wait3A_83 = tpu.memref_slice %arg15[%dma_wait3A_81, %dma_wait3A_82] : memref<10240x64xf32, #tpu.memory_space<vmem_shared>> -> memref<10240x64xf32, #tpu.memory_space<vmem_shared>>
    tpu.wait_indirect_dma semaphore(%arg21 : memref<!tpu.dma_semaphore, #tpu.memory_space<semaphore_mem>>) src(%arg11 : memref<128x64xf32, #tpu.memory_space<vmem>>) dst(%dma_wait3A_83 : memref<10240x64xf32, #tpu.memory_space<vmem_shared>>)
    %dma_start3A_84 = arith.constant 1 : i32
    %dma_start3A_85 = arith.constant 0 : i32
    %dma_start3A_86 = tpu.memref_slice %arg9[%dma_start3A_84, %dma_start3A_85] : memref<3x128xi32, #tpu.memory_space<vmem>> -> memref<1x128xi32, #tpu.memory_space<vmem>>
    %dma_start3A_87 = tpu.memref_squeeze %dma_start3A_86 : memref<1x128xi32, #tpu.memory_space<vmem>> -> memref<128xi32, #tpu.memory_space<vmem>>
    %dma_start3A_88 = arith.constant 0 : i32
    %dma_start3A_89 = arith.constant 0 : i32
    %dma_start3A_90 = tpu.memref_slice %arg15[%dma_start3A_88, %dma_start3A_89] : memref<10240x64xf32, #tpu.memory_space<vmem_shared>> -> memref<10240x64xf32, #tpu.memory_space<vmem_shared>>
    tpu.enqueue_indirect_dma source(%arg12 : memref<128x64xf32, #tpu.memory_space<vmem>>) target(%dma_start3A_90 : memref<10240x64xf32, #tpu.memory_space<vmem_shared>>) offsets(%dma_start3A_87 : memref<128xi32, #tpu.memory_space<vmem>>) semaphore(%arg22 : memref<!tpu.dma_semaphore, #tpu.memory_space<semaphore_mem>>) {add = true}
    %dma_wait3A_91 = arith.constant 2 : i32
    %dma_wait3A_92 = arith.constant 0 : i32
    %dma_wait3A_93 = tpu.memref_slice %arg8[%dma_wait3A_91, %dma_wait3A_92] : memref<162x128xi32, #tpu.memory_space<vmem>> -> memref<1x128xi32, #tpu.memory_space<vmem>>
    %dma_wait3A_94 = tpu.memref_squeeze %dma_wait3A_93 : memref<1x128xi32, #tpu.memory_space<vmem>> -> memref<128xi32, #tpu.memory_space<vmem>>
    %dma_wait3A_95 = arith.constant 0 : i32
    %dma_wait3A_96 = arith.constant 0 : i32
    %dma_wait3A_97 = tpu.memref_slice %arg14[%dma_wait3A_95, %dma_wait3A_96] : memref<10240x64xf32, #tpu.memory_space<vmem_shared>> -> memref<10240x64xf32, #tpu.memory_space<vmem_shared>>
    tpu.wait_indirect_dma semaphore(%arg20 : memref<!tpu.dma_semaphore, #tpu.memory_space<semaphore_mem>>) src(%dma_wait3A_97 : memref<10240x64xf32, #tpu.memory_space<vmem_shared>>) dst(%arg13 : memref<128x64xf32, #tpu.memory_space<vmem>>)
    %dma_wait3A_98 = arith.constant 1 : i32
    %dma_wait3A_99 = arith.constant 0 : i32
    %dma_wait3A_100 = tpu.memref_slice %arg9[%dma_wait3A_98, %dma_wait3A_99] : memref<3x128xi32, #tpu.memory_space<vmem>> -> memref<1x128xi32, #tpu.memory_space<vmem>>
    %dma_wait3A_101 = tpu.memref_squeeze %dma_wait3A_100 : memref<1x128xi32, #tpu.memory_space<vmem>> -> memref<128xi32, #tpu.memory_space<vmem>>
    %dma_wait3A_102 = arith.constant 0 : i32
    %dma_wait3A_103 = arith.constant 0 : i32
    %dma_wait3A_104 = tpu.memref_slice %arg15[%dma_wait3A_102, %dma_wait3A_103] : memref<10240x64xf32, #tpu.memory_space<vmem_shared>> -> memref<10240x64xf32, #tpu.memory_space<vmem_shared>>
    tpu.wait_indirect_dma semaphore(%arg22 : memref<!tpu.dma_semaphore, #tpu.memory_space<semaphore_mem>>) src(%arg12 : memref<128x64xf32, #tpu.memory_space<vmem>>) dst(%dma_wait3A_104 : memref<10240x64xf32, #tpu.memory_space<vmem_shared>>)
    %dma_start3A_105 = arith.constant 2 : i32
    %dma_start3A_106 = arith.constant 0 : i32
    %dma_start3A_107 = tpu.memref_slice %arg9[%dma_start3A_105, %dma_start3A_106] : memref<3x128xi32, #tpu.memory_space<vmem>> -> memref<1x128xi32, #tpu.memory_space<vmem>>
    %dma_start3A_108 = tpu.memref_squeeze %dma_start3A_107 : memref<1x128xi32, #tpu.memory_space<vmem>> -> memref<128xi32, #tpu.memory_space<vmem>>
    %dma_start3A_109 = arith.constant 0 : i32
    %dma_start3A_110 = arith.constant 0 : i32
    %dma_start3A_111 = tpu.memref_slice %arg15[%dma_start3A_109, %dma_start3A_110] : memref<10240x64xf32, #tpu.memory_space<vmem_shared>> -> memref<10240x64xf32, #tpu.memory_space<vmem_shared>>
    tpu.enqueue_indirect_dma source(%arg13 : memref<128x64xf32, #tpu.memory_space<vmem>>) target(%dma_start3A_111 : memref<10240x64xf32, #tpu.memory_space<vmem_shared>>) offsets(%dma_start3A_108 : memref<128xi32, #tpu.memory_space<vmem>>) semaphore(%arg23 : memref<!tpu.dma_semaphore, #tpu.memory_space<semaphore_mem>>) {add = true}
    %dma_start3A_112 = arith.constant 3 : i32
    %dma_start3A_113 = arith.constant 0 : i32
    %dma_start3A_114 = tpu.memref_slice %arg8[%dma_start3A_112, %dma_start3A_113] : memref<162x128xi32, #tpu.memory_space<vmem>> -> memref<1x128xi32, #tpu.memory_space<vmem>>
    %dma_start3A_115 = tpu.memref_squeeze %dma_start3A_114 : memref<1x128xi32, #tpu.memory_space<vmem>> -> memref<128xi32, #tpu.memory_space<vmem>>
    %dma_start3A_116 = arith.constant 0 : i32
    %dma_start3A_117 = arith.constant 0 : i32
    %dma_start3A_118 = tpu.memref_slice %arg14[%dma_start3A_116, %dma_start3A_117] : memref<10240x64xf32, #tpu.memory_space<vmem_shared>> -> memref<10240x64xf32, #tpu.memory_space<vmem_shared>>
    tpu.enqueue_indirect_dma source(%dma_start3A_118 : memref<10240x64xf32, #tpu.memory_space<vmem_shared>>) target(%arg11 : memref<128x64xf32, #tpu.memory_space<vmem>>) offsets(%dma_start3A_115 : memref<128xi32, #tpu.memory_space<vmem>>) semaphore(%arg18 : memref<!tpu.dma_semaphore, #tpu.memory_space<semaphore_mem>>)
    %dma_start3A_119 = arith.constant 4 : i32
    %dma_start3A_120 = arith.constant 0 : i32
    %dma_start3A_121 = tpu.memref_slice %arg8[%dma_start3A_119, %dma_start3A_120] : memref<162x128xi32, #tpu.memory_space<vmem>> -> memref<1x128xi32, #tpu.memory_space<vmem>>
    %dma_start3A_122 = tpu.memref_squeeze %dma_start3A_121 : memref<1x128xi32, #tpu.memory_space<vmem>> -> memref<128xi32, #tpu.memory_space<vmem>>
    %dma_start3A_123 = arith.constant 0 : i32
    %dma_start3A_124 = arith.constant 0 : i32
    %dma_start3A_125 = tpu.memref_slice %arg14[%dma_start3A_123, %dma_start3A_124] : memref<10240x64xf32, #tpu.memory_space<vmem_shared>> -> memref<10240x64xf32, #tpu.memory_space<vmem_shared>>
    tpu.enqueue_indirect_dma source(%dma_start3A_125 : memref<10240x64xf32, #tpu.memory_space<vmem_shared>>) target(%arg12 : memref<128x64xf32, #tpu.memory_space<vmem>>) offsets(%dma_start3A_122 : memref<128xi32, #tpu.memory_space<vmem>>) semaphore(%arg19 : memref<!tpu.dma_semaphore, #tpu.memory_space<semaphore_mem>>)
    %dma_wait3A_126 = arith.constant 2 : i32
    %dma_wait3A_127 = arith.constant 0 : i32
    %dma_wait3A_128 = tpu.memref_slice %arg9[%dma_wait3A_126, %dma_wait3A_127] : memref<3x128xi32, #tpu.memory_space<vmem>> -> memref<1x128xi32, #tpu.memory_space<vmem>>
    %dma_wait3A_129 = tpu.memref_squeeze %dma_wait3A_128 : memref<1x128xi32, #tpu.memory_space<vmem>> -> memref<128xi32, #tpu.memory_space<vmem>>
    %dma_wait3A_130 = arith.constant 0 : i32
    %dma_wait3A_131 = arith.constant 0 : i32
    %dma_wait3A_132 = tpu.memref_slice %arg15[%dma_wait3A_130, %dma_wait3A_131] : memref<10240x64xf32, #tpu.memory_space<vmem_shared>> -> memref<10240x64xf32, #tpu.memory_space<vmem_shared>>
    tpu.wait_indirect_dma semaphore(%arg23 : memref<!tpu.dma_semaphore, #tpu.memory_space<semaphore_mem>>) src(%arg13 : memref<128x64xf32, #tpu.memory_space<vmem>>) dst(%dma_wait3A_132 : memref<10240x64xf32, #tpu.memory_space<vmem_shared>>)
    %dma_start3A_133 = arith.constant 2 : i32
    %dma_start3A_134 = arith.constant 0 : i32
    %dma_start3A_135 = arith.constant 0 : i32
    %dma_start3A_136 = tpu.memref_slice %arg5[%arg1, %dma_start3A_133, %dma_start3A_134, %dma_start3A_135] : memref<16x54x3x128xi32, #tpu.memory_space<hbm>> -> memref<1x1x3x128xi32, #tpu.memory_space<hbm>>
    %dma_start3A_137 = tpu.memref_squeeze %dma_start3A_136 : memref<1x1x3x128xi32, #tpu.memory_space<hbm>> -> memref<3x128xi32, #tpu.memory_space<hbm>>
    %dma_start3A_138 = arith.constant 0 : i32
    %dma_start3A_139 = arith.constant 0 : i32
    %dma_start3A_140 = tpu.memref_slice %arg5[%arg1, %dma_start3A_133, %dma_start3A_138, %dma_start3A_139] : memref<16x54x3x128xi32, #tpu.memory_space<hbm>> -> memref<1x1x3x128xi32, #tpu.memory_space<hbm>>
    %dma_start3A_141 = tpu.memref_squeeze %dma_start3A_140 : memref<1x1x3x128xi32, #tpu.memory_space<hbm>> -> memref<3x128xi32, #tpu.memory_space<hbm>>
    tpu.enqueue_dma source(%dma_start3A_141 : memref<3x128xi32, #tpu.memory_space<hbm>>) target(%arg9 : memref<3x128xi32, #tpu.memory_space<vmem>>) target_semaphore(%arg16 : memref<!tpu.dma_semaphore, #tpu.memory_space<semaphore_mem>>)
    %dma_start3A_142 = arith.constant 5 : i32
    %dma_start3A_143 = arith.constant 0 : i32
    %dma_start3A_144 = tpu.memref_slice %arg8[%dma_start3A_142, %dma_start3A_143] : memref<162x128xi32, #tpu.memory_space<vmem>> -> memref<1x128xi32, #tpu.memory_space<vmem>>
    %dma_start3A_145 = tpu.memref_squeeze %dma_start3A_144 : memref<1x128xi32, #tpu.memory_space<vmem>> -> memref<128xi32, #tpu.memory_space<vmem>>
    %dma_start3A_146 = arith.constant 0 : i32
    %dma_start3A_147 = arith.constant 0 : i32
    %dma_start3A_148 = tpu.memref_slice %arg14[%dma_start3A_146, %dma_start3A_147] : memref<10240x64xf32, #tpu.memory_space<vmem_shared>> -> memref<10240x64xf32, #tpu.memory_space<vmem_shared>>
    tpu.enqueue_indirect_dma source(%dma_start3A_148 : memref<10240x64xf32, #tpu.memory_space<vmem_shared>>) target(%arg13 : memref<128x64xf32, #tpu.memory_space<vmem>>) offsets(%dma_start3A_145 : memref<128xi32, #tpu.memory_space<vmem>>) semaphore(%arg20 : memref<!tpu.dma_semaphore, #tpu.memory_space<semaphore_mem>>)
    %dma_wait3A_149 = arith.constant 1 : i32
    %dma_wait3A_150 = arith.constant 0 : i32
    %dma_wait3A_151 = arith.constant 0 : i32
    %dma_wait3A_152 = tpu.memref_slice %arg5[%arg1, %dma_wait3A_149, %dma_wait3A_150, %dma_wait3A_151] : memref<16x54x3x128xi32, #tpu.memory_space<hbm>> -> memref<1x1x3x128xi32, #tpu.memory_space<hbm>>
    %dma_wait3A_153 = tpu.memref_squeeze %dma_wait3A_152 : memref<1x1x3x128xi32, #tpu.memory_space<hbm>> -> memref<3x128xi32, #tpu.memory_space<hbm>>
    %dma_wait3A_154 = arith.constant 0 : i32
    %dma_wait3A_155 = arith.constant 0 : i32
    %dma_wait3A_156 = tpu.memref_slice %arg5[%arg1, %dma_wait3A_149, %dma_wait3A_154, %dma_wait3A_155] : memref<16x54x3x128xi32, #tpu.memory_space<hbm>> -> memref<1x1x3x128xi32, #tpu.memory_space<hbm>>
    %dma_wait3A_157 = tpu.memref_squeeze %dma_wait3A_156 : memref<1x1x3x128xi32, #tpu.memory_space<hbm>> -> memref<3x128xi32, #tpu.memory_space<hbm>>
    tpu.wait_dma2 semaphore(%arg17 : memref<!tpu.dma_semaphore, #tpu.memory_space<semaphore_mem>>) src(%dma_wait3A_157 : memref<3x128xi32, #tpu.memory_space<hbm>>) dst(%arg10 : memref<3x128xi32, #tpu.memory_space<vmem>>)
    %dma_wait3A_158 = arith.constant 3 : i32
    %dma_wait3A_159 = arith.constant 0 : i32
    %dma_wait3A_160 = tpu.memref_slice %arg8[%dma_wait3A_158, %dma_wait3A_159] : memref<162x128xi32, #tpu.memory_space<vmem>> -> memref<1x128xi32, #tpu.memory_space<vmem>>
    %dma_wait3A_161 = tpu.memref_squeeze %dma_wait3A_160 : memref<1x128xi32, #tpu.memory_space<vmem>> -> memref<128xi32, #tpu.memory_space<vmem>>
    %dma_wait3A_162 = arith.constant 0 : i32
    %dma_wait3A_163 = arith.constant 0 : i32
    %dma_wait3A_164 = tpu.memref_slice %arg14[%dma_wait3A_162, %dma_wait3A_163] : memref<10240x64xf32, #tpu.memory_space<vmem_shared>> -> memref<10240x64xf32, #tpu.memory_space<vmem_shared>>
    tpu.wait_indirect_dma semaphore(%arg18 : memref<!tpu.dma_semaphore, #tpu.memory_space<semaphore_mem>>) src(%dma_wait3A_164 : memref<10240x64xf32, #tpu.memory_space<vmem_shared>>) dst(%arg11 : memref<128x64xf32, #tpu.memory_space<vmem>>)
    %dma_start3A_165 = arith.constant 0 : i32
    %dma_start3A_166 = arith.constant 0 : i32
    %dma_start3A_167 = tpu.memref_slice %arg10[%dma_start3A_165, %dma_start3A_166] : memref<3x128xi32, #tpu.memory_space<vmem>> -> memref<1x128xi32, #tpu.memory_space<vmem>>
    %dma_start3A_168 = tpu.memref_squeeze %dma_start3A_167 : memref<1x128xi32, #tpu.memory_space<vmem>> -> memref<128xi32, #tpu.memory_space<vmem>>
    %dma_start3A_169 = arith.constant 0 : i32
    %dma_start3A_170 = arith.constant 0 : i32
    %dma_start3A_171 = tpu.memref_slice %arg15[%dma_start3A_169, %dma_start3A_170] : memref<10240x64xf32, #tpu.memory_space<vmem_shared>> -> memref<10240x64xf32, #tpu.memory_space<vmem_shared>>
    tpu.enqueue_indirect_dma source(%arg11 : memref<128x64xf32, #tpu.memory_space<vmem>>) target(%dma_start3A_171 : memref<10240x64xf32, #tpu.memory_space<vmem_shared>>) offsets(%dma_start3A_168 : memref<128xi32, #tpu.memory_space<vmem>>) semaphore(%arg21 : memref<!tpu.dma_semaphore, #tpu.memory_space<semaphore_mem>>) {add = true}
    %dma_wait3A_172 = arith.constant 4 : i32
    %dma_wait3A_173 = arith.constant 0 : i32
    %dma_wait3A_174 = tpu.memref_slice %arg8[%dma_wait3A_172, %dma_wait3A_173] : memref<162x128xi32, #tpu.memory_space<vmem>> -> memref<1x128xi32, #tpu.memory_space<vmem>>
    %dma_wait3A_175 = tpu.memref_squeeze %dma_wait3A_174 : memref<1x128xi32, #tpu.memory_space<vmem>> -> memref<128xi32, #tpu.memory_space<vmem>>
    %dma_wait3A_176 = arith.constant 0 : i32
    %dma_wait3A_177 = arith.constant 0 : i32
    %dma_wait3A_178 = tpu.memref_slice %arg14[%dma_wait3A_176, %dma_wait3A_177] : memref<10240x64xf32, #tpu.memory_space<vmem_shared>> -> memref<10240x64xf32, #tpu.memory_space<vmem_shared>>
    tpu.wait_indirect_dma semaphore(%arg19 : memref<!tpu.dma_semaphore, #tpu.memory_space<semaphore_mem>>) src(%dma_wait3A_178 : memref<10240x64xf32, #tpu.memory_space<vmem_shared>>) dst(%arg12 : memref<128x64xf32, #tpu.memory_space<vmem>>)
    %dma_wait3A_179 = arith.constant 0 : i32
    %dma_wait3A_180 = arith.constant 0 : i32
    %dma_wait3A_181 = tpu.memref_slice %arg10[%dma_wait3A_179, %dma_wait3A_180] : memref<3x128xi32, #tpu.memory_space<vmem>> -> memref<1x128xi32, #tpu.memory_space<vmem>>
    %dma_wait3A_182 = tpu.memref_squeeze %dma_wait3A_181 : memref<1x128xi32, #tpu.memory_space<vmem>> -> memref<128xi32, #tpu.memory_space<vmem>>
    %dma_wait3A_183 = arith.constant 0 : i32
    %dma_wait3A_184 = arith.constant 0 : i32
    %dma_wait3A_185 = tpu.memref_slice %arg15[%dma_wait3A_183, %dma_wait3A_184] : memref<10240x64xf32, #tpu.memory_space<vmem_shared>> -> memref<10240x64xf32, #tpu.memory_space<vmem_shared>>
    tpu.wait_indirect_dma semaphore(%arg21 : memref<!tpu.dma_semaphore, #tpu.memory_space<semaphore_mem>>) src(%arg11 : memref<128x64xf32, #tpu.memory_space<vmem>>) dst(%dma_wait3A_185 : memref<10240x64xf32, #tpu.memory_space<vmem_shared>>)
    %dma_start3A_186 = arith.constant 1 : i32
    %dma_start3A_187 = arith.constant 0 : i32
    %dma_start3A_188 = tpu.memref_slice %arg10[%dma_start3A_186, %dma_start3A_187] : memref<3x128xi32, #tpu.memory_space<vmem>> -> memref<1x128xi32, #tpu.memory_space<vmem>>
    %dma_start3A_189 = tpu.memref_squeeze %dma_start3A_188 : memref<1x128xi32, #tpu.memory_space<vmem>> -> memref<128xi32, #tpu.memory_space<vmem>>
    %dma_start3A_190 = arith.constant 0 : i32
    %dma_start3A_191 = arith.constant 0 : i32
    %dma_start3A_192 = tpu.memref_slice %arg15[%dma_start3A_190, %dma_start3A_191] : memref<10240x64xf32, #tpu.memory_space<vmem_shared>> -> memref<10240x64xf32, #tpu.memory_space<vmem_shared>>
    tpu.enqueue_indirect_dma source(%arg12 : memref<128x64xf32, #tpu.memory_space<vmem>>) target(%dma_start3A_192 : memref<10240x64xf32, #tpu.memory_space<vmem_shared>>) offsets(%dma_start3A_189 : memref<128xi32, #tpu.memory_space<vmem>>) semaphore(%arg22 : memref<!tpu.dma_semaphore, #tpu.memory_space<semaphore_mem>>) {add = true}
    %dma_wait3A_193 = arith.constant 5 : i32
    %dma_wait3A_194 = arith.constant 0 : i32
    %dma_wait3A_195 = tpu.memref_slice %arg8[%dma_wait3A_193, %dma_wait3A_194] : memref<162x128xi32, #tpu.memory_space<vmem>> -> memref<1x128xi32, #tpu.memory_space<vmem>>
    %dma_wait3A_196 = tpu.memref_squeeze %dma_wait3A_195 : memref<1x128xi32, #tpu.memory_space<vmem>> -> memref<128xi32, #tpu.memory_space<vmem>>
    %dma_wait3A_197 = arith.constant 0 : i32
    %dma_wait3A_198 = arith.constant 0 : i32
    %dma_wait3A_199 = tpu.memref_slice %arg14[%dma_wait3A_197, %dma_wait3A_198] : memref<10240x64xf32, #tpu.memory_space<vmem_shared>> -> memref<10240x64xf32, #tpu.memory_space<vmem_shared>>
    tpu.wait_indirect_dma semaphore(%arg20 : memref<!tpu.dma_semaphore, #tpu.memory_space<semaphore_mem>>) src(%dma_wait3A_199 : memref<10240x64xf32, #tpu.memory_space<vmem_shared>>) dst(%arg13 : memref<128x64xf32, #tpu.memory_space<vmem>>)
    %dma_wait3A_200 = arith.constant 1 : i32
    %dma_wait3A_201 = arith.constant 0 : i32
    %dma_wait3A_202 = tpu.memref_slice %arg10[%dma_wait3A_200, %dma_wait3A_201] : memref<3x128xi32, #tpu.memory_space<vmem>> -> memref<1x128xi32, #tpu.memory_space<vmem>>
    %dma_wait3A_203 = tpu.memref_squeeze %dma_wait3A_202 : memref<1x128xi32, #tpu.memory_space<vmem>> -> memref<128xi32, #tpu.memory_space<vmem>>
    %dma_wait3A_204 = arith.constant 0 : i32
    %dma_wait3A_205 = arith.constant 0 : i32
    %dma_wait3A_206 = tpu.memref_slice %arg15[%dma_wait3A_204, %dma_wait3A_205] : memref<10240x64xf32, #tpu.memory_space<vmem_shared>> -> memref<10240x64xf32, #tpu.memory_space<vmem_shared>>
    tpu.wait_indirect_dma semaphore(%arg22 : memref<!tpu.dma_semaphore, #tpu.memory_space<semaphore_mem>>) src(%arg12 : memref<128x64xf32, #tpu.memory_space<vmem>>) dst(%dma_wait3A_206 : memref<10240x64xf32, #tpu.memory_space<vmem_shared>>)
    %dma_start3A_207 = arith.constant 2 : i32
    %dma_start3A_208 = arith.constant 0 : i32
    %dma_start3A_209 = tpu.memref_slice %arg10[%dma_start3A_207, %dma_start3A_208] : memref<3x128xi32, #tpu.memory_space<vmem>> -> memref<1x128xi32, #tpu.memory_space<vmem>>
    %dma_start3A_210 = tpu.memref_squeeze %dma_start3A_209 : memref<1x128xi32, #tpu.memory_space<vmem>> -> memref<128xi32, #tpu.memory_space<vmem>>
    %dma_start3A_211 = arith.constant 0 : i32
    %dma_start3A_212 = arith.constant 0 : i32
    %dma_start3A_213 = tpu.memref_slice %arg15[%dma_start3A_211, %dma_start3A_212] : memref<10240x64xf32, #tpu.memory_space<vmem_shared>> -> memref<10240x64xf32, #tpu.memory_space<vmem_shared>>
    tpu.enqueue_indirect_dma source(%arg13 : memref<128x64xf32, #tpu.memory_space<vmem>>) target(%dma_start3A_213 : memref<10240x64xf32, #tpu.memory_space<vmem_shared>>) offsets(%dma_start3A_210 : memref<128xi32, #tpu.memory_space<vmem>>) semaphore(%arg23 : memref<!tpu.dma_semaphore, #tpu.memory_space<semaphore_mem>>) {add = true}
    %scan3A = arith.constant 0 : i32
    %scan3A_214 = arith.constant 1 : i32
    %scan3A_215 = arith.constant 26 : i32
    %scan3A_216 = arith.addi %scan3A_214, %scan3A_215 : i32
    %scan3A_217 = arith.constant 1 : i32
    scf.for %scan3A_240 = %scan3A_214 to %scan3A_216 step %scan3A_217  : i32 {
      %mul3A_241 = arith.constant 2 : i32
      %mul3A_242 = arith.muli %mul3A_241, %scan3A_240 : i32
      %add3A = arith.constant 1 : i32
      %add3A_243 = arith.addi %mul3A_242, %add3A : i32
      %mul3A_244 = arith.constant 3 : i32
      %mul3A_245 = arith.muli %mul3A_242, %mul3A_244 : i32
      %add3A_246 = arith.constant 0 : i32
      %add3A_247 = arith.addi %mul3A_245, %add3A_246 : i32
      %dma_start3A_248 = arith.constant 0 : i32
      %dma_start3A_249 = tpu.memref_slice %arg8[%add3A_247, %dma_start3A_248] : memref<162x128xi32, #tpu.memory_space<vmem>> -> memref<1x128xi32, #tpu.memory_space<vmem>>
      %dma_start3A_250 = tpu.memref_squeeze %dma_start3A_249 : memref<1x128xi32, #tpu.memory_space<vmem>> -> memref<128xi32, #tpu.memory_space<vmem>>
      %dma_start3A_251 = arith.constant 0 : i32
      %dma_start3A_252 = arith.constant 0 : i32
      %dma_start3A_253 = tpu.memref_slice %arg14[%dma_start3A_251, %dma_start3A_252] : memref<10240x64xf32, #tpu.memory_space<vmem_shared>> -> memref<10240x64xf32, #tpu.memory_space<vmem_shared>>
      tpu.enqueue_indirect_dma source(%dma_start3A_253 : memref<10240x64xf32, #tpu.memory_space<vmem_shared>>) target(%arg11 : memref<128x64xf32, #tpu.memory_space<vmem>>) offsets(%dma_start3A_250 : memref<128xi32, #tpu.memory_space<vmem>>) semaphore(%arg18 : memref<!tpu.dma_semaphore, #tpu.memory_space<semaphore_mem>>)
      %add3A_254 = arith.constant 1 : i32
      %add3A_255 = arith.addi %mul3A_245, %add3A_254 : i32
      %dma_start3A_256 = arith.constant 0 : i32
      %dma_start3A_257 = tpu.memref_slice %arg8[%add3A_255, %dma_start3A_256] : memref<162x128xi32, #tpu.memory_space<vmem>> -> memref<1x128xi32, #tpu.memory_space<vmem>>
      %dma_start3A_258 = tpu.memref_squeeze %dma_start3A_257 : memref<1x128xi32, #tpu.memory_space<vmem>> -> memref<128xi32, #tpu.memory_space<vmem>>
      %dma_start3A_259 = arith.constant 0 : i32
      %dma_start3A_260 = arith.constant 0 : i32
      %dma_start3A_261 = tpu.memref_slice %arg14[%dma_start3A_259, %dma_start3A_260] : memref<10240x64xf32, #tpu.memory_space<vmem_shared>> -> memref<10240x64xf32, #tpu.memory_space<vmem_shared>>
      tpu.enqueue_indirect_dma source(%dma_start3A_261 : memref<10240x64xf32, #tpu.memory_space<vmem_shared>>) target(%arg12 : memref<128x64xf32, #tpu.memory_space<vmem>>) offsets(%dma_start3A_258 : memref<128xi32, #tpu.memory_space<vmem>>) semaphore(%arg19 : memref<!tpu.dma_semaphore, #tpu.memory_space<semaphore_mem>>)
      %dma_wait3A_262 = arith.constant 2 : i32
      %dma_wait3A_263 = arith.constant 0 : i32
      %dma_wait3A_264 = tpu.memref_slice %arg10[%dma_wait3A_262, %dma_wait3A_263] : memref<3x128xi32, #tpu.memory_space<vmem>> -> memref<1x128xi32, #tpu.memory_space<vmem>>
      %dma_wait3A_265 = tpu.memref_squeeze %dma_wait3A_264 : memref<1x128xi32, #tpu.memory_space<vmem>> -> memref<128xi32, #tpu.memory_space<vmem>>
      %dma_wait3A_266 = arith.constant 0 : i32
      %dma_wait3A_267 = arith.constant 0 : i32
      %dma_wait3A_268 = tpu.memref_slice %arg15[%dma_wait3A_266, %dma_wait3A_267] : memref<10240x64xf32, #tpu.memory_space<vmem_shared>> -> memref<10240x64xf32, #tpu.memory_space<vmem_shared>>
      tpu.wait_indirect_dma semaphore(%arg23 : memref<!tpu.dma_semaphore, #tpu.memory_space<semaphore_mem>>) src(%arg13 : memref<128x64xf32, #tpu.memory_space<vmem>>) dst(%dma_wait3A_268 : memref<10240x64xf32, #tpu.memory_space<vmem_shared>>)
      %dma_start3A_269 = arith.constant 0 : i32
      %dma_start3A_270 = arith.constant 0 : i32
      %dma_start3A_271 = tpu.memref_slice %arg5[%arg1, %add3A_243, %dma_start3A_269, %dma_start3A_270] : memref<16x54x3x128xi32, #tpu.memory_space<hbm>> -> memref<1x1x3x128xi32, #tpu.memory_space<hbm>>
      %dma_start3A_272 = tpu.memref_squeeze %dma_start3A_271 : memref<1x1x3x128xi32, #tpu.memory_space<hbm>> -> memref<3x128xi32, #tpu.memory_space<hbm>>
      %dma_start3A_273 = arith.constant 0 : i32
      %dma_start3A_274 = arith.constant 0 : i32
      %dma_start3A_275 = tpu.memref_slice %arg5[%arg1, %add3A_243, %dma_start3A_273, %dma_start3A_274] : memref<16x54x3x128xi32, #tpu.memory_space<hbm>> -> memref<1x1x3x128xi32, #tpu.memory_space<hbm>>
      %dma_start3A_276 = tpu.memref_squeeze %dma_start3A_275 : memref<1x1x3x128xi32, #tpu.memory_space<hbm>> -> memref<3x128xi32, #tpu.memory_space<hbm>>
      tpu.enqueue_dma source(%dma_start3A_276 : memref<3x128xi32, #tpu.memory_space<hbm>>) target(%arg10 : memref<3x128xi32, #tpu.memory_space<vmem>>) target_semaphore(%arg17 : memref<!tpu.dma_semaphore, #tpu.memory_space<semaphore_mem>>)
      %add3A_277 = arith.constant 3 : i32
      %add3A_278 = arith.addi %mul3A_245, %add3A_277 : i32
      %sub3A = arith.constant 1 : i32
      %sub3A_279 = arith.subi %add3A_278, %sub3A : i32
      %dma_start3A_280 = arith.constant 0 : i32
      %dma_start3A_281 = tpu.memref_slice %arg8[%sub3A_279, %dma_start3A_280] : memref<162x128xi32, #tpu.memory_space<vmem>> -> memref<1x128xi32, #tpu.memory_space<vmem>>
      %dma_start3A_282 = tpu.memref_squeeze %dma_start3A_281 : memref<1x128xi32, #tpu.memory_space<vmem>> -> memref<128xi32, #tpu.memory_space<vmem>>
      %dma_start3A_283 = arith.constant 0 : i32
      %dma_start3A_284 = arith.constant 0 : i32
      %dma_start3A_285 = tpu.memref_slice %arg14[%dma_start3A_283, %dma_start3A_284] : memref<10240x64xf32, #tpu.memory_space<vmem_shared>> -> memref<10240x64xf32, #tpu.memory_space<vmem_shared>>
      tpu.enqueue_indirect_dma source(%dma_start3A_285 : memref<10240x64xf32, #tpu.memory_space<vmem_shared>>) target(%arg13 : memref<128x64xf32, #tpu.memory_space<vmem>>) offsets(%dma_start3A_282 : memref<128xi32, #tpu.memory_space<vmem>>) semaphore(%arg20 : memref<!tpu.dma_semaphore, #tpu.memory_space<semaphore_mem>>)
      %dma_wait3A_286 = arith.constant 0 : i32
      %dma_wait3A_287 = arith.constant 0 : i32
      %dma_wait3A_288 = tpu.memref_slice %arg5[%arg1, %mul3A_242, %dma_wait3A_286, %dma_wait3A_287] : memref<16x54x3x128xi32, #tpu.memory_space<hbm>> -> memref<1x1x3x128xi32, #tpu.memory_space<hbm>>
      %dma_wait3A_289 = tpu.memref_squeeze %dma_wait3A_288 : memref<1x1x3x128xi32, #tpu.memory_space<hbm>> -> memref<3x128xi32, #tpu.memory_space<hbm>>
      %dma_wait3A_290 = arith.constant 0 : i32
      %dma_wait3A_291 = arith.constant 0 : i32
      %dma_wait3A_292 = tpu.memref_slice %arg5[%arg1, %mul3A_242, %dma_wait3A_290, %dma_wait3A_291] : memref<16x54x3x128xi32, #tpu.memory_space<hbm>> -> memref<1x1x3x128xi32, #tpu.memory_space<hbm>>
      %dma_wait3A_293 = tpu.memref_squeeze %dma_wait3A_292 : memref<1x1x3x128xi32, #tpu.memory_space<hbm>> -> memref<3x128xi32, #tpu.memory_space<hbm>>
      tpu.wait_dma2 semaphore(%arg16 : memref<!tpu.dma_semaphore, #tpu.memory_space<semaphore_mem>>) src(%dma_wait3A_293 : memref<3x128xi32, #tpu.memory_space<hbm>>) dst(%arg9 : memref<3x128xi32, #tpu.memory_space<vmem>>)
      %dma_wait3A_294 = arith.constant 0 : i32
      %dma_wait3A_295 = tpu.memref_slice %arg8[%add3A_247, %dma_wait3A_294] : memref<162x128xi32, #tpu.memory_space<vmem>> -> memref<1x128xi32, #tpu.memory_space<vmem>>
      %dma_wait3A_296 = tpu.memref_squeeze %dma_wait3A_295 : memref<1x128xi32, #tpu.memory_space<vmem>> -> memref<128xi32, #tpu.memory_space<vmem>>
      %dma_wait3A_297 = arith.constant 0 : i32
      %dma_wait3A_298 = arith.constant 0 : i32
      %dma_wait3A_299 = tpu.memref_slice %arg14[%dma_wait3A_297, %dma_wait3A_298] : memref<10240x64xf32, #tpu.memory_space<vmem_shared>> -> memref<10240x64xf32, #tpu.memory_space<vmem_shared>>
      tpu.wait_indirect_dma semaphore(%arg18 : memref<!tpu.dma_semaphore, #tpu.memory_space<semaphore_mem>>) src(%dma_wait3A_299 : memref<10240x64xf32, #tpu.memory_space<vmem_shared>>) dst(%arg11 : memref<128x64xf32, #tpu.memory_space<vmem>>)
      %dma_start3A_300 = arith.constant 0 : i32
      %dma_start3A_301 = arith.constant 0 : i32
      %dma_start3A_302 = tpu.memref_slice %arg9[%dma_start3A_300, %dma_start3A_301] : memref<3x128xi32, #tpu.memory_space<vmem>> -> memref<1x128xi32, #tpu.memory_space<vmem>>
      %dma_start3A_303 = tpu.memref_squeeze %dma_start3A_302 : memref<1x128xi32, #tpu.memory_space<vmem>> -> memref<128xi32, #tpu.memory_space<vmem>>
      %dma_start3A_304 = arith.constant 0 : i32
      %dma_start3A_305 = arith.constant 0 : i32
      %dma_start3A_306 = tpu.memref_slice %arg15[%dma_start3A_304, %dma_start3A_305] : memref<10240x64xf32, #tpu.memory_space<vmem_shared>> -> memref<10240x64xf32, #tpu.memory_space<vmem_shared>>
      tpu.enqueue_indirect_dma source(%arg11 : memref<128x64xf32, #tpu.memory_space<vmem>>) target(%dma_start3A_306 : memref<10240x64xf32, #tpu.memory_space<vmem_shared>>) offsets(%dma_start3A_303 : memref<128xi32, #tpu.memory_space<vmem>>) semaphore(%arg21 : memref<!tpu.dma_semaphore, #tpu.memory_space<semaphore_mem>>) {add = true}
      %dma_wait3A_307 = arith.constant 0 : i32
      %dma_wait3A_308 = tpu.memref_slice %arg8[%add3A_255, %dma_wait3A_307] : memref<162x128xi32, #tpu.memory_space<vmem>> -> memref<1x128xi32, #tpu.memory_space<vmem>>
      %dma_wait3A_309 = tpu.memref_squeeze %dma_wait3A_308 : memref<1x128xi32, #tpu.memory_space<vmem>> -> memref<128xi32, #tpu.memory_space<vmem>>
      %dma_wait3A_310 = arith.constant 0 : i32
      %dma_wait3A_311 = arith.constant 0 : i32
      %dma_wait3A_312 = tpu.memref_slice %arg14[%dma_wait3A_310, %dma_wait3A_311] : memref<10240x64xf32, #tpu.memory_space<vmem_shared>> -> memref<10240x64xf32, #tpu.memory_space<vmem_shared>>
      tpu.wait_indirect_dma semaphore(%arg19 : memref<!tpu.dma_semaphore, #tpu.memory_space<semaphore_mem>>) src(%dma_wait3A_312 : memref<10240x64xf32, #tpu.memory_space<vmem_shared>>) dst(%arg12 : memref<128x64xf32, #tpu.memory_space<vmem>>)
      %dma_wait3A_313 = arith.constant 0 : i32
      %dma_wait3A_314 = arith.constant 0 : i32
      %dma_wait3A_315 = tpu.memref_slice %arg9[%dma_wait3A_313, %dma_wait3A_314] : memref<3x128xi32, #tpu.memory_space<vmem>> -> memref<1x128xi32, #tpu.memory_space<vmem>>
      %dma_wait3A_316 = tpu.memref_squeeze %dma_wait3A_315 : memref<1x128xi32, #tpu.memory_space<vmem>> -> memref<128xi32, #tpu.memory_space<vmem>>
      %dma_wait3A_317 = arith.constant 0 : i32
      %dma_wait3A_318 = arith.constant 0 : i32
      %dma_wait3A_319 = tpu.memref_slice %arg15[%dma_wait3A_317, %dma_wait3A_318] : memref<10240x64xf32, #tpu.memory_space<vmem_shared>> -> memref<10240x64xf32, #tpu.memory_space<vmem_shared>>
      tpu.wait_indirect_dma semaphore(%arg21 : memref<!tpu.dma_semaphore, #tpu.memory_space<semaphore_mem>>) src(%arg11 : memref<128x64xf32, #tpu.memory_space<vmem>>) dst(%dma_wait3A_319 : memref<10240x64xf32, #tpu.memory_space<vmem_shared>>)
      %dma_start3A_320 = arith.constant 1 : i32
      %dma_start3A_321 = arith.constant 0 : i32
      %dma_start3A_322 = tpu.memref_slice %arg9[%dma_start3A_320, %dma_start3A_321] : memref<3x128xi32, #tpu.memory_space<vmem>> -> memref<1x128xi32, #tpu.memory_space<vmem>>
      %dma_start3A_323 = tpu.memref_squeeze %dma_start3A_322 : memref<1x128xi32, #tpu.memory_space<vmem>> -> memref<128xi32, #tpu.memory_space<vmem>>
      %dma_start3A_324 = arith.constant 0 : i32
      %dma_start3A_325 = arith.constant 0 : i32
      %dma_start3A_326 = tpu.memref_slice %arg15[%dma_start3A_324, %dma_start3A_325] : memref<10240x64xf32, #tpu.memory_space<vmem_shared>> -> memref<10240x64xf32, #tpu.memory_space<vmem_shared>>
      tpu.enqueue_indirect_dma source(%arg12 : memref<128x64xf32, #tpu.memory_space<vmem>>) target(%dma_start3A_326 : memref<10240x64xf32, #tpu.memory_space<vmem_shared>>) offsets(%dma_start3A_323 : memref<128xi32, #tpu.memory_space<vmem>>) semaphore(%arg22 : memref<!tpu.dma_semaphore, #tpu.memory_space<semaphore_mem>>) {add = true}
      %dma_wait3A_327 = arith.constant 0 : i32
      %dma_wait3A_328 = tpu.memref_slice %arg8[%sub3A_279, %dma_wait3A_327] : memref<162x128xi32, #tpu.memory_space<vmem>> -> memref<1x128xi32, #tpu.memory_space<vmem>>
      %dma_wait3A_329 = tpu.memref_squeeze %dma_wait3A_328 : memref<1x128xi32, #tpu.memory_space<vmem>> -> memref<128xi32, #tpu.memory_space<vmem>>
      %dma_wait3A_330 = arith.constant 0 : i32
      %dma_wait3A_331 = arith.constant 0 : i32
      %dma_wait3A_332 = tpu.memref_slice %arg14[%dma_wait3A_330, %dma_wait3A_331] : memref<10240x64xf32, #tpu.memory_space<vmem_shared>> -> memref<10240x64xf32, #tpu.memory_space<vmem_shared>>
      tpu.wait_indirect_dma semaphore(%arg20 : memref<!tpu.dma_semaphore, #tpu.memory_space<semaphore_mem>>) src(%dma_wait3A_332 : memref<10240x64xf32, #tpu.memory_space<vmem_shared>>) dst(%arg13 : memref<128x64xf32, #tpu.memory_space<vmem>>)
      %dma_wait3A_333 = arith.constant 1 : i32
      %dma_wait3A_334 = arith.constant 0 : i32
      %dma_wait3A_335 = tpu.memref_slice %arg9[%dma_wait3A_333, %dma_wait3A_334] : memref<3x128xi32, #tpu.memory_space<vmem>> -> memref<1x128xi32, #tpu.memory_space<vmem>>
      %dma_wait3A_336 = tpu.memref_squeeze %dma_wait3A_335 : memref<1x128xi32, #tpu.memory_space<vmem>> -> memref<128xi32, #tpu.memory_space<vmem>>
      %dma_wait3A_337 = arith.constant 0 : i32
      %dma_wait3A_338 = arith.constant 0 : i32
      %dma_wait3A_339 = tpu.memref_slice %arg15[%dma_wait3A_337, %dma_wait3A_338] : memref<10240x64xf32, #tpu.memory_space<vmem_shared>> -> memref<10240x64xf32, #tpu.memory_space<vmem_shared>>
      tpu.wait_indirect_dma semaphore(%arg22 : memref<!tpu.dma_semaphore, #tpu.memory_space<semaphore_mem>>) src(%arg12 : memref<128x64xf32, #tpu.memory_space<vmem>>) dst(%dma_wait3A_339 : memref<10240x64xf32, #tpu.memory_space<vmem_shared>>)
      %dma_start3A_340 = arith.constant 2 : i32
      %dma_start3A_341 = arith.constant 0 : i32
      %dma_start3A_342 = tpu.memref_slice %arg9[%dma_start3A_340, %dma_start3A_341] : memref<3x128xi32, #tpu.memory_space<vmem>> -> memref<1x128xi32, #tpu.memory_space<vmem>>
      %dma_start3A_343 = tpu.memref_squeeze %dma_start3A_342 : memref<1x128xi32, #tpu.memory_space<vmem>> -> memref<128xi32, #tpu.memory_space<vmem>>
      %dma_start3A_344 = arith.constant 0 : i32
      %dma_start3A_345 = arith.constant 0 : i32
      %dma_start3A_346 = tpu.memref_slice %arg15[%dma_start3A_344, %dma_start3A_345] : memref<10240x64xf32, #tpu.memory_space<vmem_shared>> -> memref<10240x64xf32, #tpu.memory_space<vmem_shared>>
      tpu.enqueue_indirect_dma source(%arg13 : memref<128x64xf32, #tpu.memory_space<vmem>>) target(%dma_start3A_346 : memref<10240x64xf32, #tpu.memory_space<vmem_shared>>) offsets(%dma_start3A_343 : memref<128xi32, #tpu.memory_space<vmem>>) semaphore(%arg23 : memref<!tpu.dma_semaphore, #tpu.memory_space<semaphore_mem>>) {add = true}
      %add3A_347 = arith.constant 1 : i32
      %add3A_348 = arith.addi %mul3A_242, %add3A_347 : i32
      %add3A_349 = arith.constant 2 : i32
      %add3A_350 = arith.addi %mul3A_242, %add3A_349 : i32
      %rem3A = arith.constant 54 : i32
      %rem3A_351 = arith.remsi %add3A_350, %rem3A : i32
      %mul3A_352 = arith.constant 3 : i32
      %mul3A_353 = arith.muli %add3A_348, %mul3A_352 : i32
      %add3A_354 = arith.constant 0 : i32
      %add3A_355 = arith.addi %mul3A_353, %add3A_354 : i32
      %dma_start3A_356 = arith.constant 0 : i32
      %dma_start3A_357 = tpu.memref_slice %arg8[%add3A_355, %dma_start3A_356] : memref<162x128xi32, #tpu.memory_space<vmem>> -> memref<1x128xi32, #tpu.memory_space<vmem>>
      %dma_start3A_358 = tpu.memref_squeeze %dma_start3A_357 : memref<1x128xi32, #tpu.memory_space<vmem>> -> memref<128xi32, #tpu.memory_space<vmem>>
      %dma_start3A_359 = arith.constant 0 : i32
      %dma_start3A_360 = arith.constant 0 : i32
      %dma_start3A_361 = tpu.memref_slice %arg14[%dma_start3A_359, %dma_start3A_360] : memref<10240x64xf32, #tpu.memory_space<vmem_shared>> -> memref<10240x64xf32, #tpu.memory_space<vmem_shared>>
      tpu.enqueue_indirect_dma source(%dma_start3A_361 : memref<10240x64xf32, #tpu.memory_space<vmem_shared>>) target(%arg11 : memref<128x64xf32, #tpu.memory_space<vmem>>) offsets(%dma_start3A_358 : memref<128xi32, #tpu.memory_space<vmem>>) semaphore(%arg18 : memref<!tpu.dma_semaphore, #tpu.memory_space<semaphore_mem>>)
      %add3A_362 = arith.constant 1 : i32
      %add3A_363 = arith.addi %mul3A_353, %add3A_362 : i32
      %dma_start3A_364 = arith.constant 0 : i32
      %dma_start3A_365 = tpu.memref_slice %arg8[%add3A_363, %dma_start3A_364] : memref<162x128xi32, #tpu.memory_space<vmem>> -> memref<1x128xi32, #tpu.memory_space<vmem>>
      %dma_start3A_366 = tpu.memref_squeeze %dma_start3A_365 : memref<1x128xi32, #tpu.memory_space<vmem>> -> memref<128xi32, #tpu.memory_space<vmem>>
      %dma_start3A_367 = arith.constant 0 : i32
      %dma_start3A_368 = arith.constant 0 : i32
      %dma_start3A_369 = tpu.memref_slice %arg14[%dma_start3A_367, %dma_start3A_368] : memref<10240x64xf32, #tpu.memory_space<vmem_shared>> -> memref<10240x64xf32, #tpu.memory_space<vmem_shared>>
      tpu.enqueue_indirect_dma source(%dma_start3A_369 : memref<10240x64xf32, #tpu.memory_space<vmem_shared>>) target(%arg12 : memref<128x64xf32, #tpu.memory_space<vmem>>) offsets(%dma_start3A_366 : memref<128xi32, #tpu.memory_space<vmem>>) semaphore(%arg19 : memref<!tpu.dma_semaphore, #tpu.memory_space<semaphore_mem>>)
      %dma_wait3A_370 = arith.constant 2 : i32
      %dma_wait3A_371 = arith.constant 0 : i32
      %dma_wait3A_372 = tpu.memref_slice %arg9[%dma_wait3A_370, %dma_wait3A_371] : memref<3x128xi32, #tpu.memory_space<vmem>> -> memref<1x128xi32, #tpu.memory_space<vmem>>
      %dma_wait3A_373 = tpu.memref_squeeze %dma_wait3A_372 : memref<1x128xi32, #tpu.memory_space<vmem>> -> memref<128xi32, #tpu.memory_space<vmem>>
      %dma_wait3A_374 = arith.constant 0 : i32
      %dma_wait3A_375 = arith.constant 0 : i32
      %dma_wait3A_376 = tpu.memref_slice %arg15[%dma_wait3A_374, %dma_wait3A_375] : memref<10240x64xf32, #tpu.memory_space<vmem_shared>> -> memref<10240x64xf32, #tpu.memory_space<vmem_shared>>
      tpu.wait_indirect_dma semaphore(%arg23 : memref<!tpu.dma_semaphore, #tpu.memory_space<semaphore_mem>>) src(%arg13 : memref<128x64xf32, #tpu.memory_space<vmem>>) dst(%dma_wait3A_376 : memref<10240x64xf32, #tpu.memory_space<vmem_shared>>)
      %dma_start3A_377 = arith.constant 0 : i32
      %dma_start3A_378 = arith.constant 0 : i32
      %dma_start3A_379 = tpu.memref_slice %arg5[%arg1, %rem3A_351, %dma_start3A_377, %dma_start3A_378] : memref<16x54x3x128xi32, #tpu.memory_space<hbm>> -> memref<1x1x3x128xi32, #tpu.memory_space<hbm>>
      %dma_start3A_380 = tpu.memref_squeeze %dma_start3A_379 : memref<1x1x3x128xi32, #tpu.memory_space<hbm>> -> memref<3x128xi32, #tpu.memory_space<hbm>>
      %dma_start3A_381 = arith.constant 0 : i32
      %dma_start3A_382 = arith.constant 0 : i32
      %dma_start3A_383 = tpu.memref_slice %arg5[%arg1, %rem3A_351, %dma_start3A_381, %dma_start3A_382] : memref<16x54x3x128xi32, #tpu.memory_space<hbm>> -> memref<1x1x3x128xi32, #tpu.memory_space<hbm>>
      %dma_start3A_384 = tpu.memref_squeeze %dma_start3A_383 : memref<1x1x3x128xi32, #tpu.memory_space<hbm>> -> memref<3x128xi32, #tpu.memory_space<hbm>>
      tpu.enqueue_dma source(%dma_start3A_384 : memref<3x128xi32, #tpu.memory_space<hbm>>) target(%arg9 : memref<3x128xi32, #tpu.memory_space<vmem>>) target_semaphore(%arg16 : memref<!tpu.dma_semaphore, #tpu.memory_space<semaphore_mem>>)
      %add3A_385 = arith.constant 3 : i32
      %add3A_386 = arith.addi %mul3A_353, %add3A_385 : i32
      %sub3A_387 = arith.constant 1 : i32
      %sub3A_388 = arith.subi %add3A_386, %sub3A_387 : i32
      %dma_start3A_389 = arith.constant 0 : i32
      %dma_start3A_390 = tpu.memref_slice %arg8[%sub3A_388, %dma_start3A_389] : memref<162x128xi32, #tpu.memory_space<vmem>> -> memref<1x128xi32, #tpu.memory_space<vmem>>
      %dma_start3A_391 = tpu.memref_squeeze %dma_start3A_390 : memref<1x128xi32, #tpu.memory_space<vmem>> -> memref<128xi32, #tpu.memory_space<vmem>>
      %dma_start3A_392 = arith.constant 0 : i32
      %dma_start3A_393 = arith.constant 0 : i32
      %dma_start3A_394 = tpu.memref_slice %arg14[%dma_start3A_392, %dma_start3A_393] : memref<10240x64xf32, #tpu.memory_space<vmem_shared>> -> memref<10240x64xf32, #tpu.memory_space<vmem_shared>>
      tpu.enqueue_indirect_dma source(%dma_start3A_394 : memref<10240x64xf32, #tpu.memory_space<vmem_shared>>) target(%arg13 : memref<128x64xf32, #tpu.memory_space<vmem>>) offsets(%dma_start3A_391 : memref<128xi32, #tpu.memory_space<vmem>>) semaphore(%arg20 : memref<!tpu.dma_semaphore, #tpu.memory_space<semaphore_mem>>)
      %dma_wait3A_395 = arith.constant 0 : i32
      %dma_wait3A_396 = arith.constant 0 : i32
      %dma_wait3A_397 = tpu.memref_slice %arg5[%arg1, %add3A_348, %dma_wait3A_395, %dma_wait3A_396] : memref<16x54x3x128xi32, #tpu.memory_space<hbm>> -> memref<1x1x3x128xi32, #tpu.memory_space<hbm>>
      %dma_wait3A_398 = tpu.memref_squeeze %dma_wait3A_397 : memref<1x1x3x128xi32, #tpu.memory_space<hbm>> -> memref<3x128xi32, #tpu.memory_space<hbm>>
      %dma_wait3A_399 = arith.constant 0 : i32
      %dma_wait3A_400 = arith.constant 0 : i32
      %dma_wait3A_401 = tpu.memref_slice %arg5[%arg1, %add3A_348, %dma_wait3A_399, %dma_wait3A_400] : memref<16x54x3x128xi32, #tpu.memory_space<hbm>> -> memref<1x1x3x128xi32, #tpu.memory_space<hbm>>
      %dma_wait3A_402 = tpu.memref_squeeze %dma_wait3A_401 : memref<1x1x3x128xi32, #tpu.memory_space<hbm>> -> memref<3x128xi32, #tpu.memory_space<hbm>>
      tpu.wait_dma2 semaphore(%arg17 : memref<!tpu.dma_semaphore, #tpu.memory_space<semaphore_mem>>) src(%dma_wait3A_402 : memref<3x128xi32, #tpu.memory_space<hbm>>) dst(%arg10 : memref<3x128xi32, #tpu.memory_space<vmem>>)
      %dma_wait3A_403 = arith.constant 0 : i32
      %dma_wait3A_404 = tpu.memref_slice %arg8[%add3A_355, %dma_wait3A_403] : memref<162x128xi32, #tpu.memory_space<vmem>> -> memref<1x128xi32, #tpu.memory_space<vmem>>
      %dma_wait3A_405 = tpu.memref_squeeze %dma_wait3A_404 : memref<1x128xi32, #tpu.memory_space<vmem>> -> memref<128xi32, #tpu.memory_space<vmem>>
      %dma_wait3A_406 = arith.constant 0 : i32
      %dma_wait3A_407 = arith.constant 0 : i32
      %dma_wait3A_408 = tpu.memref_slice %arg14[%dma_wait3A_406, %dma_wait3A_407] : memref<10240x64xf32, #tpu.memory_space<vmem_shared>> -> memref<10240x64xf32, #tpu.memory_space<vmem_shared>>
      tpu.wait_indirect_dma semaphore(%arg18 : memref<!tpu.dma_semaphore, #tpu.memory_space<semaphore_mem>>) src(%dma_wait3A_408 : memref<10240x64xf32, #tpu.memory_space<vmem_shared>>) dst(%arg11 : memref<128x64xf32, #tpu.memory_space<vmem>>)
      %dma_start3A_409 = arith.constant 0 : i32
      %dma_start3A_410 = arith.constant 0 : i32
      %dma_start3A_411 = tpu.memref_slice %arg10[%dma_start3A_409, %dma_start3A_410] : memref<3x128xi32, #tpu.memory_space<vmem>> -> memref<1x128xi32, #tpu.memory_space<vmem>>
      %dma_start3A_412 = tpu.memref_squeeze %dma_start3A_411 : memref<1x128xi32, #tpu.memory_space<vmem>> -> memref<128xi32, #tpu.memory_space<vmem>>
      %dma_start3A_413 = arith.constant 0 : i32
      %dma_start3A_414 = arith.constant 0 : i32
      %dma_start3A_415 = tpu.memref_slice %arg15[%dma_start3A_413, %dma_start3A_414] : memref<10240x64xf32, #tpu.memory_space<vmem_shared>> -> memref<10240x64xf32, #tpu.memory_space<vmem_shared>>
      tpu.enqueue_indirect_dma source(%arg11 : memref<128x64xf32, #tpu.memory_space<vmem>>) target(%dma_start3A_415 : memref<10240x64xf32, #tpu.memory_space<vmem_shared>>) offsets(%dma_start3A_412 : memref<128xi32, #tpu.memory_space<vmem>>) semaphore(%arg21 : memref<!tpu.dma_semaphore, #tpu.memory_space<semaphore_mem>>) {add = true}
      %dma_wait3A_416 = arith.constant 0 : i32
      %dma_wait3A_417 = tpu.memref_slice %arg8[%add3A_363, %dma_wait3A_416] : memref<162x128xi32, #tpu.memory_space<vmem>> -> memref<1x128xi32, #tpu.memory_space<vmem>>
      %dma_wait3A_418 = tpu.memref_squeeze %dma_wait3A_417 : memref<1x128xi32, #tpu.memory_space<vmem>> -> memref<128xi32, #tpu.memory_space<vmem>>
      %dma_wait3A_419 = arith.constant 0 : i32
      %dma_wait3A_420 = arith.constant 0 : i32
      %dma_wait3A_421 = tpu.memref_slice %arg14[%dma_wait3A_419, %dma_wait3A_420] : memref<10240x64xf32, #tpu.memory_space<vmem_shared>> -> memref<10240x64xf32, #tpu.memory_space<vmem_shared>>
      tpu.wait_indirect_dma semaphore(%arg19 : memref<!tpu.dma_semaphore, #tpu.memory_space<semaphore_mem>>) src(%dma_wait3A_421 : memref<10240x64xf32, #tpu.memory_space<vmem_shared>>) dst(%arg12 : memref<128x64xf32, #tpu.memory_space<vmem>>)
      %dma_wait3A_422 = arith.constant 0 : i32
      %dma_wait3A_423 = arith.constant 0 : i32
      %dma_wait3A_424 = tpu.memref_slice %arg10[%dma_wait3A_422, %dma_wait3A_423] : memref<3x128xi32, #tpu.memory_space<vmem>> -> memref<1x128xi32, #tpu.memory_space<vmem>>
      %dma_wait3A_425 = tpu.memref_squeeze %dma_wait3A_424 : memref<1x128xi32, #tpu.memory_space<vmem>> -> memref<128xi32, #tpu.memory_space<vmem>>
      %dma_wait3A_426 = arith.constant 0 : i32
      %dma_wait3A_427 = arith.constant 0 : i32
      %dma_wait3A_428 = tpu.memref_slice %arg15[%dma_wait3A_426, %dma_wait3A_427] : memref<10240x64xf32, #tpu.memory_space<vmem_shared>> -> memref<10240x64xf32, #tpu.memory_space<vmem_shared>>
      tpu.wait_indirect_dma semaphore(%arg21 : memref<!tpu.dma_semaphore, #tpu.memory_space<semaphore_mem>>) src(%arg11 : memref<128x64xf32, #tpu.memory_space<vmem>>) dst(%dma_wait3A_428 : memref<10240x64xf32, #tpu.memory_space<vmem_shared>>)
      %dma_start3A_429 = arith.constant 1 : i32
      %dma_start3A_430 = arith.constant 0 : i32
      %dma_start3A_431 = tpu.memref_slice %arg10[%dma_start3A_429, %dma_start3A_430] : memref<3x128xi32, #tpu.memory_space<vmem>> -> memref<1x128xi32, #tpu.memory_space<vmem>>
      %dma_start3A_432 = tpu.memref_squeeze %dma_start3A_431 : memref<1x128xi32, #tpu.memory_space<vmem>> -> memref<128xi32, #tpu.memory_space<vmem>>
      %dma_start3A_433 = arith.constant 0 : i32
      %dma_start3A_434 = arith.constant 0 : i32
      %dma_start3A_435 = tpu.memref_slice %arg15[%dma_start3A_433, %dma_start3A_434] : memref<10240x64xf32, #tpu.memory_space<vmem_shared>> -> memref<10240x64xf32, #tpu.memory_space<vmem_shared>>
      tpu.enqueue_indirect_dma source(%arg12 : memref<128x64xf32, #tpu.memory_space<vmem>>) target(%dma_start3A_435 : memref<10240x64xf32, #tpu.memory_space<vmem_shared>>) offsets(%dma_start3A_432 : memref<128xi32, #tpu.memory_space<vmem>>) semaphore(%arg22 : memref<!tpu.dma_semaphore, #tpu.memory_space<semaphore_mem>>) {add = true}
      %dma_wait3A_436 = arith.constant 0 : i32
      %dma_wait3A_437 = tpu.memref_slice %arg8[%sub3A_388, %dma_wait3A_436] : memref<162x128xi32, #tpu.memory_space<vmem>> -> memref<1x128xi32, #tpu.memory_space<vmem>>
      %dma_wait3A_438 = tpu.memref_squeeze %dma_wait3A_437 : memref<1x128xi32, #tpu.memory_space<vmem>> -> memref<128xi32, #tpu.memory_space<vmem>>
      %dma_wait3A_439 = arith.constant 0 : i32
      %dma_wait3A_440 = arith.constant 0 : i32
      %dma_wait3A_441 = tpu.memref_slice %arg14[%dma_wait3A_439, %dma_wait3A_440] : memref<10240x64xf32, #tpu.memory_space<vmem_shared>> -> memref<10240x64xf32, #tpu.memory_space<vmem_shared>>
      tpu.wait_indirect_dma semaphore(%arg20 : memref<!tpu.dma_semaphore, #tpu.memory_space<semaphore_mem>>) src(%dma_wait3A_441 : memref<10240x64xf32, #tpu.memory_space<vmem_shared>>) dst(%arg13 : memref<128x64xf32, #tpu.memory_space<vmem>>)
      %dma_wait3A_442 = arith.constant 1 : i32
      %dma_wait3A_443 = arith.constant 0 : i32
      %dma_wait3A_444 = tpu.memref_slice %arg10[%dma_wait3A_442, %dma_wait3A_443] : memref<3x128xi32, #tpu.memory_space<vmem>> -> memref<1x128xi32, #tpu.memory_space<vmem>>
      %dma_wait3A_445 = tpu.memref_squeeze %dma_wait3A_444 : memref<1x128xi32, #tpu.memory_space<vmem>> -> memref<128xi32, #tpu.memory_space<vmem>>
      %dma_wait3A_446 = arith.constant 0 : i32
      %dma_wait3A_447 = arith.constant 0 : i32
      %dma_wait3A_448 = tpu.memref_slice %arg15[%dma_wait3A_446, %dma_wait3A_447] : memref<10240x64xf32, #tpu.memory_space<vmem_shared>> -> memref<10240x64xf32, #tpu.memory_space<vmem_shared>>
      tpu.wait_indirect_dma semaphore(%arg22 : memref<!tpu.dma_semaphore, #tpu.memory_space<semaphore_mem>>) src(%arg12 : memref<128x64xf32, #tpu.memory_space<vmem>>) dst(%dma_wait3A_448 : memref<10240x64xf32, #tpu.memory_space<vmem_shared>>)
      %dma_start3A_449 = arith.constant 2 : i32
      %dma_start3A_450 = arith.constant 0 : i32
      %dma_start3A_451 = tpu.memref_slice %arg10[%dma_start3A_449, %dma_start3A_450] : memref<3x128xi32, #tpu.memory_space<vmem>> -> memref<1x128xi32, #tpu.memory_space<vmem>>
      %dma_start3A_452 = tpu.memref_squeeze %dma_start3A_451 : memref<1x128xi32, #tpu.memory_space<vmem>> -> memref<128xi32, #tpu.memory_space<vmem>>
      %dma_start3A_453 = arith.constant 0 : i32
      %dma_start3A_454 = arith.constant 0 : i32
      %dma_start3A_455 = tpu.memref_slice %arg15[%dma_start3A_453, %dma_start3A_454] : memref<10240x64xf32, #tpu.memory_space<vmem_shared>> -> memref<10240x64xf32, #tpu.memory_space<vmem_shared>>
      tpu.enqueue_indirect_dma source(%arg13 : memref<128x64xf32, #tpu.memory_space<vmem>>) target(%dma_start3A_455 : memref<10240x64xf32, #tpu.memory_space<vmem_shared>>) offsets(%dma_start3A_452 : memref<128xi32, #tpu.memory_space<vmem>>) semaphore(%arg23 : memref<!tpu.dma_semaphore, #tpu.memory_space<semaphore_mem>>) {add = true}
    }
    %scan3A_218 = arith.constant 26 : i32
    %dma_wait3A_219 = arith.constant 2 : i32
    %dma_wait3A_220 = arith.constant 0 : i32
    %dma_wait3A_221 = tpu.memref_slice %arg10[%dma_wait3A_219, %dma_wait3A_220] : memref<3x128xi32, #tpu.memory_space<vmem>> -> memref<1x128xi32, #tpu.memory_space<vmem>>
    %dma_wait3A_222 = tpu.memref_squeeze %dma_wait3A_221 : memref<1x128xi32, #tpu.memory_space<vmem>> -> memref<128xi32, #tpu.memory_space<vmem>>
    %dma_wait3A_223 = arith.constant 0 : i32
    %dma_wait3A_224 = arith.constant 0 : i32
    %dma_wait3A_225 = tpu.memref_slice %arg15[%dma_wait3A_223, %dma_wait3A_224] : memref<10240x64xf32, #tpu.memory_space<vmem_shared>> -> memref<10240x64xf32, #tpu.memory_space<vmem_shared>>
    tpu.wait_indirect_dma semaphore(%arg23 : memref<!tpu.dma_semaphore, #tpu.memory_space<semaphore_mem>>) src(%arg13 : memref<128x64xf32, #tpu.memory_space<vmem>>) dst(%dma_wait3A_225 : memref<10240x64xf32, #tpu.memory_space<vmem_shared>>)
    %dma_wait3A_226 = arith.constant 0 : i32
    %dma_wait3A_227 = arith.constant 0 : i32
    %dma_wait3A_228 = arith.constant 0 : i32
    %dma_wait3A_229 = tpu.memref_slice %arg5[%arg1, %dma_wait3A_226, %dma_wait3A_227, %dma_wait3A_228] : memref<16x54x3x128xi32, #tpu.memory_space<hbm>> -> memref<1x1x3x128xi32, #tpu.memory_space<hbm>>
    %dma_wait3A_230 = tpu.memref_squeeze %dma_wait3A_229 : memref<1x1x3x128xi32, #tpu.memory_space<hbm>> -> memref<3x128xi32, #tpu.memory_space<hbm>>
    %dma_wait3A_231 = arith.constant 0 : i32
    %dma_wait3A_232 = arith.constant 0 : i32
    %dma_wait3A_233 = tpu.memref_slice %arg5[%arg1, %dma_wait3A_226, %dma_wait3A_231, %dma_wait3A_232] : memref<16x54x3x128xi32, #tpu.memory_space<hbm>> -> memref<1x1x3x128xi32, #tpu.memory_space<hbm>>
    %dma_wait3A_234 = tpu.memref_squeeze %dma_wait3A_233 : memref<1x1x3x128xi32, #tpu.memory_space<hbm>> -> memref<3x128xi32, #tpu.memory_space<hbm>>
    tpu.wait_dma2 semaphore(%arg16 : memref<!tpu.dma_semaphore, #tpu.memory_space<semaphore_mem>>) src(%dma_wait3A_234 : memref<3x128xi32, #tpu.memory_space<hbm>>) dst(%arg9 : memref<3x128xi32, #tpu.memory_space<vmem>>)
    %barrier3A_235 = arith.constant 0 : index
    tpu.barrier barrier_id(%barrier3A_235)
    %mul3A_236 = arith.constant 640 : i32
    %mul3A_237 = arith.muli %arg1, %mul3A_236 : i32
    %mul3A_238 = arith.constant 640 : i32
    %mul3A_239 = arith.muli %arg1, %mul3A_238 : i32
    "tpu.region"() ({
      %run_scoped3A = tpu.sem_alloc : memref<!tpu.dma_semaphore, #tpu.memory_space<semaphore_mem>>
      %dma_start3A_240 = arith.constant 0 : i32
      %dma_start3A_241 = tpu.memref_slice %arg7[%arg0, %mul3A_239, %dma_start3A_240] : memref<2x10240x64xf32, #tpu.memory_space<hbm>> -> memref<1x640x64xf32, #tpu.memory_space<hbm>>
      %dma_start3A_242 = tpu.memref_squeeze %dma_start3A_241 : memref<1x640x64xf32, #tpu.memory_space<hbm>> -> memref<640x64xf32, #tpu.memory_space<hbm>>
      %dma_start3A_243 = arith.constant 0 : i32
      %dma_start3A_244 = tpu.memref_slice %arg15[%mul3A_237, %dma_start3A_243] : memref<10240x64xf32, #tpu.memory_space<vmem_shared>> -> memref<640x64xf32, #tpu.memory_space<vmem_shared>>
      tpu.enqueue_dma source(%dma_start3A_244 : memref<640x64xf32, #tpu.memory_space<vmem_shared>>) target(%dma_start3A_242 : memref<640x64xf32, #tpu.memory_space<hbm>>) target_semaphore(%run_scoped3A : memref<!tpu.dma_semaphore, #tpu.memory_space<semaphore_mem>>)
      %dma_wait3A_245 = arith.constant 0 : i32
      %dma_wait3A_246 = tpu.memref_slice %arg7[%arg0, %mul3A_239, %dma_wait3A_245] : memref<2x10240x64xf32, #tpu.memory_space<hbm>> -> memref<1x640x64xf32, #tpu.memory_space<hbm>>
      %dma_wait3A_247 = tpu.memref_squeeze %dma_wait3A_246 : memref<1x640x64xf32, #tpu.memory_space<hbm>> -> memref<640x64xf32, #tpu.memory_space<hbm>>
      %dma_wait3A_248 = arith.constant 0 : i32
      %dma_wait3A_249 = tpu.memref_slice %arg15[%mul3A_237, %dma_wait3A_248] : memref<10240x64xf32, #tpu.memory_space<vmem_shared>> -> memref<640x64xf32, #tpu.memory_space<vmem_shared>>
      tpu.wait_dma2 semaphore(%run_scoped3A : memref<!tpu.dma_semaphore, #tpu.memory_space<semaphore_mem>>) src(%dma_wait3A_249 : memref<640x64xf32, #tpu.memory_space<vmem_shared>>) dst(%dma_wait3A_247 : memref<640x64xf32, #tpu.memory_space<hbm>>)
      tpu.yield
    }) : () -> ()
    return
  }
}

module attributes {stable_mosaic.version = 14 : i64} {
  func.func @_mm_scale_body(%arg0: i32, %arg1: memref<1024x128xf32, #tpu.memory_space<vmem>>, %arg2: memref<128x128xf32, #tpu.memory_space<vmem>>, %arg3: memref<1024x1xf32, #tpu.memory_space<vmem>>, %arg4: memref<1024x1xf32, #tpu.memory_space<vmem>>, %arg5: memref<1024x64xf32, #tpu.memory_space<vmem>>, %arg6: memref<1024x64xf32, #tpu.memory_space<vmem>>) attributes {dimension_semantics = [#tpu.dimension_semantics<arbitrary>], iteration_bounds = array<i64: 10>, scalar_prefetch = 0 : i64, scratch_operands = 0 : i64, tpu.core_type = #tpu.core_type<tc>, window_params = [{transform_indices = @transform_0, window_bounds = array<i64: 1024, 128>}, {pipeline_mode = #tpu.pipeline_mode<synchronous>, transform_indices = @transform_1, window_bounds = array<i64: 128, 128>}, {transform_indices = @transform_2, window_bounds = array<i64: 1024, 1>}, {transform_indices = @transform_3, window_bounds = array<i64: 1024, 1>}, {transform_indices = @transform_4, window_bounds = array<i64: 1024, 64>}, {transform_indices = @transform_5, window_bounds = array<i64: 1024, 64>}]} {
    %get3A = arith.constant 0 : index
    %get3A_0 = arith.constant 0 : index
    %get3A_1 = vector.load %arg3[%get3A, %get3A_0] : memref<1024x1xf32, #tpu.memory_space<vmem>>, vector<1024x1xf32>
    %get3A_2 = arith.constant 0 : index
    %get3A_3 = arith.constant 0 : index
    %get3A_4 = vector.load %arg4[%get3A_2, %get3A_3] : memref<1024x1xf32, #tpu.memory_space<vmem>>, vector<1024x1xf32>
    %add3A = arith.addf %get3A_1, %get3A_4 : vector<1024x1xf32>
    %gt3A = arith.constant 0.000000e+00 : f32
    %gt3A_5 = vector.broadcast %gt3A : f32 to vector<1024x1xf32>
    %gt3A_6 = arith.cmpf ogt, %add3A, %gt3A_5 : vector<1024x1xf32>
    %jit3A = arith.constant 1.000000e+00 : f32
    %broadcast_in_dim3A = vector.broadcast %jit3A : f32 to vector<1024x1xf32>
    %select_n3A = arith.select %gt3A_6, %add3A, %broadcast_in_dim3A : vector<1024x1xi1>, vector<1024x1xf32>
    %rsqrt3A = math.rsqrt %select_n3A : vector<1024x1xf32>
    %get3A_7 = arith.constant 0 : index
    %get3A_8 = arith.constant 0 : index
    %get3A_9 = vector.load %arg1[%get3A_7, %get3A_8] : memref<1024x128xf32, #tpu.memory_space<vmem>>, vector<1024x128xf32>
    %get3A_10 = arith.constant 0 : index
    %get3A_11 = arith.constant 0 : index
    %get3A_12 = vector.load %arg2[%get3A_10, %get3A_11] : memref<128x128xf32, #tpu.memory_space<vmem>>, vector<128x128xf32>
    %dot_general3A = arith.constant dense<0.000000e+00> : vector<1024x128xf32>
    %dot_general3A_13 = tpu.matmul %get3A_9, %get3A_12, %dot_general3A {dimension_numbers = #tpu.dot_dimension_numbers<[1], [0], [0], [1], [0, 0, 1, 1], [], []>, transpose_lhs_hint = false} : vector<1024x128xf32>, vector<128x128xf32>, vector<1024x128xf32> -> vector<1024x128xf32>
    %mul3A = vector.broadcast %rsqrt3A : vector<1024x1xf32> to vector<1024x128xf32>
    %mul3A_14 = arith.mulf %dot_general3A_13, %mul3A : vector<1024x128xf32>
    %slice3A = vector.extract_strided_slice %mul3A_14 {offsets = [0, 0], sizes = [1024, 64], strides = [1, 1]} : vector<1024x128xf32> to vector<1024x64xf32>
    %swap3A = arith.constant 0 : index
    %swap3A_15 = arith.constant 0 : index
    %swap3A_16 = vector.load %arg5[%swap3A, %swap3A_15] : memref<1024x64xf32, #tpu.memory_space<vmem>>, vector<1024x64xf32>
    tpu.vector_store %arg5[%swap3A, %swap3A_15], %slice3A {strides = array<i32>} : memref<1024x64xf32, #tpu.memory_space<vmem>>, vector<1024x64xf32>,
    %slice3A_17 = vector.extract_strided_slice %mul3A_14 {offsets = [0, 64], sizes = [1024, 64], strides = [1, 1]} : vector<1024x128xf32> to vector<1024x64xf32>
    %swap3A_18 = arith.constant 0 : index
    %swap3A_19 = arith.constant 0 : index
    %swap3A_20 = vector.load %arg6[%swap3A_18, %swap3A_19] : memref<1024x64xf32, #tpu.memory_space<vmem>>, vector<1024x64xf32>
    tpu.vector_store %arg6[%swap3A_18, %swap3A_19], %slice3A_17 {strides = array<i32>} : memref<1024x64xf32, #tpu.memory_space<vmem>>, vector<1024x64xf32>,
    return
  }
  func.func @transform_0(%arg0: i32) -> (i32, i32) {
    %c0_i32 = arith.constant 0 : i32
    %c0_i32_0 = arith.constant 0 : i32
    return %arg0, %c0_i32 : i32, i32
  }
  func.func @transform_1(%arg0: i32) -> (i32, i32) {
    %c0_i32 = arith.constant 0 : i32
    %c0_i32_0 = arith.constant 0 : i32
    %c0_i32_1 = arith.constant 0 : i32
    return %c0_i32, %c0_i32_0 : i32, i32
  }
  func.func @transform_2(%arg0: i32) -> (i32, i32) {
    %c0_i32 = arith.constant 0 : i32
    %c0_i32_0 = arith.constant 0 : i32
    return %arg0, %c0_i32 : i32, i32
  }
  func.func @transform_3(%arg0: i32) -> (i32, i32) {
    %c0_i32 = arith.constant 0 : i32
    %c0_i32_0 = arith.constant 0 : i32
    return %arg0, %c0_i32 : i32, i32
  }
  func.func @transform_4(%arg0: i32) -> (i32, i32) {
    %c0_i32 = arith.constant 0 : i32
    %c0_i32_0 = arith.constant 0 : i32
    return %arg0, %c0_i32 : i32, i32
  }
  func.func @transform_5(%arg0: i32) -> (i32, i32) {
    %c0_i32 = arith.constant 0 : i32
    %c0_i32_0 = arith.constant 0 : i32
    return %arg0, %c0_i32 : i32, i32
  }
}

module attributes {stable_mosaic.version = 14 : i64} {
  func.func @_combine_mm_body(%arg0: i32, %arg1: memref<1024x64xf32, #tpu.memory_space<vmem>>, %arg2: memref<1024x64xf32, #tpu.memory_space<vmem>>, %arg3: memref<1024x1xf32, #tpu.memory_space<vmem>>, %arg4: memref<1024x1xf32, #tpu.memory_space<vmem>>, %arg5: memref<1x128xf32, #tpu.memory_space<vmem>>, %arg6: memref<128x128xf32, #tpu.memory_space<vmem>>, %arg7: memref<1024x1xf32, #tpu.memory_space<vmem>>, %arg8: memref<1024x1xf32, #tpu.memory_space<vmem>>, %arg9: memref<1024x64xf32, #tpu.memory_space<vmem>>, %arg10: memref<1024x64xf32, #tpu.memory_space<vmem>>) attributes {dimension_semantics = [#tpu.dimension_semantics<arbitrary>], iteration_bounds = array<i64: 10>, scalar_prefetch = 0 : i64, scratch_operands = 0 : i64, tpu.core_type = #tpu.core_type<tc>, window_params = [{transform_indices = @transform_0, window_bounds = array<i64: 1024, 64>}, {transform_indices = @transform_1, window_bounds = array<i64: 1024, 64>}, {transform_indices = @transform_2, window_bounds = array<i64: 1024, 1>}, {transform_indices = @transform_3, window_bounds = array<i64: 1024, 1>}, {pipeline_mode = #tpu.pipeline_mode<synchronous>, transform_indices = @transform_4, window_bounds = array<i64: 1, 128>}, {pipeline_mode = #tpu.pipeline_mode<synchronous>, transform_indices = @transform_5, window_bounds = array<i64: 128, 128>}, {transform_indices = @transform_6, window_bounds = array<i64: 1024, 1>}, {transform_indices = @transform_7, window_bounds = array<i64: 1024, 1>}, {transform_indices = @transform_8, window_bounds = array<i64: 1024, 64>}, {transform_indices = @transform_9, window_bounds = array<i64: 1024, 64>}]} {
    %get3A = arith.constant 0 : index
    %get3A_0 = arith.constant 0 : index
    %get3A_1 = vector.load %arg3[%get3A, %get3A_0] : memref<1024x1xf32, #tpu.memory_space<vmem>>, vector<1024x1xf32>
    %get3A_2 = arith.constant 0 : index
    %get3A_3 = arith.constant 0 : index
    %get3A_4 = vector.load %arg4[%get3A_2, %get3A_3] : memref<1024x1xf32, #tpu.memory_space<vmem>>, vector<1024x1xf32>
    %add3A = arith.addf %get3A_1, %get3A_4 : vector<1024x1xf32>
    %gt3A = arith.constant 0.000000e+00 : f32
    %gt3A_5 = vector.broadcast %gt3A : f32 to vector<1024x1xf32>
    %gt3A_6 = arith.cmpf ogt, %add3A, %gt3A_5 : vector<1024x1xf32>
    %jit3A = arith.constant 1.000000e+00 : f32
    %broadcast_in_dim3A = vector.broadcast %jit3A : f32 to vector<1024x1xf32>
    %select_n3A = arith.select %gt3A_6, %add3A, %broadcast_in_dim3A : vector<1024x1xi1>, vector<1024x1xf32>
    %rsqrt3A = math.rsqrt %select_n3A : vector<1024x1xf32>
    %get3A_7 = arith.constant 0 : index
    %get3A_8 = arith.constant 0 : index
    %get3A_9 = vector.load %arg1[%get3A_7, %get3A_8] : memref<1024x64xf32, #tpu.memory_space<vmem>>, vector<1024x64xf32>
    %get3A_10 = arith.constant 0 : index
    %get3A_11 = arith.constant 0 : index
    %get3A_12 = vector.load %arg2[%get3A_10, %get3A_11] : memref<1024x64xf32, #tpu.memory_space<vmem>>, vector<1024x64xf32>
    %concatenate3A = tpu.concatenate %get3A_9, %get3A_12 in 1 : vector<1024x64xf32>, vector<1024x64xf32> -> vector<1024x128xf32>
    %mul3A = vector.broadcast %rsqrt3A : vector<1024x1xf32> to vector<1024x128xf32>
    %mul3A_13 = arith.mulf %concatenate3A, %mul3A : vector<1024x128xf32>
    %get3A_14 = arith.constant 0 : index
    %get3A_15 = arith.constant 0 : index
    %get3A_16 = vector.load %arg5[%get3A_14, %get3A_15] : memref<1x128xf32, #tpu.memory_space<vmem>>, vector<1x128xf32>
    %add3A_17 = vector.broadcast %get3A_16 : vector<1x128xf32> to vector<1024x128xf32>
    %add3A_18 = arith.addf %mul3A_13, %add3A_17 : vector<1024x128xf32>
    %max3A = arith.constant 0.000000e+00 : f32
    %max3A_19 = vector.broadcast %max3A : f32 to vector<1024x128xf32>
    %max3A_20 = arith.maximumf %add3A_18, %max3A_19 : vector<1024x128xf32>
    %get3A_21 = arith.constant 0 : index
    %get3A_22 = arith.constant 0 : index
    %get3A_23 = vector.load %arg7[%get3A_21, %get3A_22] : memref<1024x1xf32, #tpu.memory_space<vmem>>, vector<1024x1xf32>
    %get3A_24 = arith.constant 0 : index
    %get3A_25 = arith.constant 0 : index
    %get3A_26 = vector.load %arg8[%get3A_24, %get3A_25] : memref<1024x1xf32, #tpu.memory_space<vmem>>, vector<1024x1xf32>
    %add3A_27 = arith.addf %get3A_23, %get3A_26 : vector<1024x1xf32>
    %gt3A_28 = arith.constant 0.000000e+00 : f32
    %gt3A_29 = vector.broadcast %gt3A_28 : f32 to vector<1024x1xf32>
    %gt3A_30 = arith.cmpf ogt, %add3A_27, %gt3A_29 : vector<1024x1xf32>
    %jit3A_31 = arith.constant 1.000000e+00 : f32
    %broadcast_in_dim3A_32 = vector.broadcast %jit3A_31 : f32 to vector<1024x1xf32>
    %select_n3A_33 = arith.select %gt3A_30, %add3A_27, %broadcast_in_dim3A_32 : vector<1024x1xi1>, vector<1024x1xf32>
    %rsqrt3A_34 = math.rsqrt %select_n3A_33 : vector<1024x1xf32>
    %get3A_35 = arith.constant 0 : index
    %get3A_36 = arith.constant 0 : index
    %get3A_37 = vector.load %arg6[%get3A_35, %get3A_36] : memref<128x128xf32, #tpu.memory_space<vmem>>, vector<128x128xf32>
    %dot_general3A = arith.constant dense<0.000000e+00> : vector<1024x128xf32>
    %dot_general3A_38 = tpu.matmul %max3A_20, %get3A_37, %dot_general3A {dimension_numbers = #tpu.dot_dimension_numbers<[1], [0], [0], [1], [0, 0, 1, 1], [], []>, transpose_lhs_hint = false} : vector<1024x128xf32>, vector<128x128xf32>, vector<1024x128xf32> -> vector<1024x128xf32>
    %mul3A_39 = vector.broadcast %rsqrt3A_34 : vector<1024x1xf32> to vector<1024x128xf32>
    %mul3A_40 = arith.mulf %dot_general3A_38, %mul3A_39 : vector<1024x128xf32>
    %slice3A = vector.extract_strided_slice %mul3A_40 {offsets = [0, 0], sizes = [1024, 64], strides = [1, 1]} : vector<1024x128xf32> to vector<1024x64xf32>
    %swap3A = arith.constant 0 : index
    %swap3A_41 = arith.constant 0 : index
    %swap3A_42 = vector.load %arg9[%swap3A, %swap3A_41] : memref<1024x64xf32, #tpu.memory_space<vmem>>, vector<1024x64xf32>
    tpu.vector_store %arg9[%swap3A, %swap3A_41], %slice3A {strides = array<i32>} : memref<1024x64xf32, #tpu.memory_space<vmem>>, vector<1024x64xf32>,
    %slice3A_43 = vector.extract_strided_slice %mul3A_40 {offsets = [0, 64], sizes = [1024, 64], strides = [1, 1]} : vector<1024x128xf32> to vector<1024x64xf32>
    %swap3A_44 = arith.constant 0 : index
    %swap3A_45 = arith.constant 0 : index
    %swap3A_46 = vector.load %arg10[%swap3A_44, %swap3A_45] : memref<1024x64xf32, #tpu.memory_space<vmem>>, vector<1024x64xf32>
    tpu.vector_store %arg10[%swap3A_44, %swap3A_45], %slice3A_43 {strides = array<i32>} : memref<1024x64xf32, #tpu.memory_space<vmem>>, vector<1024x64xf32>,
    return
  }
  func.func @transform_0(%arg0: i32) -> (i32, i32) {
    %c0_i32 = arith.constant 0 : i32
    %c0_i32_0 = arith.constant 0 : i32
    return %arg0, %c0_i32 : i32, i32
  }
  func.func @transform_1(%arg0: i32) -> (i32, i32) {
    %c0_i32 = arith.constant 0 : i32
    %c0_i32_0 = arith.constant 0 : i32
    return %arg0, %c0_i32 : i32, i32
  }
  func.func @transform_2(%arg0: i32) -> (i32, i32) {
    %c0_i32 = arith.constant 0 : i32
    %c0_i32_0 = arith.constant 0 : i32
    return %arg0, %c0_i32 : i32, i32
  }
  func.func @transform_3(%arg0: i32) -> (i32, i32) {
    %c0_i32 = arith.constant 0 : i32
    %c0_i32_0 = arith.constant 0 : i32
    return %arg0, %c0_i32 : i32, i32
  }
  func.func @transform_4(%arg0: i32) -> (i32, i32) {
    %c0_i32 = arith.constant 0 : i32
    %c0_i32_0 = arith.constant 0 : i32
    %c0_i32_1 = arith.constant 0 : i32
    return %c0_i32, %c0_i32_0 : i32, i32
  }
  func.func @transform_5(%arg0: i32) -> (i32, i32) {
    %c0_i32 = arith.constant 0 : i32
    %c0_i32_0 = arith.constant 0 : i32
    %c0_i32_1 = arith.constant 0 : i32
    return %c0_i32, %c0_i32_0 : i32, i32
  }
  func.func @transform_6(%arg0: i32) -> (i32, i32) {
    %c0_i32 = arith.constant 0 : i32
    %c0_i32_0 = arith.constant 0 : i32
    return %arg0, %c0_i32 : i32, i32
  }
  func.func @transform_7(%arg0: i32) -> (i32, i32) {
    %c0_i32 = arith.constant 0 : i32
    %c0_i32_0 = arith.constant 0 : i32
    return %arg0, %c0_i32 : i32, i32
  }
  func.func @transform_8(%arg0: i32) -> (i32, i32) {
    %c0_i32 = arith.constant 0 : i32
    %c0_i32_0 = arith.constant 0 : i32
    return %arg0, %c0_i32 : i32, i32
  }
  func.func @transform_9(%arg0: i32) -> (i32, i32) {
    %c0_i32 = arith.constant 0 : i32
    %c0_i32_0 = arith.constant 0 : i32
    return %arg0, %c0_i32 : i32, i32
  }
}

module attributes {stable_mosaic.version = 14 : i64} {
  func.func @_readout_body(%arg0: i32, %arg1: memref<1024x64xf32, #tpu.memory_space<vmem>>, %arg2: memref<1024x64xf32, #tpu.memory_space<vmem>>, %arg3: memref<1024x1xf32, #tpu.memory_space<vmem>>, %arg4: memref<1024x1xf32, #tpu.memory_space<vmem>>, %arg5: memref<1x128xf32, #tpu.memory_space<vmem>>, %arg6: memref<128x1xf32, #tpu.memory_space<vmem>>, %arg7: memref<1x1xf32, #tpu.memory_space<vmem>>, %arg8: memref<1024x1xf32, #tpu.memory_space<vmem>>) attributes {dimension_semantics = [#tpu.dimension_semantics<arbitrary>], iteration_bounds = array<i64: 10>, scalar_prefetch = 0 : i64, scratch_operands = 0 : i64, tpu.core_type = #tpu.core_type<tc>, window_params = [{transform_indices = @transform_0, window_bounds = array<i64: 1024, 64>}, {transform_indices = @transform_1, window_bounds = array<i64: 1024, 64>}, {transform_indices = @transform_2, window_bounds = array<i64: 1024, 1>}, {transform_indices = @transform_3, window_bounds = array<i64: 1024, 1>}, {pipeline_mode = #tpu.pipeline_mode<synchronous>, transform_indices = @transform_4, window_bounds = array<i64: 1, 128>}, {pipeline_mode = #tpu.pipeline_mode<synchronous>, transform_indices = @transform_5, window_bounds = array<i64: 128, 1>}, {pipeline_mode = #tpu.pipeline_mode<synchronous>, transform_indices = @transform_6, window_bounds = array<i64: 1, 1>}, {transform_indices = @transform_7, window_bounds = array<i64: 1024, 1>}]} {
    %get3A = arith.constant 0 : index
    %get3A_0 = arith.constant 0 : index
    %get3A_1 = vector.load %arg3[%get3A, %get3A_0] : memref<1024x1xf32, #tpu.memory_space<vmem>>, vector<1024x1xf32>
    %get3A_2 = arith.constant 0 : index
    %get3A_3 = arith.constant 0 : index
    %get3A_4 = vector.load %arg4[%get3A_2, %get3A_3] : memref<1024x1xf32, #tpu.memory_space<vmem>>, vector<1024x1xf32>
    %add3A = arith.addf %get3A_1, %get3A_4 : vector<1024x1xf32>
    %gt3A = arith.constant 0.000000e+00 : f32
    %gt3A_5 = vector.broadcast %gt3A : f32 to vector<1024x1xf32>
    %gt3A_6 = arith.cmpf ogt, %add3A, %gt3A_5 : vector<1024x1xf32>
    %jit3A = arith.constant 1.000000e+00 : f32
    %broadcast_in_dim3A = vector.broadcast %jit3A : f32 to vector<1024x1xf32>
    %select_n3A = arith.select %gt3A_6, %add3A, %broadcast_in_dim3A : vector<1024x1xi1>, vector<1024x1xf32>
    %rsqrt3A = math.rsqrt %select_n3A : vector<1024x1xf32>
    %get3A_7 = arith.constant 0 : index
    %get3A_8 = arith.constant 0 : index
    %get3A_9 = vector.load %arg1[%get3A_7, %get3A_8] : memref<1024x64xf32, #tpu.memory_space<vmem>>, vector<1024x64xf32>
    %get3A_10 = arith.constant 0 : index
    %get3A_11 = arith.constant 0 : index
    %get3A_12 = vector.load %arg2[%get3A_10, %get3A_11] : memref<1024x64xf32, #tpu.memory_space<vmem>>, vector<1024x64xf32>
    %concatenate3A = tpu.concatenate %get3A_9, %get3A_12 in 1 : vector<1024x64xf32>, vector<1024x64xf32> -> vector<1024x128xf32>
    %mul3A = vector.broadcast %rsqrt3A : vector<1024x1xf32> to vector<1024x128xf32>
    %mul3A_13 = arith.mulf %concatenate3A, %mul3A : vector<1024x128xf32>
    %get3A_14 = arith.constant 0 : index
    %get3A_15 = arith.constant 0 : index
    %get3A_16 = vector.load %arg5[%get3A_14, %get3A_15] : memref<1x128xf32, #tpu.memory_space<vmem>>, vector<1x128xf32>
    %add3A_17 = vector.broadcast %get3A_16 : vector<1x128xf32> to vector<1024x128xf32>
    %add3A_18 = arith.addf %mul3A_13, %add3A_17 : vector<1024x128xf32>
    %max3A = arith.constant 0.000000e+00 : f32
    %max3A_19 = vector.broadcast %max3A : f32 to vector<1024x128xf32>
    %max3A_20 = arith.maximumf %add3A_18, %max3A_19 : vector<1024x128xf32>
    %get3A_21 = arith.constant 0 : index
    %get3A_22 = arith.constant 0 : index
    %get3A_23 = vector.load %arg6[%get3A_21, %get3A_22] : memref<128x1xf32, #tpu.memory_space<vmem>>, vector<128x1xf32>
    %dot_general3A = arith.constant dense<0.000000e+00> : vector<1024x1xf32>
    %dot_general3A_24 = tpu.matmul %max3A_20, %get3A_23, %dot_general3A {dimension_numbers = #tpu.dot_dimension_numbers<[1], [0], [0], [1], [0, 0, 1, 1], [], []>, transpose_lhs_hint = false} : vector<1024x128xf32>, vector<128x1xf32>, vector<1024x1xf32> -> vector<1024x1xf32>
    %get3A_25 = arith.constant 0 : index
    %get3A_26 = arith.constant 0 : index
    %get3A_27 = vector.load %arg7[%get3A_25, %get3A_26] : memref<1x1xf32, #tpu.memory_space<vmem>>, vector<1x1xf32>
    %add3A_28 = vector.broadcast %get3A_27 : vector<1x1xf32> to vector<1024x1xf32>
    %add3A_29 = arith.addf %dot_general3A_24, %add3A_28 : vector<1024x1xf32>
    %swap3A = arith.constant 0 : index
    %swap3A_30 = arith.constant 0 : index
    %swap3A_31 = vector.load %arg8[%swap3A, %swap3A_30] : memref<1024x1xf32, #tpu.memory_space<vmem>>, vector<1024x1xf32>
    tpu.vector_store %arg8[%swap3A, %swap3A_30], %add3A_29 {strides = array<i32>} : memref<1024x1xf32, #tpu.memory_space<vmem>>, vector<1024x1xf32>,
    return
  }
  func.func @transform_0(%arg0: i32) -> (i32, i32) {
    %c0_i32 = arith.constant 0 : i32
    %c0_i32_0 = arith.constant 0 : i32
    return %arg0, %c0_i32 : i32, i32
  }
  func.func @transform_1(%arg0: i32) -> (i32, i32) {
    %c0_i32 = arith.constant 0 : i32
    %c0_i32_0 = arith.constant 0 : i32
    return %arg0, %c0_i32 : i32, i32
  }
  func.func @transform_2(%arg0: i32) -> (i32, i32) {
    %c0_i32 = arith.constant 0 : i32
    %c0_i32_0 = arith.constant 0 : i32
    return %arg0, %c0_i32 : i32, i32
  }
  func.func @transform_3(%arg0: i32) -> (i32, i32) {
    %c0_i32 = arith.constant 0 : i32
    %c0_i32_0 = arith.constant 0 : i32
    return %arg0, %c0_i32 : i32, i32
  }
  func.func @transform_4(%arg0: i32) -> (i32, i32) {
    %c0_i32 = arith.constant 0 : i32
    %c0_i32_0 = arith.constant 0 : i32
    %c0_i32_1 = arith.constant 0 : i32
    return %c0_i32, %c0_i32_0 : i32, i32
  }
  func.func @transform_5(%arg0: i32) -> (i32, i32) {
    %c0_i32 = arith.constant 0 : i32
    %c0_i32_0 = arith.constant 0 : i32
    %c0_i32_1 = arith.constant 0 : i32
    return %c0_i32, %c0_i32_0 : i32, i32
  }
  func.func @transform_6(%arg0: i32) -> (i32, i32) {
    %c0_i32 = arith.constant 0 : i32
    %c0_i32_0 = arith.constant 0 : i32
    %c0_i32_1 = arith.constant 0 : i32
    return %c0_i32, %c0_i32_0 : i32, i32
  }
  func.func @transform_7(%arg0: i32) -> (i32, i32) {
    %c0_i32 = arith.constant 0 : i32
    %c0_i32_0 = arith.constant 0 : i32
    return %arg0, %c0_i32 : i32, i32
  }
}

</mosaic_0001>

<sc_bundles>
// kernel: kernel.11.cloned.1.call-start
scs
__scs_entry_jumppad:
0x0: {  	(pc) =	sbr.rel $0x88, $3  }
0x1: {  	(tag) =	ssettag $0x0;
	lr =	simm.s32 $0x1  }
0x2: {  	[smem:$0x3F99] =	sst lr;
	_ =	strace $0xD0000000  }
0x3: {  	_ = 	snop  }
0x4: {  	_ = 	snop  }
0x5: {  	_ = 	snop  }
0x6: {  	_ = 	snop  }
0x7: {  	_ = 	snop  }
__scs_overlays_trampoline_lowered:
0x8: {  	[smem:$0x3FA8] =	sst s0  }
0x9: {  	[smem:$0x3FA9] =	sst s1  }
0xa: {  	[smem:$0x3FAA] =	sst s2  }
0xb: {  	[smem:$0x3FAB] =	sst s3  }
0xc: {  	[smem:$0x3FAC] =	sst s4  }
0xd: {  	[smem:$0x3FAD] =	sst s5  }
0xe: {  	[smem:$0x3FAE] =	sst s6  }
0xf: {  	[smem:$0x3FAF] =	sst s7  }
0x10: {  	[smem:$0x3FB0] =	sst s8  }
0x11: {  	[smem:$0x3FB1] =	sst s9;
	s0 =	simm.s32 @!p0 $0x0  }
0x12: {  	s1 =	sld [smem:$0x3F97];
	s0 =	simm.s32 @p0 $0x1  }
0x13: {  	[smem:$0x3FB2] =	sst s0;
	s0 =	simm.s32 @!p1 $0x0  }
0x14: {  	s2 =	sld [smem:$0x3F96];
	s0 =	simm.s32 @p1 $0x1  }
0x15: {  	[smem:$0x3FB3] =	sst s0;
	s0 =	simm.s32 @!p2 $0x0  }
0x16: {  	s3 =	sld [smem:$0x3FDB];
	s0 =	simm.s32 @p2 $0x1  }
0x17: {  	s4 =	simm.s32 $0x1BF5;
	[smem:$0x3FB5] =	sst s0  }
0x18: {  	s0 =	sld [smem:$0x3F98];
	_ =	swait.ge [sflag:s4], $0x0  }
0x19: {  	s7 =	sld [smem:$0x3F99]  }
0x1a: {  	s8 =	sadd.s32 $0xFFFFE003, lr  }
0x1b: {  	s9 =	sadd.s32 $0xFFFFFEF7, lr;
	s5 =	simm.s32 $0xFFFFFFFF;
	p2 =	slt.u32 s8, $0xFFFFF086  }
0x1c: {  	p1 =	slt.u32 s9, $0xF7A;
	s5 =	simm.s32 @!p2 $0x0  }
0x1d: {  	s5 =	simm.s32 @p1 $0x1;
	p0 =	seq.s32 s7, s2  }
0x1e: {  	s7 =	smul.u32 @!p0 $0xF7A, s2;
	p2 =	seq.s32 @!p0 s5, $0x0  }
0x1f: {  	s9 =	smul.u32 $0xF7A, s1;
	s8 =	simm.s32 @!p0 $0x1BF5;
	p2 =	por !p2, p0  }
0x20: {  	[sflag:s8] =	ssyncset.s32 @!p0 $0xFFFFF086;
	s6 =	sadd.s32 @!p0 s3, s7;
	s7 =	simm.s32 @!p0 $0x108  }
0x21: {  	s3 =	sadd.s32 s3, s9;
	s6 =	sadd.s32 @!p0 $0x88, s6;
	s7 =	simm.s32 @p2 $0x1082  }
0x22: {  	[simem:s7], [sflag:s8] =	dma.local @!p0 [hbm:s6], $0xF7A  }
0x23: {  	s9 =	sor.u32 $0xD0000000, s2;
	s6 =	simm.s32 $0x108;
	_ =	swait.ge @!p0 [sflag:s8], $0x0  }
0x24: {  	s3 =	sadd.s32 $0x88, s3;
	s6 =	simm.s32 @!p1 $0x1082;
	[sflag:s4] =	ssyncset.s32 $0xFFFFF086  }
0x25: {  	[simem:s6], [sflag:s4] =	dma.local [hbm:s3], $0xF7A  }
0x26: {  	[smem:$0x3F99] =	sst s1;
	(tag) =	ssettag s2;
	_ =	strace s9  }
0x27: {  	s1 =	sld [smem:$0x3FA9]  }
0x28: {  	s2 =	sld [smem:$0x3FAA]  }
0x29: {  	s4 =	sld [smem:$0x3FAC]  }
0x2a: {  	p0 =	seq.s32 s5, $0x0;
	s5 =	sld [smem:$0x3FAD]  }
0x2b: {  	s6 =	sld [smem:$0x3FAE]  }
0x2c: {  	s7 =	sld [smem:$0x3FAF]  }
0x2d: {  	s3 =	simm.s32 $0x108;
	s8 =	sld [smem:$0x3FB0]  }
0x2e: {  	s3 =	simm.s32 @!p0 $0x1082;
	s9 =	sld [smem:$0x3FB1]  }
0x2f: {  	lr =	sadd.s32 s0, s3;
	s0 =	sld [smem:$0x3FA8]  }
0x30: {  	s3 =	sld [smem:$0x3FAB]  }
0x31: {  	[smem:$0x3FB4] =	sst s10  }
0x32: {  	s10 =	sld [smem:$0x3FB2];
	_ =	sdelay $0x3  }
0x33: {  	p0 =	seq.s32 s10, $0x1;
	s10 =	sld [smem:$0x3FB4];
	_ =	sdelay $0x3  }
0x34: {  	[smem:$0x3FB4] =	sst s10  }
0x35: {  	s10 =	sld [smem:$0x3FB3];
	_ =	sdelay $0x3  }
0x36: {  	p1 =	seq.s32 s10, $0x1;
	s10 =	sld [smem:$0x3FB4];
	_ =	sdelay $0x3  }
0x37: {  	[smem:$0x3FB4] =	sst s10  }
0x38: {  	s10 =	sld [smem:$0x3FB5]  }
0x39: {  	_ = 	snop;
	(pc) =	sbr.ind lr, $3  }
0x3a: {  	_ = 	snop  }
0x3b: {  	_ = 	snop  }
0x3c: {  	p2 =	seq.s32 s10, $0x1;
	s10 =	sld [smem:$0x3FB4]  }
0x3d: {  	_ =	shalt  }
0x3e: {  	_ =	shalt  }
0x3f: {  	_ =	shalt  }
0x40: {  	_ =	shalt  }
0x41: {  	_ =	shalt  }
0x42: {  	_ =	shalt  }
0x43: {  	_ =	shalt  }
0x44: {  	_ =	shalt  }
0x45: {  	_ =	shalt  }
0x46: {  	_ =	shalt  }
0x47: {  	_ =	shalt  }
0x48: {  	_ =	shalt  }
0x49: {  	_ =	shalt  }
0x4a: {  	_ =	shalt  }
0x4b: {  	_ =	shalt  }
0x4c: {  	_ =	shalt  }
0x4d: {  	_ =	shalt  }
0x4e: {  	_ =	shalt  }
0x4f: {  	_ =	shalt  }
0x50: {  	_ =	shalt  }
0x51: {  	_ =	shalt  }
0x52: {  	_ =	shalt  }
0x53: {  	_ =	shalt  }
0x54: {  	_ =	shalt  }
0x55: {  	_ =	shalt  }
0x56: {  	_ =	shalt  }
0x57: {  	_ =	shalt  }
0x58: {  	_ =	shalt  }
0x59: {  	_ =	shalt  }
0x5a: {  	_ =	shalt  }
0x5b: {  	_ =	shalt  }
0x5c: {  	_ =	shalt  }
0x5d: {  	_ =	shalt  }
0x5e: {  	_ =	shalt  }
0x5f: {  	_ =	shalt  }
0x60: {  	_ =	shalt  }
0x61: {  	_ =	shalt  }
0x62: {  	_ =	shalt  }
0x63: {  	_ =	shalt  }
0x64: {  	_ =	shalt  }
0x65: {  	_ =	shalt  }
0x66: {  	_ =	shalt  }
0x67: {  	_ =	shalt  }
0x68: {  	_ =	shalt  }
0x69: {  	_ =	shalt  }
0x6a: {  	_ =	shalt  }
0x6b: {  	_ =	shalt  }
0x6c: {  	_ =	shalt  }
0x6d: {  	_ =	shalt  }
0x6e: {  	_ =	shalt  }
0x6f: {  	_ =	shalt  }
0x70: {  	_ =	shalt  }
0x71: {  	_ =	shalt  }
0x72: {  	_ =	shalt  }
0x73: {  	_ =	shalt  }
0x74: {  	_ =	shalt  }
0x75: {  	_ =	shalt  }
0x76: {  	_ =	shalt  }
0x77: {  	_ =	shalt  }
0x78: {  	_ =	shalt  }
0x79: {  	_ =	shalt  }
0x7a: {  	_ =	shalt  }
0x7b: {  	_ =	shalt  }
0x7c: {  	_ =	shalt  }
0x7d: {  	_ =	shalt  }
0x7e: {  	_ =	shalt  }
0x7f: {  	_ =	shalt  }
0x80: {  	_ =	shalt  }
0x81: {  	_ =	shalt  }
0x82: {  	_ =	shalt  }
0x83: {  	_ =	shalt  }
0x84: {  	_ =	shalt  }
0x85: {  	_ =	shalt  }
0x86: {  	_ =	shalt  }
0x87: {  	_ =	shalt  }
.Lfunc_end0:
.L_simem_size_0:
called_computation.1_lowered:
.L_overlay_start_0:
0x88: {  	s2 =	sld [smem:$0x3FD9]  }
0x89: {  	s3 =	sld [smem:$0x3FFE];
	_ =	sdelay $0x1  }
0x8a: {  	s1 =	srdreg.scid  }
0x8b: {  	s0 =	sand.u32 $0x1, s1  }
0x8c: {  	s16 =	sshll.u32 s0, $0xA;
	s2 =	sadd.s32 s3, s2  }
0x8d: {  	s2 =	sadd.s32 s2, s16  }
0x8e: {  	[smem:$0x3FC0] =	sst s2  }
0x8f: {  	_ = 	snop  }
0x90: {  	(tm) =	ssettm $0x1  }
0x91: {  	s17 =	sld [smem:$0x3FFB];
	_ =	sdelay $0x3  }
0x92: {  	_ =	strace s17  }
0x93: {  	s2 =	sld [smem:$0x3FFC];
	_ =	sdelay $0x3  }
0x94: {  	_ =	strace s2  }
0x95: {  	s2 =	sld [smem:$0x3FFD];
	_ =	sdelay $0x3  }
0x96: {  	_ =	strace s2  }
0x97: {  	_ =	strace $0x8FFFFFFF  }
0x98: {  	s18 =	sld [smem:$0x3FDB];
	_ =	sdelay $0x1  }
0x99: {  	s19 =	simm.s32 $_scs_section_size  }
0x9a: {  	s4 =	simm.s32 $_size__tile_overlayer_lowered;
	s5 =	simm.s32 $_tile_overlayer_lowered  }
0x9b: {  	s22 =	simm.s32 $0x1BFF;
	s21 =	sshll.u32 s5, $0x1;
	s2 =	sadd.s32 s19, s18  }
0x9c: {  	s6 =	simm.s32 $0x0;
	s20 =	sshll.u32 s4, $0x1;
	s4 =	sadd.s32 s21, s2  }
0x9d: {  	[timem:s6], [sflag:s22] =	dma.local [hbm:s4], s20  }
0x9e: {  	_ =	swait.ge [sflag:s22], s20  }
0x9f: {  	s3 =	ssub.s32 $0x0, s20;
	[sflag:s22] =	ssyncset.done $0x0  }
0xa0: {  	[sflag:s22] =	ssyncadd.s32 s3;
	_ =	sdelay $0x1  }
0xa1: {  	s23 =	simm.s32 $0x1B8B  }
0xa2: {  	_ =	swait.ge [sflag:s23], $0x1  }
0xa3: {  	[sflag:s23] =	ssyncset.done $0x0  }
0xa4: {  	s25 =	simm.s32 $0x1B8E;
	s24 =	sld [smem:$0x3FFE];
	[sflag:s23] =	ssyncadd.s32 $0xFFFFFFFF  }
0xa5: {  	s26 =	simm.s32 $execute0_lowered;
	[smem:$0x3FD2] =	sst s25  }
0xa6: {  	s4 =	sshll.u32 s26, $0x1;
	_ =	strace $0x80000049;
	[dreg:$0x1] =	wrdreg $0xFFFFFFFF  }
0xa7: {  	s28 =	simm.s32 $_size_execute0_lowered;
	s2 =	sadd.s32 s2, s4;
	[dreg:$0x0] =	wrdreg $0x0  }
0xa8: {  	s4 =	sshll.u32 s28, $0x1;
	[dreg:$0x2] =	wrdreg s2  }
0xa9: {  	[dreg:$0x3] =	wrdreg s4  }
0xaa: {  	[dreg:$0x4] =	wrdreg $0xC0  }
0xab: {  	_ =	task [dreg:s6], $0x5FFFF  }
0xac: {  	[dreg:$0x1] =	wrdreg $0xFFFFFFFF  }
0xad: {  	[dreg:$0x0] =	wrdreg $0x60  }
0xae: {  	[dreg:$0x2] =	wrdreg s24  }
0xaf: {  	[dreg:$0x3] =	wrdreg $0x154000  }
0xb0: {  	[dreg:$0x4] =	wrdreg $0xB4000  }
0xb1: {  	[dreg:$0x5] =	wrdreg $0x9  }
0xb2: {  	_ =	task.clear_ibuf [dreg:s6], $0x6FFFF;
	_ =	strace $0x90000049  }
0xb3: {  	s29 =	simm.s32 $0x9;
	_ =	strace $0x8000004B  }
0xb4: {  	_ =	swait.ge [sflag:s29], $0x1  }
0xb5: {  	[sflag:s29] =	ssyncadd.s32 $0xFFFFFFFF  }
0xb6: {  	_ =	strace $0x9000004B  }
0xb7: {  	_ =	sfence  }
0xb8: {  	s30 =	sld [smem:$0x0];
	_ =	sdelay $0x2  }
0xb9: {  	s31 =	sshll.u32 s1, $0xD;
	s1 =	sshrl.u32 s1, $0x2  }
0xba: {  	s3 =	sand.u32 $0x4000, s31;
	s1 =	sadd.s32 s1, s30  }
0xbb: {  	s0 =	sor.u32 s3, s0;
	s1 =	sshll.u32 s1, $0x11  }
0xbc: {  	s0 =	sor.u32 s1, s0  }
0xbd: {  	s0 =	sadd.s32 $0x8F2B, s0  }
0xbe: {  	[sflag:s0] =	ssyncadd.remote.s32 $0x1  }
0xbf: {  	_ =	sfence.sel $0xFFFF  }
0xc0: {  	[dreg:$0x0] =	wrdreg $0xFFFFFFFF;
	(pc) =	sbr.abs _section_cstart, $3  }
0xc1: {  	[dreg:$0x1] =	wrdreg $0xFFFFFFFF  }
0xc2: {  	_ =	task.clear_ibuf [dreg:s6], $0x2FFFF;
	_ =	strace $0x9FFFFFFF  }
0xc3: {  	(tm) =	ssettm $0x7FFFFFFF  }
tec
execute0_lowered:
.L_overlay_start_1:
0x0: {  	(tag) =	ssettag $0x1  }
0x1: {  	s0 =	rddreg [dreg:$0x0]  }
0x2: {  	s2 =	rddreg [dreg:$0x1]  }
0x3: {  	s3 =	rddreg [dreg:$0x2]  }
0x4: {  	s14 =	stileid.u32;
	s1 =	srdreg.scid;
	s5 =	simm.s32 $0x0  }
0x5: {  	s28 =	simm.s32 $0x1;
	s29 =	simm.s32 $0x3;
	s4 =	smul.u32 $0x5100, s14  }
0x6: {  	s30 =	simm.s32 $0x4;
	s31 =	simm.s32 $0x6;
	s7 =	smul.u32 $0xA000, s14  }
0x7: {  	s1 =	sand.u32 $0x1, s1;
	[smem:$0x7FF] =	sst s5;
	s6 =	sadd.s32 $0x3200, s0  }
0x8: {  	s13 =	sshll.u32 s14, $0x6;
	s22 =	smul.u32 $0xA20, s14;
	s14 =	simm.s32 $0x0  }
0x9: {  	s8 =	smul.u32 $0xA0000, s1;
	_ =	strace $0x8000004A;
	s12 =	ssub.s32 $0x2, s1  }
0xa: {  	p0 =	seq.s32 s1, $0x1;
	s1 =	simm.s32 $0x5;
	s9 =	sshrl.u32 s4, $0x3  }
0xb: {  	s11 =	sshrl.u32 s7, $0x3;
	s16 =	sshrl.u32 s12, $0x1;
	s17 =	sadd.s32 s7, s2  }
0xc: {  	s18 =	sadd.s32 s7, s3;
	s25 =	sadd.s32 s22, s6;
	s22 =	simm.s32 $0x5400  }
0xd: {  	s10 =	sadd.s32 s9, s0;
	s8 =	sadd.s32 s7, s8;
	s11 =	sadd.s32 s11, s0  }
0xe: {  	s20 =	sadd.s32 s6, s9;
	s7 =	simm.s32 $0x72600;
	s26 =	sshrl.u32 s18, $0x3  }
0xf: {  	s9 =	simm.s32 $0x8;
	s8 =	sshrl.u32 s8, $0x3;
	[dreg:$0x7] =	wrdreg s20  }
0x10: {  	s15 =	sadd.s32 $0x9A600, s11;
	s19 =	sadd.s32 $0x18400, s10;
	[dreg:$0xf] =	wrdreg s26  }
0x11: {  	s21 =	sadd.s32 $0x30, s20;
	s10 =	sadd.s32 $0x60, s20;
	[dreg:$0x4] =	wrdreg s15  }
0x12: {  	s7 =	simm.s32 @!p0 $0x86600;
	s20 =	simm.s32 $0x5100;
	[dreg:$0x6] =	wrdreg s19  }
0x13: {  	s26 =	simm.s32 $0x9400;
	s0 =	sadd.s32 s8, s0;
	[dreg:$0x8] =	wrdreg s21  }
0x14: {  	s8 =	ssub.s32 s12, s16;
	s15 =	sor.u32 $0x1C09, s13;
	[dreg:$0x9] =	wrdreg s10  }
0x15: {  	s24 =	sadd.s32 s7, s11;
	s10 =	sshrl.u32 s17, $0x3;
	s16 =	simm.s32 $0x9  }
0x16: {  	s21 =	simm.s32 $0x80;
	s7 =	simm.s32 $0x5200;
	[dreg:$0xc] =	wrdreg s24  }
0x17: {  	s11 =	simm.s32 $0x2;
	s12 =	simm.s32 $0x5300;
	[dreg:$0x5] =	wrdreg s15  }
0x18: {  	s13 =	simm.s32 $0x5380;
	s0 =	sadd.s32 $0xAE600, s0;
	[dreg:$0xe] =	wrdreg s10  }
0x19: {  	s23 =	smax.u32 s8, $0x1;
	s24 =	simm.s32 $0x5280;
	[dreg:$0xa] =	wrdreg s0  }
0x1a: {  	[dreg:$0xb] =	wrdreg s23;
	s0 =	sadd.s32 $0x90, s25;
	s23 =	simm.s32 $0x7400  }
0x1b: {  	s25 =	simm.s32 $0x7;
	[dreg:$0xd] =	wrdreg s0;
	s0 =	simm.s32 $0x5180  }
.LBB2_1:
0x1c: {  	s8 =	rddreg [dreg:$0x4]  }
0x1d: {  	[spmem:s10], [sflag:s15] =	dma.local [hbm:s8], $0x1400  }
0x1e: {  	_ =	swait.ge [sflag:s16], $0x1400  }
0x1f: {  	[sflag:s16] =	ssyncset.done $0x0;
	s10 =	rddreg [dreg:$0xc]  }
0x20: {  	s17 =	rddreg [dreg:$0xf];
	[sflag:s16] =	ssyncadd.s32 $0xFFFFEC00  }
0x21: {  	[spmem:s17], [sflag:s15] =	dma.local [hbm:s10], $0x1400  }
0x22: {  	_ =	swait.ge [sflag:s16], $0x1400  }
0x23: {  	[sflag:s16] =	ssyncset.done $0x0  }
0x24: {  	s18 =	rddreg [dreg:$0x6];
	[sflag:s16] =	ssyncadd.s32 $0xFFFFEC00  }
0x25: {  	[tilespmem:s5], [sflag:$0x9] =	stream.linear.gather [hbm4b:s18+s5], $0x5100, $0x38;
	[tilespmem:$0x1F400] =	vst v63  }
0x26: {  	_ =	swait.ge [sflag:s16], $0x5100  }
0x27: {  	[sflag:s16] =	ssyncset.done $0x0  }
0x28: {  	s19 =	rddreg [dreg:$0x7];
	[sflag:s16] =	ssyncadd.s32 $0xFFFFAF00  }
0x29: {  	[tilespmem:s20], [sflag:$0x1] =	stream.linear.gather [hbm4b:s19+s5], $0x180, $0x38;
	[tilespmem:$0x1F400] =	vst v63  }
0x2a: {  	[bflag:$0x0] =	sbarrier.arrive $0xFFFF  }
0x2b: {  	[tilespmem:s22], [sflag:$0x3] =	stream.indirect.gather [spmem:s3], $0x40, s5, s21, $0xb8;
	[tilespmem:$0x1F400] =	vst v63  }
0x2c: {  	_ = 	snop  }
0x2d: {  	[tilespmem:s23], [sflag:$0x4] =	stream.indirect.gather [spmem:s3], $0x40, s21, s21, $0xb8;
	[tilespmem:$0x1F400] =	vst v63  }
0x2e: {  	s10 =	rddreg [dreg:$0x8]  }
0x2f: {  	[tilespmem:s24], [sflag:$0x2] =	stream.linear.gather [hbm4b:s10+s5], $0x180, $0x38;
	[tilespmem:$0x1F400] =	vst v63  }
0x30: {  	s15 =	simm.s32 $0x100  }
0x31: {  	[tilespmem:s26], [sflag:$0x5] =	stream.indirect.gather [spmem:s3], $0x40, s15, s21, $0xb8;
	[tilespmem:$0x1F400] =	vst v63  }
0x32: {  	_ =	swait.ge [sflag:s28], $0x180  }
0x33: {  	[sflag:s28] =	ssyncset.done $0x0  }
0x34: {  	[sflag:s28] =	ssyncadd.s32 $0xFFFFFE80  }
0x35: {  	_ =	swait.ge [sflag:s29], $0x2000  }
0x36: {  	[sflag:s29] =	ssyncset.done $0x0  }
0x37: {  	[sflag:s29] =	ssyncadd.s32 $0xFFFFE000  }
0x38: {  	[spmem:s2] =	stream.indirect.scatter.add.f32 [tilespmem:s22], [sflag:$0x6], $0x40, s20, s21, $0xb8;
	[tilespmem:$0x1F400] =	vst v63  }
0x39: {  	_ =	swait.ge [sflag:s30], $0x2000  }
0x3a: {  	[sflag:s30] =	ssyncset.done $0x0  }
0x3b: {  	[sflag:s30] =	ssyncadd.s32 $0xFFFFE000  }
0x3c: {  	_ =	swait.ge [sflag:s31], $0x2000  }
0x3d: {  	[sflag:s31] =	ssyncset.done $0x0  }
0x3e: {  	[sflag:s31] =	ssyncadd.s32 $0xFFFFE000  }
0x3f: {  	[spmem:s2] =	stream.indirect.scatter.add.f32 [tilespmem:s23], [sflag:$0x7], $0x40, s0, s21, $0xb8;
	[tilespmem:$0x1F400] =	vst v63  }
0x40: {  	_ =	swait.ge [sflag:s1], $0x2000  }
0x41: {  	[sflag:s1] =	ssyncset.done $0x0  }
0x42: {  	[sflag:s1] =	ssyncadd.s32 $0xFFFFE000  }
0x43: {  	_ =	swait.ge [sflag:s25], $0x2000  }
0x44: {  	[sflag:s25] =	ssyncset.done $0x0  }
0x45: {  	[sflag:s25] =	ssyncadd.s32 $0xFFFFE000  }
0x46: {  	[spmem:s2] =	stream.indirect.scatter.add.f32 [tilespmem:s26], [sflag:$0x8], $0x40, s7, s21, $0xb8;
	[tilespmem:$0x1F400] =	vst v63  }
0x47: {  	s16 =	simm.s32 $0x180  }
0x48: {  	[tilespmem:s22], [sflag:$0x3] =	stream.indirect.gather [spmem:s3], $0x40, s16, s21, $0xb8;
	[tilespmem:$0x1F400] =	vst v63  }
0x49: {  	s17 =	simm.s32 $0x200  }
0x4a: {  	[tilespmem:s23], [sflag:$0x4] =	stream.indirect.gather [spmem:s3], $0x40, s17, s21, $0xb8;
	[tilespmem:$0x1F400] =	vst v63  }
0x4b: {  	_ =	swait.ge [sflag:s9], $0x2000  }
0x4c: {  	[sflag:s9] =	ssyncset.done $0x0  }
0x4d: {  	s18 =	rddreg [dreg:$0x9];
	[sflag:s9] =	ssyncadd.s32 $0xFFFFE000  }
0x4e: {  	[tilespmem:s20], [sflag:$0x1] =	stream.linear.gather [hbm4b:s18+s5], $0x180, $0x38;
	[tilespmem:$0x1F400] =	vst v63  }
0x4f: {  	s19 =	simm.s32 $0x280  }
0x50: {  	[tilespmem:s26], [sflag:$0x5] =	stream.indirect.gather [spmem:s3], $0x40, s19, s21, $0xb8;
	[tilespmem:$0x1F400] =	vst v63  }
0x51: {  	_ =	swait.ge [sflag:s11], $0x180  }
0x52: {  	[sflag:s11] =	ssyncset.done $0x0  }
0x53: {  	[sflag:s11] =	ssyncadd.s32 $0xFFFFFE80  }
0x54: {  	_ =	swait.ge [sflag:s29], $0x2000  }
0x55: {  	[sflag:s29] =	ssyncset.done $0x0  }
0x56: {  	[sflag:s29] =	ssyncadd.s32 $0xFFFFE000  }
0x57: {  	[spmem:s2] =	stream.indirect.scatter.add.f32 [tilespmem:s22], [sflag:$0x6], $0x40, s24, s21, $0xb8;
	[tilespmem:$0x1F400] =	vst v63  }
0x58: {  	_ =	swait.ge [sflag:s30], $0x2000  }
0x59: {  	[sflag:s30] =	ssyncset.done $0x0  }
0x5a: {  	[sflag:s30] =	ssyncadd.s32 $0xFFFFE000  }
0x5b: {  	_ =	swait.ge [sflag:s31], $0x2000  }
0x5c: {  	[sflag:s31] =	ssyncset.done $0x0  }
0x5d: {  	[sflag:s31] =	ssyncadd.s32 $0xFFFFE000  }
0x5e: {  	[spmem:s2] =	stream.indirect.scatter.add.f32 [tilespmem:s23], [sflag:$0x7], $0x40, s12, s21, $0xb8;
	[tilespmem:$0x1F400] =	vst v63  }
0x5f: {  	_ =	swait.ge [sflag:s1], $0x2000  }
0x60: {  	[sflag:s1] =	ssyncset.done $0x0  }
0x61: {  	[sflag:s1] =	ssyncadd.s32 $0xFFFFE000  }
0x62: {  	_ =	swait.ge [sflag:s25], $0x2000  }
0x63: {  	[sflag:s25] =	ssyncset.done $0x0  }
0x64: {  	[sflag:s25] =	ssyncadd.s32 $0xFFFFE000  }
0x65: {  	[spmem:s2] =	stream.indirect.scatter.add.f32 [tilespmem:s26], [sflag:$0x8], $0x40, s13, s21, $0xb8;
	[tilespmem:$0x1F400] =	vst v63  }
0x66: {  	s10 =	simm.s32 $0x300  }
0x67: {  	[tilespmem:s22], [sflag:$0x3] =	stream.indirect.gather [spmem:s3], $0x40, s10, s21, $0xb8;
	[tilespmem:$0x1F400] =	vst v63  }
0x68: {  	s15 =	simm.s32 $0x380  }
0x69: {  	[tilespmem:s23], [sflag:$0x4] =	stream.indirect.gather [spmem:s3], $0x40, s15, s21, $0xb8;
	[tilespmem:$0x1F400] =	vst v63  }
0x6a: {  	_ =	swait.ge [sflag:s9], $0x2000  }
0x6b: {  	[sflag:s9] =	ssyncset.done $0x0  }
0x6c: {  	s15 =	rddreg [dreg:$0xd];
	[sflag:s9] =	ssyncadd.s32 $0xFFFFE000  }
0x6d: {  	[tilespmem:s24], [sflag:$0x2] =	stream.linear.gather [hbm4b:s15+s5], $0x180, $0x38;
	[tilespmem:$0x1F400] =	vst v63  }
0x6e: {  	s16 =	simm.s32 $0x400  }
0x6f: {  	[tilespmem:s26], [sflag:$0x5] =	stream.indirect.gather [spmem:s3], $0x40, s16, s21, $0xb8;
	[tilespmem:$0x1F400] =	vst v63  }
0x70: {  	_ =	swait.ge [sflag:s28], $0x180  }
0x71: {  	[sflag:s28] =	ssyncset.done $0x0  }
0x72: {  	[sflag:s28] =	ssyncadd.s32 $0xFFFFFE80  }
0x73: {  	_ =	swait.ge [sflag:s29], $0x2000  }
0x74: {  	[sflag:s29] =	ssyncset.done $0x0  }
0x75: {  	[sflag:s29] =	ssyncadd.s32 $0xFFFFE000  }
0x76: {  	[spmem:s2] =	stream.indirect.scatter.add.f32 [tilespmem:s22], [sflag:$0x6], $0x40, s20, s21, $0xb8;
	[tilespmem:$0x1F400] =	vst v63  }
0x77: {  	_ =	swait.ge [sflag:s30], $0x2000  }
0x78: {  	[sflag:s30] =	ssyncset.done $0x0  }
0x79: {  	[sflag:s30] =	ssyncadd.s32 $0xFFFFE000  }
0x7a: {  	_ =	swait.ge [sflag:s31], $0x2000  }
0x7b: {  	[sflag:s31] =	ssyncset.done $0x0  }
0x7c: {  	[sflag:s31] =	ssyncadd.s32 $0xFFFFE000  }
0x7d: {  	[spmem:s2] =	stream.indirect.scatter.add.f32 [tilespmem:s23], [sflag:$0x7], $0x40, s0, s21, $0xb8;
	[tilespmem:$0x1F400] =	vst v63  }
0x7e: {  	_ =	swait.ge [sflag:s1], $0x2000  }
0x7f: {  	[sflag:s1] =	ssyncset.done $0x0  }
0x80: {  	[sflag:s1] =	ssyncadd.s32 $0xFFFFE000  }
0x81: {  	_ =	swait.ge [sflag:s25], $0x2000  }
0x82: {  	[sflag:s25] =	ssyncset.done $0x0  }
0x83: {  	[sflag:s25] =	ssyncadd.s32 $0xFFFFE000  }
0x84: {  	[spmem:s2] =	stream.indirect.scatter.add.f32 [tilespmem:s26], [sflag:$0x8], $0x40, s7, s21, $0xb8;
	[tilespmem:$0x1F400] =	vst v63  }
0x85: {  	p0 =	por $0x0, $0x0;
	s8 =	simm.s32 $0x600;
	s17 =	simm.s32 $0x480  }
0x86: {  	[tilespmem:s22], [sflag:$0x3] =	stream.indirect.gather [spmem:s3], $0x40, s17, s21, $0xb8;
	[tilespmem:$0x1F400] =	vst v63  }
0x87: {  	s8 =	simm.s32 @p0 $0x0;
	s18 =	simm.s32 $0x500  }
0x88: {  	[tilespmem:s23], [sflag:$0x4] =	stream.indirect.gather [spmem:s3], $0x40, s18, s21, $0xb8;
	[tilespmem:$0x1F400] =	vst v63  }
0x89: {  	s8 =	sadd.s32 s4, s8;
	_ =	swait.ge [sflag:s9], $0x2000  }
0x8a: {  	s8 =	sshrl.u32 s8, $0x3;
	[sflag:s9] =	ssyncset.done $0x0  }
0x8b: {  	s8 =	sadd.s32 s6, s8;
	[sflag:s9] =	ssyncadd.s32 $0xFFFFE000  }
0x8c: {  	[tilespmem:s20], [sflag:$0x1] =	stream.linear.gather [hbm4b:s8+s5], $0x180, $0x38;
	[tilespmem:$0x1F400] =	vst v63  }
0x8d: {  	s19 =	simm.s32 $0x580  }
0x8e: {  	[tilespmem:s26], [sflag:$0x5] =	stream.indirect.gather [spmem:s3], $0x40, s19, s21, $0xb8;
	[tilespmem:$0x1F400] =	vst v63  }
0x8f: {  	_ =	swait.ge [sflag:s11], $0x180  }
0x90: {  	[sflag:s11] =	ssyncset.done $0x0  }
0x91: {  	[sflag:s11] =	ssyncadd.s32 $0xFFFFFE80  }
0x92: {  	_ =	swait.ge [sflag:s29], $0x2000  }
0x93: {  	[sflag:s29] =	ssyncset.done $0x0  }
0x94: {  	[sflag:s29] =	ssyncadd.s32 $0xFFFFE000  }
0x95: {  	[spmem:s2] =	stream.indirect.scatter.add.f32 [tilespmem:s22], [sflag:$0x6], $0x40, s24, s21, $0xb8;
	[tilespmem:$0x1F400] =	vst v63  }
0x96: {  	_ =	swait.ge [sflag:s30], $0x2000  }
0x97: {  	[sflag:s30] =	ssyncset.done $0x0  }
0x98: {  	[sflag:s30] =	ssyncadd.s32 $0xFFFFE000  }
0x99: {  	_ =	swait.ge [sflag:s31], $0x2000  }
0x9a: {  	[sflag:s31] =	ssyncset.done $0x0  }
0x9b: {  	[sflag:s31] =	ssyncadd.s32 $0xFFFFE000  }
0x9c: {  	[spmem:s2] =	stream.indirect.scatter.add.f32 [tilespmem:s23], [sflag:$0x7], $0x40, s12, s21, $0xb8;
	[tilespmem:$0x1F400] =	vst v63  }
0x9d: {  	_ =	swait.ge [sflag:s1], $0x2000  }
0x9e: {  	[sflag:s1] =	ssyncset.done $0x0  }
0x9f: {  	[sflag:s1] =	ssyncadd.s32 $0xFFFFE000  }
0xa0: {  	s10 =	simm.s32 $0xC00;
	_ =	swait.ge [sflag:s25], $0x2000  }
0xa1: {  	s15 =	sadd.s32 $0x60, s15;
	s19 =	simm.s32 $0x900;
	[sflag:s25] =	ssyncset.done $0x0  }
.LBB2_2:
0xa2: {  	s16 =	sshra.s32 s10, $0x2  }
0xa3: {  	[sflag:s25] =	ssyncadd.s32 $0xFFFFE000;
	s17 =	smov.u32 s10;
	s8 =	sadd.s32 $0xC00, s10  }
0xa4: {  	[spmem:s2] =	stream.indirect.scatter.add.f32 [tilespmem:s26], [sflag:$0x8], $0x40, s13, s21, $0xb8;
	[tilespmem:$0x1F400] =	vst v63  }
0xa5: {  	p0 =	sne.s32 s10, $0x12C00;
	s18 =	sadd.s32 $0x300, s16  }
0xa6: {  	[tilespmem:s22], [sflag:$0x3] =	stream.indirect.gather [spmem:s3], $0x40, s18, s21, $0xb8;
	[tilespmem:$0x1F400] =	vst v63  }
0xa7: {  	s10 =	sadd.s32 $0x380, s16  }
0xa8: {  	[tilespmem:s23], [sflag:$0x4] =	stream.indirect.gather [spmem:s3], $0x40, s10, s21, $0xb8;
	[tilespmem:$0x1F400] =	vst v63  }
0xa9: {  	_ =	swait.ge [sflag:s9], $0x2000  }
0xaa: {  	[sflag:s9] =	ssyncset.done $0x0  }
0xab: {  	[sflag:s9] =	ssyncadd.s32 $0xFFFFE000  }
0xac: {  	[tilespmem:s24], [sflag:$0x2] =	stream.linear.gather [hbm4b:s15+s5], $0x180, $0x38;
	[tilespmem:$0x1F400] =	vst v63  }
0xad: {  	s10 =	sadd.s32 $0x400, s16  }
0xae: {  	[tilespmem:s26], [sflag:$0x5] =	stream.indirect.gather [spmem:s3], $0x40, s10, s21, $0xb8;
	[tilespmem:$0x1F400] =	vst v63  }
0xaf: {  	_ =	swait.ge [sflag:s28], $0x180  }
0xb0: {  	[sflag:s28] =	ssyncset.done $0x0  }
0xb1: {  	[sflag:s28] =	ssyncadd.s32 $0xFFFFFE80  }
0xb2: {  	_ =	swait.ge [sflag:s29], $0x2000  }
0xb3: {  	[sflag:s29] =	ssyncset.done $0x0  }
0xb4: {  	[sflag:s29] =	ssyncadd.s32 $0xFFFFE000  }
0xb5: {  	[spmem:s2] =	stream.indirect.scatter.add.f32 [tilespmem:s22], [sflag:$0x6], $0x40, s20, s21, $0xb8;
	[tilespmem:$0x1F400] =	vst v63  }
0xb6: {  	_ =	swait.ge [sflag:s30], $0x2000  }
0xb7: {  	[sflag:s30] =	ssyncset.done $0x0  }
0xb8: {  	[sflag:s30] =	ssyncadd.s32 $0xFFFFE000  }
0xb9: {  	_ =	swait.ge [sflag:s31], $0x2000  }
0xba: {  	[sflag:s31] =	ssyncset.done $0x0  }
0xbb: {  	[sflag:s31] =	ssyncadd.s32 $0xFFFFE000  }
0xbc: {  	[spmem:s2] =	stream.indirect.scatter.add.f32 [tilespmem:s23], [sflag:$0x7], $0x40, s0, s21, $0xb8;
	[tilespmem:$0x1F400] =	vst v63  }
0xbd: {  	_ =	swait.ge [sflag:s1], $0x2000  }
0xbe: {  	[sflag:s1] =	ssyncset.done $0x0  }
0xbf: {  	[sflag:s1] =	ssyncadd.s32 $0xFFFFE000  }
0xc0: {  	_ =	swait.ge [sflag:s25], $0x2000  }
0xc1: {  	[sflag:s25] =	ssyncset.done $0x0  }
0xc2: {  	[sflag:s25] =	ssyncadd.s32 $0xFFFFE000  }
0xc3: {  	[spmem:s2] =	stream.indirect.scatter.add.f32 [tilespmem:s26], [sflag:$0x8], $0x40, s7, s21, $0xb8;
	[tilespmem:$0x1F400] =	vst v63  }
0xc4: {  	s10 =	sadd.s32 $0x480, s16  }
0xc5: {  	[tilespmem:s22], [sflag:$0x3] =	stream.indirect.gather [spmem:s3], $0x40, s10, s21, $0xb8;
	[tilespmem:$0x1F400] =	vst v63  }
0xc6: {  	p1 =	seq.s32 s17, $0x12C00;
	s10 =	sadd.s32 $0x500, s16  }
0xc7: {  	[tilespmem:s23], [sflag:$0x4] =	stream.indirect.gather [spmem:s3], $0x40, s10, s21, $0xb8;
	[tilespmem:$0x1F400] =	vst v63  }
0xc8: {  	s10 =	smov.u32 s19  }
0xc9: {  	_ =	swait.ge [sflag:s9], $0x2000;
	s10 =	simm.s32 @p1 $0x0  }
0xca: {  	[sflag:s9] =	ssyncset.done $0x0;
	s10 =	sadd.s32 s4, s10  }
0xcb: {  	[sflag:s9] =	ssyncadd.s32 $0xFFFFE000;
	s10 =	sshrl.u32 s10, $0x3  }
0xcc: {  	s16 =	sadd.s32 $0x580, s16;
	s10 =	sadd.s32 s6, s10  }
0xcd: {  	[tilespmem:s20], [sflag:$0x1] =	stream.linear.gather [hbm4b:s10+s5], $0x180, $0x38;
	[tilespmem:$0x1F400] =	vst v63  }
0xce: {  	_ = 	snop  }
0xcf: {  	[tilespmem:s26], [sflag:$0x5] =	stream.indirect.gather [spmem:s3], $0x40, s16, s21, $0xb8;
	[tilespmem:$0x1F400] =	vst v63  }
0xd0: {  	_ =	swait.ge [sflag:s11], $0x180  }
0xd1: {  	[sflag:s11] =	ssyncset.done $0x0  }
0xd2: {  	[sflag:s11] =	ssyncadd.s32 $0xFFFFFE80  }
0xd3: {  	_ =	swait.ge [sflag:s29], $0x2000  }
0xd4: {  	[sflag:s29] =	ssyncset.done $0x0  }
0xd5: {  	[sflag:s29] =	ssyncadd.s32 $0xFFFFE000  }
0xd6: {  	[spmem:s2] =	stream.indirect.scatter.add.f32 [tilespmem:s22], [sflag:$0x6], $0x40, s24, s21, $0xb8;
	[tilespmem:$0x1F400] =	vst v63  }
0xd7: {  	_ =	swait.ge [sflag:s30], $0x2000  }
0xd8: {  	[sflag:s30] =	ssyncset.done $0x0  }
0xd9: {  	[sflag:s30] =	ssyncadd.s32 $0xFFFFE000  }
0xda: {  	_ =	swait.ge [sflag:s31], $0x2000  }
0xdb: {  	[sflag:s31] =	ssyncset.done $0x0  }
0xdc: {  	[sflag:s31] =	ssyncadd.s32 $0xFFFFE000  }
0xdd: {  	[spmem:s2] =	stream.indirect.scatter.add.f32 [tilespmem:s23], [sflag:$0x7], $0x40, s12, s21, $0xb8;
	[tilespmem:$0x1F400] =	vst v63  }
.Ltmp0:
0xde: {  	_ =	swait.ge [sflag:s1], $0x2000;
	(pc) =	sbr.rel @p0 .LBB2_2-.Ltmp0, $4  }
0xdf: {  	[sflag:s1] =	ssyncset.done $0x0  }
0xe0: {  	[sflag:s1] =	ssyncadd.s32 $0xFFFFE000  }
0xe1: {  	s15 =	sadd.s32 $0x60, s15;
	_ =	swait.ge [sflag:s25], $0x2000  }
0xe2: {  	s19 =	sadd.s32 $0x300, s19;
	s10 =	smov.u32 s8;
	[sflag:s25] =	ssyncset.done $0x0  }
0xe3: {  	[sflag:s25] =	ssyncadd.s32 $0xFFFFE000  }
0xe4: {  	[spmem:s2] =	stream.indirect.scatter.add.f32 [tilespmem:s26], [sflag:$0x8], $0x40, s13, s21, $0xb8;
	[tilespmem:$0x1F400] =	vst v63  }
0xe5: {  	_ =	swait.ge [sflag:s9], $0x2000  }
0xe6: {  	[sflag:s9] =	ssyncset.done $0x0  }
0xe7: {  	[sflag:s9] =	ssyncadd.s32 $0xFFFFE000  }
0xe8: {  	_ =	swait.ge [sflag:s28], $0x180  }
0xe9: {  	[sflag:s28] =	ssyncset.done $0x0  }
0xea: {  	[sflag:s28] =	ssyncadd.s32 $0xFFFFFE80  }
0xeb: {  	[bflag:$0x0] =	sbarrier.arrive $0xFFFF  }
0xec: {  	s15 =	rddreg [dreg:$0x5]  }
0xed: {  	s8 =	rddreg [dreg:$0xa]  }
0xee: {  	s16 =	simm.s32 $0x9;
	s10 =	rddreg [dreg:$0xe]  }
0xef: {  	[hbm:s8], [sflag:s15] =	dma.local [spmem:s10], $0x1400  }
0xf0: {  	_ =	swait.ge [sflag:s16], $0x1400  }
0xf1: {  	s14 =	sadd.s32 $0x1, s14;
	s19 =	rddreg [dreg:$0xb]  }
0xf2: {  	p0 =	sne.s32 s14, s19  }
.Ltmp1:
0xf3: {  	_ = 	snop;
	(pc) =	sbr.rel @p0 .LBB2_1-.Ltmp1, $3  }
0xf4: {  	_ =	sdelay $0x1  }
0xf5: {  	[sflag:s16] =	ssyncset.done $0x0  }
0xf6: {  	[sflag:s16] =	ssyncadd.s32 $0xFFFFEC00  }
0xf7: {  	_ =	sfence.sel $0x180000  }
0xf8: {  	[bflag:$0x0] =	sbarrier.arrive $0xFFFF  }
0xf9: {  	_ =	strace $0x9000004A  }
0xfa: {  	s0 =	stileid.u32;
	[bflag:$0x2] =	sbarrier.arrive $0xFFFF  }
0xfb: {  	p0 =	sne.s32 s0, $0x0;
	s0 =	rddreg [dreg:$0x3]  }
0xfc: {  	s0 =	sadd.s32 @!p0 $0x100000, s0  }
0xfd: {  	[sflag:s0] =	ssyncadd.tile.s32 @!p0 $0x1;
	_ =	shalt  }
.Lfunc_end2:
_tile_overlayer_lowered:
.L_overlay_start_2:
0xfe: {  	(tag) =	ssettag $0x2  }
0xff: {  	s0 =	rddreg [dreg:$0x0];
	s2 =	stileid.u32  }
0x100: {  	s1 =	rddreg [dreg:$0x1];
	p0 =	sne.s32 s2, $0x0  }
0x101: {  	s3 =	rddreg [dreg:$0x2];
	[bflag:$0x3] =	sbarrier.arrive $0xFFFF;
	s2 =	simm.s32 @!p0 $0x1C09  }
0x102: {  	[timem:s3], [sflag:s2] =	dma.local @!p0 [hbm:s0], s1  }
0x103: {  	s0 =	simm.s32 @!p0 $0x9  }
0x104: {  	_ =	swait.ge @!p0 [sflag:s0], s1  }
0x105: {  	s1 =	ssub.s32 @!p0 $0x0, s1;
	[sflag:s0] =	ssyncset.done @!p0 $0x0  }
0x106: {  	[sflag:s0] =	ssyncadd.s32 @!p0 s1  }
0x107: {  	[bflag:$0x3] =	sbarrier.arrive $0xFFFF  }
0x108: {  	_ =	shalt  }

// kernel: kernel.14.cloned.1.call-start
scs
__scs_entry_jumppad:
0x0: {  	(pc) =	sbr.rel $0x88, $3  }
0x1: {  	(tag) =	ssettag $0x0;
	lr =	simm.s32 $0x1  }
0x2: {  	[smem:$0x3F99] =	sst lr;
	_ =	strace $0xD0000000  }
0x3: {  	_ = 	snop  }
0x4: {  	_ = 	snop  }
0x5: {  	_ = 	snop  }
0x6: {  	_ = 	snop  }
0x7: {  	_ = 	snop  }
__scs_overlays_trampoline_lowered:
0x8: {  	[smem:$0x3FA8] =	sst s0  }
0x9: {  	[smem:$0x3FA9] =	sst s1  }
0xa: {  	[smem:$0x3FAA] =	sst s2  }
0xb: {  	[smem:$0x3FAB] =	sst s3  }
0xc: {  	[smem:$0x3FAC] =	sst s4  }
0xd: {  	[smem:$0x3FAD] =	sst s5  }
0xe: {  	[smem:$0x3FAE] =	sst s6  }
0xf: {  	[smem:$0x3FAF] =	sst s7  }
0x10: {  	[smem:$0x3FB0] =	sst s8  }
0x11: {  	[smem:$0x3FB1] =	sst s9;
	s0 =	simm.s32 @!p0 $0x0  }
0x12: {  	s1 =	sld [smem:$0x3F97];
	s0 =	simm.s32 @p0 $0x1  }
0x13: {  	[smem:$0x3FB2] =	sst s0;
	s0 =	simm.s32 @!p1 $0x0  }
0x14: {  	s2 =	sld [smem:$0x3F96];
	s0 =	simm.s32 @p1 $0x1  }
0x15: {  	[smem:$0x3FB3] =	sst s0;
	s0 =	simm.s32 @!p2 $0x0  }
0x16: {  	s3 =	sld [smem:$0x3FDB];
	s0 =	simm.s32 @p2 $0x1  }
0x17: {  	s4 =	simm.s32 $0x1BF5;
	[smem:$0x3FB5] =	sst s0  }
0x18: {  	s0 =	sld [smem:$0x3F98];
	_ =	swait.ge [sflag:s4], $0x0  }
0x19: {  	s7 =	sld [smem:$0x3F99]  }
0x1a: {  	s8 =	sadd.s32 $0xFFFFE003, lr  }
0x1b: {  	s9 =	sadd.s32 $0xFFFFFEF7, lr;
	s5 =	simm.s32 $0xFFFFFFFF;
	p2 =	slt.u32 s8, $0xFFFFF086  }
0x1c: {  	p1 =	slt.u32 s9, $0xF7A;
	s5 =	simm.s32 @!p2 $0x0  }
0x1d: {  	s5 =	simm.s32 @p1 $0x1;
	p0 =	seq.s32 s7, s2  }
0x1e: {  	s7 =	smul.u32 @!p0 $0xF7A, s2;
	p2 =	seq.s32 @!p0 s5, $0x0  }
0x1f: {  	s9 =	smul.u32 $0xF7A, s1;
	s8 =	simm.s32 @!p0 $0x1BF5;
	p2 =	por !p2, p0  }
0x20: {  	[sflag:s8] =	ssyncset.s32 @!p0 $0xFFFFF086;
	s6 =	sadd.s32 @!p0 s3, s7;
	s7 =	simm.s32 @!p0 $0x108  }
0x21: {  	s3 =	sadd.s32 s3, s9;
	s6 =	sadd.s32 @!p0 $0x88, s6;
	s7 =	simm.s32 @p2 $0x1082  }
0x22: {  	[simem:s7], [sflag:s8] =	dma.local @!p0 [hbm:s6], $0xF7A  }
0x23: {  	s9 =	sor.u32 $0xD0000000, s2;
	s6 =	simm.s32 $0x108;
	_ =	swait.ge @!p0 [sflag:s8], $0x0  }
0x24: {  	s3 =	sadd.s32 $0x88, s3;
	s6 =	simm.s32 @!p1 $0x1082;
	[sflag:s4] =	ssyncset.s32 $0xFFFFF086  }
0x25: {  	[simem:s6], [sflag:s4] =	dma.local [hbm:s3], $0xF7A  }
0x26: {  	[smem:$0x3F99] =	sst s1;
	(tag) =	ssettag s2;
	_ =	strace s9  }
0x27: {  	s1 =	sld [smem:$0x3FA9]  }
0x28: {  	s2 =	sld [smem:$0x3FAA]  }
0x29: {  	s4 =	sld [smem:$0x3FAC]  }
0x2a: {  	p0 =	seq.s32 s5, $0x0;
	s5 =	sld [smem:$0x3FAD]  }
0x2b: {  	s6 =	sld [smem:$0x3FAE]  }
0x2c: {  	s7 =	sld [smem:$0x3FAF]  }
0x2d: {  	s3 =	simm.s32 $0x108;
	s8 =	sld [smem:$0x3FB0]  }
0x2e: {  	s3 =	simm.s32 @!p0 $0x1082;
	s9 =	sld [smem:$0x3FB1]  }
0x2f: {  	lr =	sadd.s32 s0, s3;
	s0 =	sld [smem:$0x3FA8]  }
0x30: {  	s3 =	sld [smem:$0x3FAB]  }
0x31: {  	[smem:$0x3FB4] =	sst s10  }
0x32: {  	s10 =	sld [smem:$0x3FB2];
	_ =	sdelay $0x3  }
0x33: {  	p0 =	seq.s32 s10, $0x1;
	s10 =	sld [smem:$0x3FB4];
	_ =	sdelay $0x3  }
0x34: {  	[smem:$0x3FB4] =	sst s10  }
0x35: {  	s10 =	sld [smem:$0x3FB3];
	_ =	sdelay $0x3  }
0x36: {  	p1 =	seq.s32 s10, $0x1;
	s10 =	sld [smem:$0x3FB4];
	_ =	sdelay $0x3  }
0x37: {  	[smem:$0x3FB4] =	sst s10  }
0x38: {  	s10 =	sld [smem:$0x3FB5]  }
0x39: {  	_ = 	snop;
	(pc) =	sbr.ind lr, $3  }
0x3a: {  	_ = 	snop  }
0x3b: {  	_ = 	snop  }
0x3c: {  	p2 =	seq.s32 s10, $0x1;
	s10 =	sld [smem:$0x3FB4]  }
0x3d: {  	_ =	shalt  }
0x3e: {  	_ =	shalt  }
0x3f: {  	_ =	shalt  }
0x40: {  	_ =	shalt  }
0x41: {  	_ =	shalt  }
0x42: {  	_ =	shalt  }
0x43: {  	_ =	shalt  }
0x44: {  	_ =	shalt  }
0x45: {  	_ =	shalt  }
0x46: {  	_ =	shalt  }
0x47: {  	_ =	shalt  }
0x48: {  	_ =	shalt  }
0x49: {  	_ =	shalt  }
0x4a: {  	_ =	shalt  }
0x4b: {  	_ =	shalt  }
0x4c: {  	_ =	shalt  }
0x4d: {  	_ =	shalt  }
0x4e: {  	_ =	shalt  }
0x4f: {  	_ =	shalt  }
0x50: {  	_ =	shalt  }
0x51: {  	_ =	shalt  }
0x52: {  	_ =	shalt  }
0x53: {  	_ =	shalt  }
0x54: {  	_ =	shalt  }
0x55: {  	_ =	shalt  }
0x56: {  	_ =	shalt  }
0x57: {  	_ =	shalt  }
0x58: {  	_ =	shalt  }
0x59: {  	_ =	shalt  }
0x5a: {  	_ =	shalt  }
0x5b: {  	_ =	shalt  }
0x5c: {  	_ =	shalt  }
0x5d: {  	_ =	shalt  }
0x5e: {  	_ =	shalt  }
0x5f: {  	_ =	shalt  }
0x60: {  	_ =	shalt  }
0x61: {  	_ =	shalt  }
0x62: {  	_ =	shalt  }
0x63: {  	_ =	shalt  }
0x64: {  	_ =	shalt  }
0x65: {  	_ =	shalt  }
0x66: {  	_ =	shalt  }
0x67: {  	_ =	shalt  }
0x68: {  	_ =	shalt  }
0x69: {  	_ =	shalt  }
0x6a: {  	_ =	shalt  }
0x6b: {  	_ =	shalt  }
0x6c: {  	_ =	shalt  }
0x6d: {  	_ =	shalt  }
0x6e: {  	_ =	shalt  }
0x6f: {  	_ =	shalt  }
0x70: {  	_ =	shalt  }
0x71: {  	_ =	shalt  }
0x72: {  	_ =	shalt  }
0x73: {  	_ =	shalt  }
0x74: {  	_ =	shalt  }
0x75: {  	_ =	shalt  }
0x76: {  	_ =	shalt  }
0x77: {  	_ =	shalt  }
0x78: {  	_ =	shalt  }
0x79: {  	_ =	shalt  }
0x7a: {  	_ =	shalt  }
0x7b: {  	_ =	shalt  }
0x7c: {  	_ =	shalt  }
0x7d: {  	_ =	shalt  }
0x7e: {  	_ =	shalt  }
0x7f: {  	_ =	shalt  }
0x80: {  	_ =	shalt  }
0x81: {  	_ =	shalt  }
0x82: {  	_ =	shalt  }
0x83: {  	_ =	shalt  }
0x84: {  	_ =	shalt  }
0x85: {  	_ =	shalt  }
0x86: {  	_ =	shalt  }
0x87: {  	_ =	shalt  }
.Lfunc_end0:
.L_simem_size_0:
called_computation.2_lowered:
.L_overlay_start_0:
0x88: {  	s2 =	sld [smem:$0x3FD9]  }
0x89: {  	s3 =	sld [smem:$0x3FFE];
	_ =	sdelay $0x1  }
0x8a: {  	s1 =	srdreg.scid  }
0x8b: {  	s0 =	sand.u32 $0x1, s1  }
0x8c: {  	s16 =	sshll.u32 s0, $0xA;
	s2 =	sadd.s32 s3, s2  }
0x8d: {  	s2 =	sadd.s32 s2, s16  }
0x8e: {  	[smem:$0x3FC0] =	sst s2  }
0x8f: {  	_ = 	snop  }
0x90: {  	(tm) =	ssettm $0x1  }
0x91: {  	s17 =	sld [smem:$0x3FFB];
	_ =	sdelay $0x3  }
0x92: {  	_ =	strace s17  }
0x93: {  	s2 =	sld [smem:$0x3FFC];
	_ =	sdelay $0x3  }
0x94: {  	_ =	strace s2  }
0x95: {  	s2 =	sld [smem:$0x3FFD];
	_ =	sdelay $0x3  }
0x96: {  	_ =	strace s2  }
0x97: {  	_ =	strace $0x8FFFFFFF  }
0x98: {  	s18 =	sld [smem:$0x3FDB];
	_ =	sdelay $0x1  }
0x99: {  	s19 =	simm.s32 $_scs_section_size  }
0x9a: {  	s4 =	simm.s32 $_size__tile_overlayer_lowered;
	s5 =	simm.s32 $_tile_overlayer_lowered  }
0x9b: {  	s22 =	simm.s32 $0x1BFF;
	s21 =	sshll.u32 s5, $0x1;
	s2 =	sadd.s32 s19, s18  }
0x9c: {  	s6 =	simm.s32 $0x0;
	s20 =	sshll.u32 s4, $0x1;
	s4 =	sadd.s32 s21, s2  }
0x9d: {  	[timem:s6], [sflag:s22] =	dma.local [hbm:s4], s20  }
0x9e: {  	_ =	swait.ge [sflag:s22], s20  }
0x9f: {  	s3 =	ssub.s32 $0x0, s20;
	[sflag:s22] =	ssyncset.done $0x0  }
0xa0: {  	[sflag:s22] =	ssyncadd.s32 s3;
	_ =	sdelay $0x1  }
0xa1: {  	s23 =	simm.s32 $0x1B8B  }
0xa2: {  	_ =	swait.ge [sflag:s23], $0x1  }
0xa3: {  	[sflag:s23] =	ssyncset.done $0x0  }
0xa4: {  	s25 =	simm.s32 $0x1B8E;
	s24 =	sld [smem:$0x3FFE];
	[sflag:s23] =	ssyncadd.s32 $0xFFFFFFFF  }
0xa5: {  	s26 =	simm.s32 $execute0_lowered;
	[smem:$0x3FD2] =	sst s25  }
0xa6: {  	s4 =	sshll.u32 s26, $0x1;
	_ =	strace $0x8000004C;
	[dreg:$0x1] =	wrdreg $0xFFFFFFFF  }
0xa7: {  	s28 =	simm.s32 $_size_execute0_lowered;
	s2 =	sadd.s32 s2, s4;
	[dreg:$0x0] =	wrdreg $0x0  }
0xa8: {  	s4 =	sshll.u32 s28, $0x1;
	[dreg:$0x2] =	wrdreg s2  }
0xa9: {  	[dreg:$0x3] =	wrdreg s4  }
0xaa: {  	[dreg:$0x4] =	wrdreg $0xC0  }
0xab: {  	_ =	task [dreg:s6], $0x5FFFF  }
0xac: {  	[dreg:$0x1] =	wrdreg $0xFFFFFFFF  }
0xad: {  	[dreg:$0x0] =	wrdreg $0x60  }
0xae: {  	[dreg:$0x2] =	wrdreg s24  }
0xaf: {  	[dreg:$0x3] =	wrdreg $0x154000  }
0xb0: {  	[dreg:$0x4] =	wrdreg $0xB4000  }
0xb1: {  	[dreg:$0x5] =	wrdreg $0x9  }
0xb2: {  	_ =	task.clear_ibuf [dreg:s6], $0x6FFFF;
	_ =	strace $0x9000004C  }
0xb3: {  	s29 =	simm.s32 $0x9;
	_ =	strace $0x8000004E  }
0xb4: {  	_ =	swait.ge [sflag:s29], $0x1  }
0xb5: {  	[sflag:s29] =	ssyncadd.s32 $0xFFFFFFFF  }
0xb6: {  	_ =	strace $0x9000004E  }
0xb7: {  	_ =	sfence  }
0xb8: {  	s30 =	sld [smem:$0x0];
	_ =	sdelay $0x2  }
0xb9: {  	s31 =	sshll.u32 s1, $0xD;
	s1 =	sshrl.u32 s1, $0x2  }
0xba: {  	s3 =	sand.u32 $0x4000, s31;
	s1 =	sadd.s32 s1, s30  }
0xbb: {  	s0 =	sor.u32 s3, s0;
	s1 =	sshll.u32 s1, $0x11  }
0xbc: {  	s0 =	sor.u32 s1, s0  }
0xbd: {  	s0 =	sadd.s32 $0x8F2B, s0  }
0xbe: {  	[sflag:s0] =	ssyncadd.remote.s32 $0x1  }
0xbf: {  	_ =	sfence.sel $0xFFFF  }
0xc0: {  	[dreg:$0x0] =	wrdreg $0xFFFFFFFF;
	(pc) =	sbr.abs _section_cstart, $3  }
0xc1: {  	[dreg:$0x1] =	wrdreg $0xFFFFFFFF  }
0xc2: {  	_ =	task.clear_ibuf [dreg:s6], $0x2FFFF;
	_ =	strace $0x9FFFFFFF  }
0xc3: {  	(tm) =	ssettm $0x7FFFFFFF  }
tec
execute0_lowered:
.L_overlay_start_1:
0x0: {  	(tag) =	ssettag $0x1  }
0x1: {  	s0 =	rddreg [dreg:$0x0]  }
0x2: {  	s2 =	rddreg [dreg:$0x1]  }
0x3: {  	s3 =	rddreg [dreg:$0x2]  }
0x4: {  	s14 =	stileid.u32;
	s1 =	srdreg.scid;
	s5 =	simm.s32 $0x0  }
0x5: {  	s28 =	simm.s32 $0x1;
	s29 =	simm.s32 $0x3;
	s4 =	smul.u32 $0x5100, s14  }
0x6: {  	s30 =	simm.s32 $0x4;
	s31 =	simm.s32 $0x6;
	s7 =	smul.u32 $0xA000, s14  }
0x7: {  	s1 =	sand.u32 $0x1, s1;
	[smem:$0x7FF] =	sst s5;
	s6 =	sadd.s32 $0x3200, s0  }
0x8: {  	s13 =	sshll.u32 s14, $0x6;
	s22 =	smul.u32 $0xA20, s14;
	s14 =	simm.s32 $0x0  }
0x9: {  	s8 =	smul.u32 $0xA0000, s1;
	_ =	strace $0x8000004D;
	s12 =	ssub.s32 $0x2, s1  }
0xa: {  	p0 =	seq.s32 s1, $0x1;
	s1 =	simm.s32 $0x5;
	s9 =	sshrl.u32 s4, $0x3  }
0xb: {  	s11 =	sshrl.u32 s7, $0x3;
	s16 =	sshrl.u32 s12, $0x1;
	s17 =	sadd.s32 s7, s2  }
0xc: {  	s18 =	sadd.s32 s7, s3;
	s25 =	sadd.s32 s22, s6;
	s22 =	simm.s32 $0x5400  }
0xd: {  	s10 =	sadd.s32 s9, s0;
	s8 =	sadd.s32 s7, s8;
	s11 =	sadd.s32 s11, s0  }
0xe: {  	s20 =	sadd.s32 s6, s9;
	s7 =	simm.s32 $0xAE600;
	s26 =	sshrl.u32 s18, $0x3  }
0xf: {  	s9 =	simm.s32 $0x8;
	s8 =	sshrl.u32 s8, $0x3;
	[dreg:$0x7] =	wrdreg s20  }
0x10: {  	s15 =	sadd.s32 $0x9A600, s11;
	s19 =	sadd.s32 $0x18400, s10;
	[dreg:$0xf] =	wrdreg s26  }
0x11: {  	s21 =	sadd.s32 $0x30, s20;
	s10 =	sadd.s32 $0x60, s20;
	[dreg:$0x4] =	wrdreg s15  }
0x12: {  	s7 =	simm.s32 @!p0 $0xC2600;
	s20 =	simm.s32 $0x5100;
	[dreg:$0x6] =	wrdreg s19  }
0x13: {  	s26 =	simm.s32 $0x9400;
	s0 =	sadd.s32 s8, s0;
	[dreg:$0x8] =	wrdreg s21  }
0x14: {  	s8 =	ssub.s32 s12, s16;
	s15 =	sor.u32 $0x1C09, s13;
	[dreg:$0x9] =	wrdreg s10  }
0x15: {  	s24 =	sadd.s32 s7, s11;
	s10 =	sshrl.u32 s17, $0x3;
	s16 =	simm.s32 $0x9  }
0x16: {  	s21 =	simm.s32 $0x80;
	s7 =	simm.s32 $0x5200;
	[dreg:$0xc] =	wrdreg s24  }
0x17: {  	s11 =	simm.s32 $0x2;
	s12 =	simm.s32 $0x5300;
	[dreg:$0x5] =	wrdreg s15  }
0x18: {  	s13 =	simm.s32 $0x5380;
	s0 =	sadd.s32 $0x22600, s0;
	[dreg:$0xe] =	wrdreg s10  }
0x19: {  	s23 =	smax.u32 s8, $0x1;
	s24 =	simm.s32 $0x5280;
	[dreg:$0xa] =	wrdreg s0  }
0x1a: {  	[dreg:$0xb] =	wrdreg s23;
	s0 =	sadd.s32 $0x90, s25;
	s23 =	simm.s32 $0x7400  }
0x1b: {  	s25 =	simm.s32 $0x7;
	[dreg:$0xd] =	wrdreg s0;
	s0 =	simm.s32 $0x5180  }
.LBB2_1:
0x1c: {  	s8 =	rddreg [dreg:$0x4]  }
0x1d: {  	[spmem:s10], [sflag:s15] =	dma.local [hbm:s8], $0x1400  }
0x1e: {  	_ =	swait.ge [sflag:s16], $0x1400  }
0x1f: {  	[sflag:s16] =	ssyncset.done $0x0;
	s10 =	rddreg [dreg:$0xc]  }
0x20: {  	s17 =	rddreg [dreg:$0xf];
	[sflag:s16] =	ssyncadd.s32 $0xFFFFEC00  }
0x21: {  	[spmem:s17], [sflag:s15] =	dma.local [hbm:s10], $0x1400  }
0x22: {  	_ =	swait.ge [sflag:s16], $0x1400  }
0x23: {  	[sflag:s16] =	ssyncset.done $0x0  }
0x24: {  	s18 =	rddreg [dreg:$0x6];
	[sflag:s16] =	ssyncadd.s32 $0xFFFFEC00  }
0x25: {  	[tilespmem:s5], [sflag:$0x9] =	stream.linear.gather [hbm4b:s18+s5], $0x5100, $0x38;
	[tilespmem:$0x1F400] =	vst v63  }
0x26: {  	_ =	swait.ge [sflag:s16], $0x5100  }
0x27: {  	[sflag:s16] =	ssyncset.done $0x0  }
0x28: {  	s19 =	rddreg [dreg:$0x7];
	[sflag:s16] =	ssyncadd.s32 $0xFFFFAF00  }
0x29: {  	[tilespmem:s20], [sflag:$0x1] =	stream.linear.gather [hbm4b:s19+s5], $0x180, $0x38;
	[tilespmem:$0x1F400] =	vst v63  }
0x2a: {  	[bflag:$0x0] =	sbarrier.arrive $0xFFFF  }
0x2b: {  	[tilespmem:s22], [sflag:$0x3] =	stream.indirect.gather [spmem:s3], $0x40, s5, s21, $0xb8;
	[tilespmem:$0x1F400] =	vst v63  }
0x2c: {  	_ = 	snop  }
0x2d: {  	[tilespmem:s23], [sflag:$0x4] =	stream.indirect.gather [spmem:s3], $0x40, s21, s21, $0xb8;
	[tilespmem:$0x1F400] =	vst v63  }
0x2e: {  	s10 =	rddreg [dreg:$0x8]  }
0x2f: {  	[tilespmem:s24], [sflag:$0x2] =	stream.linear.gather [hbm4b:s10+s5], $0x180, $0x38;
	[tilespmem:$0x1F400] =	vst v63  }
0x30: {  	s15 =	simm.s32 $0x100  }
0x31: {  	[tilespmem:s26], [sflag:$0x5] =	stream.indirect.gather [spmem:s3], $0x40, s15, s21, $0xb8;
	[tilespmem:$0x1F400] =	vst v63  }
0x32: {  	_ =	swait.ge [sflag:s28], $0x180  }
0x33: {  	[sflag:s28] =	ssyncset.done $0x0  }
0x34: {  	[sflag:s28] =	ssyncadd.s32 $0xFFFFFE80  }
0x35: {  	_ =	swait.ge [sflag:s29], $0x2000  }
0x36: {  	[sflag:s29] =	ssyncset.done $0x0  }
0x37: {  	[sflag:s29] =	ssyncadd.s32 $0xFFFFE000  }
0x38: {  	[spmem:s2] =	stream.indirect.scatter.add.f32 [tilespmem:s22], [sflag:$0x6], $0x40, s20, s21, $0xb8;
	[tilespmem:$0x1F400] =	vst v63  }
0x39: {  	_ =	swait.ge [sflag:s30], $0x2000  }
0x3a: {  	[sflag:s30] =	ssyncset.done $0x0  }
0x3b: {  	[sflag:s30] =	ssyncadd.s32 $0xFFFFE000  }
0x3c: {  	_ =	swait.ge [sflag:s31], $0x2000  }
0x3d: {  	[sflag:s31] =	ssyncset.done $0x0  }
0x3e: {  	[sflag:s31] =	ssyncadd.s32 $0xFFFFE000  }
0x3f: {  	[spmem:s2] =	stream.indirect.scatter.add.f32 [tilespmem:s23], [sflag:$0x7], $0x40, s0, s21, $0xb8;
	[tilespmem:$0x1F400] =	vst v63  }
0x40: {  	_ =	swait.ge [sflag:s1], $0x2000  }
0x41: {  	[sflag:s1] =	ssyncset.done $0x0  }
0x42: {  	[sflag:s1] =	ssyncadd.s32 $0xFFFFE000  }
0x43: {  	_ =	swait.ge [sflag:s25], $0x2000  }
0x44: {  	[sflag:s25] =	ssyncset.done $0x0  }
0x45: {  	[sflag:s25] =	ssyncadd.s32 $0xFFFFE000  }
0x46: {  	[spmem:s2] =	stream.indirect.scatter.add.f32 [tilespmem:s26], [sflag:$0x8], $0x40, s7, s21, $0xb8;
	[tilespmem:$0x1F400] =	vst v63  }
0x47: {  	s16 =	simm.s32 $0x180  }
0x48: {  	[tilespmem:s22], [sflag:$0x3] =	stream.indirect.gather [spmem:s3], $0x40, s16, s21, $0xb8;
	[tilespmem:$0x1F400] =	vst v63  }
0x49: {  	s17 =	simm.s32 $0x200  }
0x4a: {  	[tilespmem:s23], [sflag:$0x4] =	stream.indirect.gather [spmem:s3], $0x40, s17, s21, $0xb8;
	[tilespmem:$0x1F400] =	vst v63  }
0x4b: {  	_ =	swait.ge [sflag:s9], $0x2000  }
0x4c: {  	[sflag:s9] =	ssyncset.done $0x0  }
0x4d: {  	s18 =	rddreg [dreg:$0x9];
	[sflag:s9] =	ssyncadd.s32 $0xFFFFE000  }
0x4e: {  	[tilespmem:s20], [sflag:$0x1] =	stream.linear.gather [hbm4b:s18+s5], $0x180, $0x38;
	[tilespmem:$0x1F400] =	vst v63  }
0x4f: {  	s19 =	simm.s32 $0x280  }
0x50: {  	[tilespmem:s26], [sflag:$0x5] =	stream.indirect.gather [spmem:s3], $0x40, s19, s21, $0xb8;
	[tilespmem:$0x1F400] =	vst v63  }
0x51: {  	_ =	swait.ge [sflag:s11], $0x180  }
0x52: {  	[sflag:s11] =	ssyncset.done $0x0  }
0x53: {  	[sflag:s11] =	ssyncadd.s32 $0xFFFFFE80  }
0x54: {  	_ =	swait.ge [sflag:s29], $0x2000  }
0x55: {  	[sflag:s29] =	ssyncset.done $0x0  }
0x56: {  	[sflag:s29] =	ssyncadd.s32 $0xFFFFE000  }
0x57: {  	[spmem:s2] =	stream.indirect.scatter.add.f32 [tilespmem:s22], [sflag:$0x6], $0x40, s24, s21, $0xb8;
	[tilespmem:$0x1F400] =	vst v63  }
0x58: {  	_ =	swait.ge [sflag:s30], $0x2000  }
0x59: {  	[sflag:s30] =	ssyncset.done $0x0  }
0x5a: {  	[sflag:s30] =	ssyncadd.s32 $0xFFFFE000  }
0x5b: {  	_ =	swait.ge [sflag:s31], $0x2000  }
0x5c: {  	[sflag:s31] =	ssyncset.done $0x0  }
0x5d: {  	[sflag:s31] =	ssyncadd.s32 $0xFFFFE000  }
0x5e: {  	[spmem:s2] =	stream.indirect.scatter.add.f32 [tilespmem:s23], [sflag:$0x7], $0x40, s12, s21, $0xb8;
	[tilespmem:$0x1F400] =	vst v63  }
0x5f: {  	_ =	swait.ge [sflag:s1], $0x2000  }
0x60: {  	[sflag:s1] =	ssyncset.done $0x0  }
0x61: {  	[sflag:s1] =	ssyncadd.s32 $0xFFFFE000  }
0x62: {  	_ =	swait.ge [sflag:s25], $0x2000  }
0x63: {  	[sflag:s25] =	ssyncset.done $0x0  }
0x64: {  	[sflag:s25] =	ssyncadd.s32 $0xFFFFE000  }
0x65: {  	[spmem:s2] =	stream.indirect.scatter.add.f32 [tilespmem:s26], [sflag:$0x8], $0x40, s13, s21, $0xb8;
	[tilespmem:$0x1F400] =	vst v63  }
0x66: {  	s10 =	simm.s32 $0x300  }
0x67: {  	[tilespmem:s22], [sflag:$0x3] =	stream.indirect.gather [spmem:s3], $0x40, s10, s21, $0xb8;
	[tilespmem:$0x1F400] =	vst v63  }
0x68: {  	s15 =	simm.s32 $0x380  }
0x69: {  	[tilespmem:s23], [sflag:$0x4] =	stream.indirect.gather [spmem:s3], $0x40, s15, s21, $0xb8;
	[tilespmem:$0x1F400] =	vst v63  }
0x6a: {  	_ =	swait.ge [sflag:s9], $0x2000  }
0x6b: {  	[sflag:s9] =	ssyncset.done $0x0  }
0x6c: {  	s15 =	rddreg [dreg:$0xd];
	[sflag:s9] =	ssyncadd.s32 $0xFFFFE000  }
0x6d: {  	[tilespmem:s24], [sflag:$0x2] =	stream.linear.gather [hbm4b:s15+s5], $0x180, $0x38;
	[tilespmem:$0x1F400] =	vst v63  }
0x6e: {  	s16 =	simm.s32 $0x400  }
0x6f: {  	[tilespmem:s26], [sflag:$0x5] =	stream.indirect.gather [spmem:s3], $0x40, s16, s21, $0xb8;
	[tilespmem:$0x1F400] =	vst v63  }
0x70: {  	_ =	swait.ge [sflag:s28], $0x180  }
0x71: {  	[sflag:s28] =	ssyncset.done $0x0  }
0x72: {  	[sflag:s28] =	ssyncadd.s32 $0xFFFFFE80  }
0x73: {  	_ =	swait.ge [sflag:s29], $0x2000  }
0x74: {  	[sflag:s29] =	ssyncset.done $0x0  }
0x75: {  	[sflag:s29] =	ssyncadd.s32 $0xFFFFE000  }
0x76: {  	[spmem:s2] =	stream.indirect.scatter.add.f32 [tilespmem:s22], [sflag:$0x6], $0x40, s20, s21, $0xb8;
	[tilespmem:$0x1F400] =	vst v63  }
0x77: {  	_ =	swait.ge [sflag:s30], $0x2000  }
0x78: {  	[sflag:s30] =	ssyncset.done $0x0  }
0x79: {  	[sflag:s30] =	ssyncadd.s32 $0xFFFFE000  }
0x7a: {  	_ =	swait.ge [sflag:s31], $0x2000  }
0x7b: {  	[sflag:s31] =	ssyncset.done $0x0  }
0x7c: {  	[sflag:s31] =	ssyncadd.s32 $0xFFFFE000  }
0x7d: {  	[spmem:s2] =	stream.indirect.scatter.add.f32 [tilespmem:s23], [sflag:$0x7], $0x40, s0, s21, $0xb8;
	[tilespmem:$0x1F400] =	vst v63  }
0x7e: {  	_ =	swait.ge [sflag:s1], $0x2000  }
0x7f: {  	[sflag:s1] =	ssyncset.done $0x0  }
0x80: {  	[sflag:s1] =	ssyncadd.s32 $0xFFFFE000  }
0x81: {  	_ =	swait.ge [sflag:s25], $0x2000  }
0x82: {  	[sflag:s25] =	ssyncset.done $0x0  }
0x83: {  	[sflag:s25] =	ssyncadd.s32 $0xFFFFE000  }
0x84: {  	[spmem:s2] =	stream.indirect.scatter.add.f32 [tilespmem:s26], [sflag:$0x8], $0x40, s7, s21, $0xb8;
	[tilespmem:$0x1F400] =	vst v63  }
0x85: {  	p0 =	por $0x0, $0x0;
	s8 =	simm.s32 $0x600;
	s17 =	simm.s32 $0x480  }
0x86: {  	[tilespmem:s22], [sflag:$0x3] =	stream.indirect.gather [spmem:s3], $0x40, s17, s21, $0xb8;
	[tilespmem:$0x1F400] =	vst v63  }
0x87: {  	s8 =	simm.s32 @p0 $0x0;
	s18 =	simm.s32 $0x500  }
0x88: {  	[tilespmem:s23], [sflag:$0x4] =	stream.indirect.gather [spmem:s3], $0x40, s18, s21, $0xb8;
	[tilespmem:$0x1F400] =	vst v63  }
0x89: {  	s8 =	sadd.s32 s4, s8;
	_ =	swait.ge [sflag:s9], $0x2000  }
0x8a: {  	s8 =	sshrl.u32 s8, $0x3;
	[sflag:s9] =	ssyncset.done $0x0  }
0x8b: {  	s8 =	sadd.s32 s6, s8;
	[sflag:s9] =	ssyncadd.s32 $0xFFFFE000  }
0x8c: {  	[tilespmem:s20], [sflag:$0x1] =	stream.linear.gather [hbm4b:s8+s5], $0x180, $0x38;
	[tilespmem:$0x1F400] =	vst v63  }
0x8d: {  	s19 =	simm.s32 $0x580  }
0x8e: {  	[tilespmem:s26], [sflag:$0x5] =	stream.indirect.gather [spmem:s3], $0x40, s19, s21, $0xb8;
	[tilespmem:$0x1F400] =	vst v63  }
0x8f: {  	_ =	swait.ge [sflag:s11], $0x180  }
0x90: {  	[sflag:s11] =	ssyncset.done $0x0  }
0x91: {  	[sflag:s11] =	ssyncadd.s32 $0xFFFFFE80  }
0x92: {  	_ =	swait.ge [sflag:s29], $0x2000  }
0x93: {  	[sflag:s29] =	ssyncset.done $0x0  }
0x94: {  	[sflag:s29] =	ssyncadd.s32 $0xFFFFE000  }
0x95: {  	[spmem:s2] =	stream.indirect.scatter.add.f32 [tilespmem:s22], [sflag:$0x6], $0x40, s24, s21, $0xb8;
	[tilespmem:$0x1F400] =	vst v63  }
0x96: {  	_ =	swait.ge [sflag:s30], $0x2000  }
0x97: {  	[sflag:s30] =	ssyncset.done $0x0  }
0x98: {  	[sflag:s30] =	ssyncadd.s32 $0xFFFFE000  }
0x99: {  	_ =	swait.ge [sflag:s31], $0x2000  }
0x9a: {  	[sflag:s31] =	ssyncset.done $0x0  }
0x9b: {  	[sflag:s31] =	ssyncadd.s32 $0xFFFFE000  }
0x9c: {  	[spmem:s2] =	stream.indirect.scatter.add.f32 [tilespmem:s23], [sflag:$0x7], $0x40, s12, s21, $0xb8;
	[tilespmem:$0x1F400] =	vst v63  }
0x9d: {  	_ =	swait.ge [sflag:s1], $0x2000  }
0x9e: {  	[sflag:s1] =	ssyncset.done $0x0  }
0x9f: {  	[sflag:s1] =	ssyncadd.s32 $0xFFFFE000  }
0xa0: {  	s10 =	simm.s32 $0xC00;
	_ =	swait.ge [sflag:s25], $0x2000  }
0xa1: {  	s15 =	sadd.s32 $0x60, s15;
	s19 =	simm.s32 $0x900;
	[sflag:s25] =	ssyncset.done $0x0  }
.LBB2_2:
0xa2: {  	s16 =	sshra.s32 s10, $0x2  }
0xa3: {  	[sflag:s25] =	ssyncadd.s32 $0xFFFFE000;
	s17 =	smov.u32 s10;
	s8 =	sadd.s32 $0xC00, s10  }
0xa4: {  	[spmem:s2] =	stream.indirect.scatter.add.f32 [tilespmem:s26], [sflag:$0x8], $0x40, s13, s21, $0xb8;
	[tilespmem:$0x1F400] =	vst v63  }
0xa5: {  	p0 =	sne.s32 s10, $0x12C00;
	s18 =	sadd.s32 $0x300, s16  }
0xa6: {  	[tilespmem:s22], [sflag:$0x3] =	stream.indirect.gather [spmem:s3], $0x40, s18, s21, $0xb8;
	[tilespmem:$0x1F400] =	vst v63  }
0xa7: {  	s10 =	sadd.s32 $0x380, s16  }
0xa8: {  	[tilespmem:s23], [sflag:$0x4] =	stream.indirect.gather [spmem:s3], $0x40, s10, s21, $0xb8;
	[tilespmem:$0x1F400] =	vst v63  }
0xa9: {  	_ =	swait.ge [sflag:s9], $0x2000  }
0xaa: {  	[sflag:s9] =	ssyncset.done $0x0  }
0xab: {  	[sflag:s9] =	ssyncadd.s32 $0xFFFFE000  }
0xac: {  	[tilespmem:s24], [sflag:$0x2] =	stream.linear.gather [hbm4b:s15+s5], $0x180, $0x38;
	[tilespmem:$0x1F400] =	vst v63  }
0xad: {  	s10 =	sadd.s32 $0x400, s16  }
0xae: {  	[tilespmem:s26], [sflag:$0x5] =	stream.indirect.gather [spmem:s3], $0x40, s10, s21, $0xb8;
	[tilespmem:$0x1F400] =	vst v63  }
0xaf: {  	_ =	swait.ge [sflag:s28], $0x180  }
0xb0: {  	[sflag:s28] =	ssyncset.done $0x0  }
0xb1: {  	[sflag:s28] =	ssyncadd.s32 $0xFFFFFE80  }
0xb2: {  	_ =	swait.ge [sflag:s29], $0x2000  }
0xb3: {  	[sflag:s29] =	ssyncset.done $0x0  }
0xb4: {  	[sflag:s29] =	ssyncadd.s32 $0xFFFFE000  }
0xb5: {  	[spmem:s2] =	stream.indirect.scatter.add.f32 [tilespmem:s22], [sflag:$0x6], $0x40, s20, s21, $0xb8;
	[tilespmem:$0x1F400] =	vst v63  }
0xb6: {  	_ =	swait.ge [sflag:s30], $0x2000  }
0xb7: {  	[sflag:s30] =	ssyncset.done $0x0  }
0xb8: {  	[sflag:s30] =	ssyncadd.s32 $0xFFFFE000  }
0xb9: {  	_ =	swait.ge [sflag:s31], $0x2000  }
0xba: {  	[sflag:s31] =	ssyncset.done $0x0  }
0xbb: {  	[sflag:s31] =	ssyncadd.s32 $0xFFFFE000  }
0xbc: {  	[spmem:s2] =	stream.indirect.scatter.add.f32 [tilespmem:s23], [sflag:$0x7], $0x40, s0, s21, $0xb8;
	[tilespmem:$0x1F400] =	vst v63  }
0xbd: {  	_ =	swait.ge [sflag:s1], $0x2000  }
0xbe: {  	[sflag:s1] =	ssyncset.done $0x0  }
0xbf: {  	[sflag:s1] =	ssyncadd.s32 $0xFFFFE000  }
0xc0: {  	_ =	swait.ge [sflag:s25], $0x2000  }
0xc1: {  	[sflag:s25] =	ssyncset.done $0x0  }
0xc2: {  	[sflag:s25] =	ssyncadd.s32 $0xFFFFE000  }
0xc3: {  	[spmem:s2] =	stream.indirect.scatter.add.f32 [tilespmem:s26], [sflag:$0x8], $0x40, s7, s21, $0xb8;
	[tilespmem:$0x1F400] =	vst v63  }
0xc4: {  	s10 =	sadd.s32 $0x480, s16  }
0xc5: {  	[tilespmem:s22], [sflag:$0x3] =	stream.indirect.gather [spmem:s3], $0x40, s10, s21, $0xb8;
	[tilespmem:$0x1F400] =	vst v63  }
0xc6: {  	p1 =	seq.s32 s17, $0x12C00;
	s10 =	sadd.s32 $0x500, s16  }
0xc7: {  	[tilespmem:s23], [sflag:$0x4] =	stream.indirect.gather [spmem:s3], $0x40, s10, s21, $0xb8;
	[tilespmem:$0x1F400] =	vst v63  }
0xc8: {  	s10 =	smov.u32 s19  }
0xc9: {  	_ =	swait.ge [sflag:s9], $0x2000;
	s10 =	simm.s32 @p1 $0x0  }
0xca: {  	[sflag:s9] =	ssyncset.done $0x0;
	s10 =	sadd.s32 s4, s10  }
0xcb: {  	[sflag:s9] =	ssyncadd.s32 $0xFFFFE000;
	s10 =	sshrl.u32 s10, $0x3  }
0xcc: {  	s16 =	sadd.s32 $0x580, s16;
	s10 =	sadd.s32 s6, s10  }
0xcd: {  	[tilespmem:s20], [sflag:$0x1] =	stream.linear.gather [hbm4b:s10+s5], $0x180, $0x38;
	[tilespmem:$0x1F400] =	vst v63  }
0xce: {  	_ = 	snop  }
0xcf: {  	[tilespmem:s26], [sflag:$0x5] =	stream.indirect.gather [spmem:s3], $0x40, s16, s21, $0xb8;
	[tilespmem:$0x1F400] =	vst v63  }
0xd0: {  	_ =	swait.ge [sflag:s11], $0x180  }
0xd1: {  	[sflag:s11] =	ssyncset.done $0x0  }
0xd2: {  	[sflag:s11] =	ssyncadd.s32 $0xFFFFFE80  }
0xd3: {  	_ =	swait.ge [sflag:s29], $0x2000  }
0xd4: {  	[sflag:s29] =	ssyncset.done $0x0  }
0xd5: {  	[sflag:s29] =	ssyncadd.s32 $0xFFFFE000  }
0xd6: {  	[spmem:s2] =	stream.indirect.scatter.add.f32 [tilespmem:s22], [sflag:$0x6], $0x40, s24, s21, $0xb8;
	[tilespmem:$0x1F400] =	vst v63  }
0xd7: {  	_ =	swait.ge [sflag:s30], $0x2000  }
0xd8: {  	[sflag:s30] =	ssyncset.done $0x0  }
0xd9: {  	[sflag:s30] =	ssyncadd.s32 $0xFFFFE000  }
0xda: {  	_ =	swait.ge [sflag:s31], $0x2000  }
0xdb: {  	[sflag:s31] =	ssyncset.done $0x0  }
0xdc: {  	[sflag:s31] =	ssyncadd.s32 $0xFFFFE000  }
0xdd: {  	[spmem:s2] =	stream.indirect.scatter.add.f32 [tilespmem:s23], [sflag:$0x7], $0x40, s12, s21, $0xb8;
	[tilespmem:$0x1F400] =	vst v63  }
.Ltmp0:
0xde: {  	_ =	swait.ge [sflag:s1], $0x2000;
	(pc) =	sbr.rel @p0 .LBB2_2-.Ltmp0, $4  }
0xdf: {  	[sflag:s1] =	ssyncset.done $0x0  }
0xe0: {  	[sflag:s1] =	ssyncadd.s32 $0xFFFFE000  }
0xe1: {  	s15 =	sadd.s32 $0x60, s15;
	_ =	swait.ge [sflag:s25], $0x2000  }
0xe2: {  	s19 =	sadd.s32 $0x300, s19;
	s10 =	smov.u32 s8;
	[sflag:s25] =	ssyncset.done $0x0  }
0xe3: {  	[sflag:s25] =	ssyncadd.s32 $0xFFFFE000  }
0xe4: {  	[spmem:s2] =	stream.indirect.scatter.add.f32 [tilespmem:s26], [sflag:$0x8], $0x40, s13, s21, $0xb8;
	[tilespmem:$0x1F400] =	vst v63  }
0xe5: {  	_ =	swait.ge [sflag:s9], $0x2000  }
0xe6: {  	[sflag:s9] =	ssyncset.done $0x0  }
0xe7: {  	[sflag:s9] =	ssyncadd.s32 $0xFFFFE000  }
0xe8: {  	_ =	swait.ge [sflag:s28], $0x180  }
0xe9: {  	[sflag:s28] =	ssyncset.done $0x0  }
0xea: {  	[sflag:s28] =	ssyncadd.s32 $0xFFFFFE80  }
0xeb: {  	[bflag:$0x0] =	sbarrier.arrive $0xFFFF  }
0xec: {  	s15 =	rddreg [dreg:$0x5]  }
0xed: {  	s8 =	rddreg [dreg:$0xa]  }
0xee: {  	s16 =	simm.s32 $0x9;
	s10 =	rddreg [dreg:$0xe]  }
0xef: {  	[hbm:s8], [sflag:s15] =	dma.local [spmem:s10], $0x1400  }
0xf0: {  	_ =	swait.ge [sflag:s16], $0x1400  }
0xf1: {  	s14 =	sadd.s32 $0x1, s14;
	s19 =	rddreg [dreg:$0xb]  }
0xf2: {  	p0 =	sne.s32 s14, s19  }
.Ltmp1:
0xf3: {  	_ = 	snop;
	(pc) =	sbr.rel @p0 .LBB2_1-.Ltmp1, $3  }
0xf4: {  	_ =	sdelay $0x1  }
0xf5: {  	[sflag:s16] =	ssyncset.done $0x0  }
0xf6: {  	[sflag:s16] =	ssyncadd.s32 $0xFFFFEC00  }
0xf7: {  	_ =	sfence.sel $0x180000  }
0xf8: {  	[bflag:$0x0] =	sbarrier.arrive $0xFFFF  }
0xf9: {  	_ =	strace $0x9000004D  }
0xfa: {  	s0 =	stileid.u32;
	[bflag:$0x2] =	sbarrier.arrive $0xFFFF  }
0xfb: {  	p0 =	sne.s32 s0, $0x0;
	s0 =	rddreg [dreg:$0x3]  }
0xfc: {  	s0 =	sadd.s32 @!p0 $0x100000, s0  }
0xfd: {  	[sflag:s0] =	ssyncadd.tile.s32 @!p0 $0x1;
	_ =	shalt  }
.Lfunc_end2:
_tile_overlayer_lowered:
.L_overlay_start_2:
0xfe: {  	(tag) =	ssettag $0x2  }
0xff: {  	s0 =	rddreg [dreg:$0x0];
	s2 =	stileid.u32  }
0x100: {  	s1 =	rddreg [dreg:$0x1];
	p0 =	sne.s32 s2, $0x0  }
0x101: {  	s3 =	rddreg [dreg:$0x2];
	[bflag:$0x3] =	sbarrier.arrive $0xFFFF;
	s2 =	simm.s32 @!p0 $0x1C09  }
0x102: {  	[timem:s3], [sflag:s2] =	dma.local @!p0 [hbm:s0], s1  }
0x103: {  	s0 =	simm.s32 @!p0 $0x9  }
0x104: {  	_ =	swait.ge @!p0 [sflag:s0], s1  }
0x105: {  	s1 =	ssub.s32 @!p0 $0x0, s1;
	[sflag:s0] =	ssyncset.done @!p0 $0x0  }
0x106: {  	[sflag:s0] =	ssyncadd.s32 @!p0 s1  }
0x107: {  	[bflag:$0x3] =	sbarrier.arrive $0xFFFF  }
0x108: {  	_ =	shalt  }

// kernel: kernel.8.cloned.1.call-start
scs
__scs_entry_jumppad:
0x0: {  	(pc) =	sbr.rel $0x88, $3  }
0x1: {  	(tag) =	ssettag $0x0;
	lr =	simm.s32 $0x1  }
0x2: {  	[smem:$0x3F99] =	sst lr;
	_ =	strace $0xD0000000  }
0x3: {  	_ = 	snop  }
0x4: {  	_ = 	snop  }
0x5: {  	_ = 	snop  }
0x6: {  	_ = 	snop  }
0x7: {  	_ = 	snop  }
__scs_overlays_trampoline_lowered:
0x8: {  	[smem:$0x3FA8] =	sst s0  }
0x9: {  	[smem:$0x3FA9] =	sst s1  }
0xa: {  	[smem:$0x3FAA] =	sst s2  }
0xb: {  	[smem:$0x3FAB] =	sst s3  }
0xc: {  	[smem:$0x3FAC] =	sst s4  }
0xd: {  	[smem:$0x3FAD] =	sst s5  }
0xe: {  	[smem:$0x3FAE] =	sst s6  }
0xf: {  	[smem:$0x3FAF] =	sst s7  }
0x10: {  	[smem:$0x3FB0] =	sst s8  }
0x11: {  	[smem:$0x3FB1] =	sst s9;
	s0 =	simm.s32 @!p0 $0x0  }
0x12: {  	s1 =	sld [smem:$0x3F97];
	s0 =	simm.s32 @p0 $0x1  }
0x13: {  	[smem:$0x3FB2] =	sst s0;
	s0 =	simm.s32 @!p1 $0x0  }
0x14: {  	s2 =	sld [smem:$0x3F96];
	s0 =	simm.s32 @p1 $0x1  }
0x15: {  	[smem:$0x3FB3] =	sst s0;
	s0 =	simm.s32 @!p2 $0x0  }
0x16: {  	s3 =	sld [smem:$0x3FDB];
	s0 =	simm.s32 @p2 $0x1  }
0x17: {  	s4 =	simm.s32 $0x1BF5;
	[smem:$0x3FB5] =	sst s0  }
0x18: {  	s0 =	sld [smem:$0x3F98];
	_ =	swait.ge [sflag:s4], $0x0  }
0x19: {  	s7 =	sld [smem:$0x3F99]  }
0x1a: {  	s8 =	sadd.s32 $0xFFFFE003, lr  }
0x1b: {  	s9 =	sadd.s32 $0xFFFFFEF7, lr;
	s5 =	simm.s32 $0xFFFFFFFF;
	p2 =	slt.u32 s8, $0xFFFFF086  }
0x1c: {  	p1 =	slt.u32 s9, $0xF7A;
	s5 =	simm.s32 @!p2 $0x0  }
0x1d: {  	s5 =	simm.s32 @p1 $0x1;
	p0 =	seq.s32 s7, s2  }
0x1e: {  	s7 =	smul.u32 @!p0 $0xF7A, s2;
	p2 =	seq.s32 @!p0 s5, $0x0  }
0x1f: {  	s9 =	smul.u32 $0xF7A, s1;
	s8 =	simm.s32 @!p0 $0x1BF5;
	p2 =	por !p2, p0  }
0x20: {  	[sflag:s8] =	ssyncset.s32 @!p0 $0xFFFFF086;
	s6 =	sadd.s32 @!p0 s3, s7;
	s7 =	simm.s32 @!p0 $0x108  }
0x21: {  	s3 =	sadd.s32 s3, s9;
	s6 =	sadd.s32 @!p0 $0x88, s6;
	s7 =	simm.s32 @p2 $0x1082  }
0x22: {  	[simem:s7], [sflag:s8] =	dma.local @!p0 [hbm:s6], $0xF7A  }
0x23: {  	s9 =	sor.u32 $0xD0000000, s2;
	s6 =	simm.s32 $0x108;
	_ =	swait.ge @!p0 [sflag:s8], $0x0  }
0x24: {  	s3 =	sadd.s32 $0x88, s3;
	s6 =	simm.s32 @!p1 $0x1082;
	[sflag:s4] =	ssyncset.s32 $0xFFFFF086  }
0x25: {  	[simem:s6], [sflag:s4] =	dma.local [hbm:s3], $0xF7A  }
0x26: {  	[smem:$0x3F99] =	sst s1;
	(tag) =	ssettag s2;
	_ =	strace s9  }
0x27: {  	s1 =	sld [smem:$0x3FA9]  }
0x28: {  	s2 =	sld [smem:$0x3FAA]  }
0x29: {  	s4 =	sld [smem:$0x3FAC]  }
0x2a: {  	p0 =	seq.s32 s5, $0x0;
	s5 =	sld [smem:$0x3FAD]  }
0x2b: {  	s6 =	sld [smem:$0x3FAE]  }
0x2c: {  	s7 =	sld [smem:$0x3FAF]  }
0x2d: {  	s3 =	simm.s32 $0x108;
	s8 =	sld [smem:$0x3FB0]  }
0x2e: {  	s3 =	simm.s32 @!p0 $0x1082;
	s9 =	sld [smem:$0x3FB1]  }
0x2f: {  	lr =	sadd.s32 s0, s3;
	s0 =	sld [smem:$0x3FA8]  }
0x30: {  	s3 =	sld [smem:$0x3FAB]  }
0x31: {  	[smem:$0x3FB4] =	sst s10  }
0x32: {  	s10 =	sld [smem:$0x3FB2];
	_ =	sdelay $0x3  }
0x33: {  	p0 =	seq.s32 s10, $0x1;
	s10 =	sld [smem:$0x3FB4];
	_ =	sdelay $0x3  }
0x34: {  	[smem:$0x3FB4] =	sst s10  }
0x35: {  	s10 =	sld [smem:$0x3FB3];
	_ =	sdelay $0x3  }
0x36: {  	p1 =	seq.s32 s10, $0x1;
	s10 =	sld [smem:$0x3FB4];
	_ =	sdelay $0x3  }
0x37: {  	[smem:$0x3FB4] =	sst s10  }
0x38: {  	s10 =	sld [smem:$0x3FB5]  }
0x39: {  	_ = 	snop;
	(pc) =	sbr.ind lr, $3  }
0x3a: {  	_ = 	snop  }
0x3b: {  	_ = 	snop  }
0x3c: {  	p2 =	seq.s32 s10, $0x1;
	s10 =	sld [smem:$0x3FB4]  }
0x3d: {  	_ =	shalt  }
0x3e: {  	_ =	shalt  }
0x3f: {  	_ =	shalt  }
0x40: {  	_ =	shalt  }
0x41: {  	_ =	shalt  }
0x42: {  	_ =	shalt  }
0x43: {  	_ =	shalt  }
0x44: {  	_ =	shalt  }
0x45: {  	_ =	shalt  }
0x46: {  	_ =	shalt  }
0x47: {  	_ =	shalt  }
0x48: {  	_ =	shalt  }
0x49: {  	_ =	shalt  }
0x4a: {  	_ =	shalt  }
0x4b: {  	_ =	shalt  }
0x4c: {  	_ =	shalt  }
0x4d: {  	_ =	shalt  }
0x4e: {  	_ =	shalt  }
0x4f: {  	_ =	shalt  }
0x50: {  	_ =	shalt  }
0x51: {  	_ =	shalt  }
0x52: {  	_ =	shalt  }
0x53: {  	_ =	shalt  }
0x54: {  	_ =	shalt  }
0x55: {  	_ =	shalt  }
0x56: {  	_ =	shalt  }
0x57: {  	_ =	shalt  }
0x58: {  	_ =	shalt  }
0x59: {  	_ =	shalt  }
0x5a: {  	_ =	shalt  }
0x5b: {  	_ =	shalt  }
0x5c: {  	_ =	shalt  }
0x5d: {  	_ =	shalt  }
0x5e: {  	_ =	shalt  }
0x5f: {  	_ =	shalt  }
0x60: {  	_ =	shalt  }
0x61: {  	_ =	shalt  }
0x62: {  	_ =	shalt  }
0x63: {  	_ =	shalt  }
0x64: {  	_ =	shalt  }
0x65: {  	_ =	shalt  }
0x66: {  	_ =	shalt  }
0x67: {  	_ =	shalt  }
0x68: {  	_ =	shalt  }
0x69: {  	_ =	shalt  }
0x6a: {  	_ =	shalt  }
0x6b: {  	_ =	shalt  }
0x6c: {  	_ =	shalt  }
0x6d: {  	_ =	shalt  }
0x6e: {  	_ =	shalt  }
0x6f: {  	_ =	shalt  }
0x70: {  	_ =	shalt  }
0x71: {  	_ =	shalt  }
0x72: {  	_ =	shalt  }
0x73: {  	_ =	shalt  }
0x74: {  	_ =	shalt  }
0x75: {  	_ =	shalt  }
0x76: {  	_ =	shalt  }
0x77: {  	_ =	shalt  }
0x78: {  	_ =	shalt  }
0x79: {  	_ =	shalt  }
0x7a: {  	_ =	shalt  }
0x7b: {  	_ =	shalt  }
0x7c: {  	_ =	shalt  }
0x7d: {  	_ =	shalt  }
0x7e: {  	_ =	shalt  }
0x7f: {  	_ =	shalt  }
0x80: {  	_ =	shalt  }
0x81: {  	_ =	shalt  }
0x82: {  	_ =	shalt  }
0x83: {  	_ =	shalt  }
0x84: {  	_ =	shalt  }
0x85: {  	_ =	shalt  }
0x86: {  	_ =	shalt  }
0x87: {  	_ =	shalt  }
.Lfunc_end0:
.L_simem_size_0:
called_computation_lowered:
.L_overlay_start_0:
0x88: {  	s2 =	sld [smem:$0x3FD9]  }
0x89: {  	s3 =	sld [smem:$0x3FFE];
	_ =	sdelay $0x1  }
0x8a: {  	s1 =	srdreg.scid  }
0x8b: {  	s0 =	sand.u32 $0x1, s1  }
0x8c: {  	s17 =	sshll.u32 s0, $0xA;
	s2 =	sadd.s32 s3, s2  }
0x8d: {  	s2 =	sadd.s32 s2, s17  }
0x8e: {  	[smem:$0x3FC0] =	sst s2  }
0x8f: {  	_ = 	snop  }
0x90: {  	s2 =	sld [smem:$0x3FD0];
	(tm) =	ssettm $0x1  }
0x91: {  	s18 =	sld [smem:$0x3FFB];
	_ =	sdelay $0x3  }
0x92: {  	_ =	strace s18  }
0x93: {  	s3 =	sld [smem:$0x3FFC];
	_ =	sdelay $0x3  }
0x94: {  	_ =	strace s3  }
0x95: {  	s3 =	sld [smem:$0x3FFD];
	_ =	sdelay $0x3  }
0x96: {  	_ =	strace s3  }
0x97: {  	_ =	strace $0x8FFFFFFF  }
0x98: {  	s19 =	sld [smem:$0x3FDB];
	_ =	sdelay $0x1  }
0x99: {  	s4 =	simm.s32 $_scs_section_size  }
0x9a: {  	s5 =	simm.s32 $_size__tile_overlayer_lowered;
	s6 =	simm.s32 $_tile_overlayer_lowered  }
0x9b: {  	s22 =	simm.s32 $0x1BFF;
	s21 =	sshll.u32 s6, $0x1;
	s3 =	sadd.s32 s4, s19  }
0x9c: {  	s7 =	simm.s32 $0x0;
	s20 =	sshll.u32 s5, $0x1;
	s5 =	sadd.s32 s21, s3  }
0x9d: {  	[timem:s7], [sflag:s22] =	dma.local [hbm:s5], s20  }
0x9e: {  	_ =	swait.ge [sflag:s22], s20  }
0x9f: {  	s4 =	ssub.s32 $0x0, s20;
	[sflag:s22] =	ssyncset.done $0x0  }
0xa0: {  	[sflag:s22] =	ssyncadd.s32 s4;
	_ =	sdelay $0x1  }
0xa1: {  	s23 =	simm.s32 $0x1B8B  }
0xa2: {  	_ =	swait.ge [sflag:s23], $0x1  }
0xa3: {  	[sflag:s23] =	ssyncset.done $0x0  }
0xa4: {  	s25 =	simm.s32 $0x1B8E;
	s24 =	sld [smem:$0x3FFE];
	[sflag:s23] =	ssyncadd.s32 $0xFFFFFFFF  }
0xa5: {  	s26 =	simm.s32 $execute0_lowered;
	[smem:$0x3FD2] =	sst s25  }
0xa6: {  	s5 =	sshll.u32 s26, $0x1;
	_ =	strace $0x80000046;
	[dreg:$0x1] =	wrdreg $0xFFFFFFFF  }
0xa7: {  	s28 =	simm.s32 $_size_execute0_lowered;
	s3 =	sadd.s32 s3, s5;
	[dreg:$0x0] =	wrdreg $0x0  }
0xa8: {  	s5 =	sshll.u32 s28, $0x1;
	[dreg:$0x2] =	wrdreg s3  }
0xa9: {  	[dreg:$0x3] =	wrdreg s5  }
0xaa: {  	[dreg:$0x4] =	wrdreg $0xC0  }
0xab: {  	_ =	task [dreg:s7], $0x5FFFF  }
0xac: {  	[dreg:$0x1] =	wrdreg $0xFFFFFFFF  }
0xad: {  	[dreg:$0x0] =	wrdreg $0x60  }
0xae: {  	[dreg:$0x2] =	wrdreg s24  }
0xaf: {  	[dreg:$0x3] =	wrdreg s2  }
0xb0: {  	[dreg:$0x4] =	wrdreg $0x58800  }
0xb1: {  	[dreg:$0x5] =	wrdreg $0x5B000  }
0xb2: {  	[dreg:$0x6] =	wrdreg $0x9  }
0xb3: {  	_ =	task.clear_ibuf [dreg:s7], $0x7FFFF;
	_ =	strace $0x90000046  }
0xb4: {  	s29 =	simm.s32 $0x9;
	_ =	strace $0x80000048  }
0xb5: {  	_ =	swait.ge [sflag:s29], $0x1  }
0xb6: {  	[sflag:s29] =	ssyncadd.s32 $0xFFFFFFFF  }
0xb7: {  	_ =	strace $0x90000048  }
0xb8: {  	_ =	sfence  }
0xb9: {  	s30 =	sld [smem:$0x0];
	_ =	sdelay $0x2  }
0xba: {  	s31 =	sshll.u32 s1, $0xD;
	s1 =	sshrl.u32 s1, $0x2  }
0xbb: {  	s3 =	sand.u32 $0x4000, s31;
	s1 =	sadd.s32 s1, s30  }
0xbc: {  	s0 =	sor.u32 s3, s0;
	s1 =	sshll.u32 s1, $0x11  }
0xbd: {  	s0 =	sor.u32 s1, s0  }
0xbe: {  	s0 =	sadd.s32 $0x8F2B, s0  }
0xbf: {  	[sflag:s0] =	ssyncadd.remote.s32 $0x1  }
0xc0: {  	_ =	sfence.sel $0xFFFF  }
0xc1: {  	[dreg:$0x0] =	wrdreg $0xFFFFFFFF;
	(pc) =	sbr.abs _section_cstart, $3  }
0xc2: {  	[dreg:$0x1] =	wrdreg $0xFFFFFFFF  }
0xc3: {  	_ =	task.clear_ibuf [dreg:s7], $0x2FFFF;
	_ =	strace $0x9FFFFFFF  }
0xc4: {  	(tm) =	ssettm $0x7FFFFFFF  }
0xc5: {  	_ =	shalt  }
tec
execute0_lowered:
.L_overlay_start_1:
0x0: {  	(tag) =	ssettag $0x1  }
0x1: {  	s6 =	rddreg [dreg:$0x0]  }
0x2: {  	s1 =	rddreg [dreg:$0x1]  }
0x3: {  	s3 =	rddreg [dreg:$0x2]  }
0x4: {  	s0 =	srdreg.scid;
	s4 =	rddreg [dreg:$0x3]  }
0x5: {  	s5 =	simm.s32 $0x0;
	s17 =	simm.s32 $0x2C00;
	s18 =	simm.s32 $0x80  }
0x6: {  	s19 =	simm.s32 $0x1;
	s20 =	simm.s32 $0x2;
	s21 =	simm.s32 $0x20  }
0x7: {  	s22 =	simm.s32 $0x10;
	s7 =	sand.u32 $0x1, s0;
	s0 =	stileid.u32  }
0x8: {  	s23 =	simm.s32 $0x0;
	[smem:$0x7FF] =	sst s5;
	s9 =	smul.u32 $0x500, s0  }
0x9: {  	s2 =	sshll.u32 s7, $0x4;
	s10 =	smul.u32 $0x280, s0;
	s11 =	sshll.u32 s7, $0x7  }
0xa: {  	s7 =	ssub.s32 $0x2, s7;
	s31 =	sshll.u32 s0, $0x6;
	s8 =	sor.u32 s0, s2  }
0xb: {  	s2 =	rddreg [dreg:$0x4];
	_ =	strace $0x80000047;
	s30 =	sshrl.u32 s7, $0x1  }
0xc: {  	s8 =	smul.u32 $0x580, s8;
	s28 =	sor.u32 s11, s9;
	s29 =	sshrl.u32 s10, $0x3  }
0xd: {  	s14 =	ssub.s32 s7, s30;
	s15 =	sadd.s32 s10, s3;
	s7 =	sor.u32 $0x1C03, s31  }
0xe: {  	s9 =	sadd.s32 s29, s6;
	s12 =	sadd.s32 s8, s6;
	s8 =	sshrl.u32 s28, $0x3  }
0xf: {  	s16 =	sadd.s32 s10, s4;
	s13 =	sadd.s32 s8, s6;
	s6 =	sadd.s32 $0x2D600, s9  }
0x10: {  	s8 =	sadd.s32 $0x22600, s12;
	s9 =	sadd.s32 $0xD400, s12;
	s12 =	smax.u32 s14, $0x1  }
0x11: {  	s14 =	simm.s32 $0x3;
	s10 =	sadd.s32 $0x2DC00, s13;
	s11 =	sadd.s32 $0x2E600, s13  }
0x12: {  	s13 =	sshrl.u32 s15, $0x3;
	s15 =	sshrl.u32 s16, $0x3;
	s16 =	simm.s32 $0x5800  }
.LBB2_1:
0x13: {  	[spmem:s13], [sflag:s7] =	dma.local [hbm:s6], $0x50  }
0x14: {  	_ =	swait.ge [sflag:s14], $0x50  }
0x15: {  	[sflag:s14] =	ssyncset.done $0x0  }
0x16: {  	[sflag:s14] =	ssyncadd.s32 $0xFFFFFFB0  }
0x17: {  	[spmem:s15], [sflag:s7] =	dma.local [hbm:s6], $0x50  }
0x18: {  	_ =	swait.ge [sflag:s14], $0x50  }
0x19: {  	[sflag:s14] =	ssyncset.done $0x0  }
0x1a: {  	[sflag:s14] =	ssyncadd.s32 $0xFFFFFFB0  }
0x1b: {  	[tilespmem:s16], [sflag:$0x3] =	stream.linear.gather [hbm4b:s1+s5], $0x80, $0x38;
	[tilespmem:$0x5D80] =	vst v63  }
0x1c: {  	_ =	swait.ge [sflag:s14], $0x80  }
0x1d: {  	[sflag:s14] =	ssyncset.done $0x0  }
0x1e: {  	[sflag:s14] =	ssyncadd.s32 $0xFFFFFF80  }
0x1f: {  	[tilespmem:s5], [sflag:$0x3] =	stream.linear.gather [hbm4b:s8+s5], $0x2880, $0x38;
	[tilespmem:$0x5D80] =	vst v63  }
0x20: {  	_ =	swait.ge [sflag:s14], $0x2880  }
0x21: {  	[sflag:s14] =	ssyncset.done $0x0  }
0x22: {  	[sflag:s14] =	ssyncadd.s32 $0xFFFFD780  }
0x23: {  	[tilespmem:s17], [sflag:$0x3] =	stream.linear.gather [hbm4b:s9+s5], $0x2880, $0x38;
	[tilespmem:$0x5D80] =	vst v63  }
0x24: {  	_ =	swait.ge [sflag:s14], $0x2880  }
0x25: {  	[sflag:s14] =	ssyncset.done $0x0  }
0x26: {  	[sflag:s14] =	ssyncadd.s32 $0xFFFFD780  }
0x27: {  	[bflag:$0x0] =	sbarrier.arrive $0xFFFF  }
0x28: {  	[spmem:s3] =	stream.indirect.scatter.add.f32 [tilespmem:s16], [sflag:$0x1], $0x1, s5, s18, $0xb8;
	[tilespmem:$0x5D80] =	vst v63  }
0x29: {  	_ = 	snop  }
0x2a: {  	[spmem:s4] =	stream.indirect.scatter.add.f32 [tilespmem:s16], [sflag:$0x2], $0x1, s17, s18, $0xb8;
	[tilespmem:$0x5D80] =	vst v63  }
0x2b: {  	_ =	swait.ge [sflag:s19], $0x80  }
0x2c: {  	[sflag:s19] =	ssyncset.done $0x0  }
0x2d: {  	[sflag:s19] =	ssyncadd.s32 $0xFFFFFF80  }
0x2e: {  	_ =	swait.ge [sflag:s20], $0x80  }
0x2f: {  	[sflag:s20] =	ssyncset.done $0x0  }
0x30: {  	s24 =	simm.s32 $0x80;
	[sflag:s20] =	ssyncadd.s32 $0xFFFFFF80  }
0x31: {  	[spmem:s3] =	stream.indirect.scatter.add.f32 [tilespmem:s16], [sflag:$0x1], $0x1, s24, s18, $0xb8;
	[tilespmem:$0x5D80] =	vst v63  }
0x32: {  	s25 =	simm.s32 $0x2C80;
	s24 =	simm.s32 $0x400  }
.LBB2_2:
0x33: {  	[spmem:s4] =	stream.indirect.scatter.add.f32 [tilespmem:s16], [sflag:$0x2], $0x1, s25, s18, $0xb8;
	[tilespmem:$0x5D80] =	vst v63  }
0x34: {  	s25 =	smov.u32 s24  }
0x35: {  	p0 =	sne.s32 s24, $0xA000;
	s24 =	sadd.s32 $0x200, s24;
	_ =	swait.ge [sflag:s19], $0x80  }
0x36: {  	[sflag:s19] =	ssyncset.done $0x0  }
0x37: {  	[sflag:s19] =	ssyncadd.s32 $0xFFFFFF80  }
.Ltmp0:
0x38: {  	_ =	swait.ge [sflag:s20], $0x80;
	(pc) =	sbr.rel @p0 .LBB2_2-.Ltmp0, $4  }
0x39: {  	[sflag:s20] =	ssyncset.done $0x0  }
0x3a: {  	s25 =	sshra.s32 s25, $0x2;
	[sflag:s20] =	ssyncadd.s32 $0xFFFFFF80  }
0x3b: {  	[spmem:s3] =	stream.indirect.scatter.add.f32 [tilespmem:s16], [sflag:$0x1], $0x1, s25, s18, $0xb8;
	[tilespmem:$0x5D80] =	vst v63  }
0x3c: {  	s25 =	sadd.s32 $0x2C00, s25  }
0x3d: {  	[spmem:s4] =	stream.indirect.scatter.add.f32 [tilespmem:s16], [sflag:$0x2], $0x1, s25, s18, $0xb8;
	[tilespmem:$0x5D80] =	vst v63  }
0x3e: {  	_ =	swait.ge [sflag:s19], $0x80  }
0x3f: {  	[sflag:s19] =	ssyncset.done $0x0  }
0x40: {  	[sflag:s19] =	ssyncadd.s32 $0xFFFFFF80  }
0x41: {  	_ =	swait.ge [sflag:s20], $0x80  }
0x42: {  	[sflag:s20] =	ssyncset.done $0x0  }
0x43: {  	[sflag:s20] =	ssyncadd.s32 $0xFFFFFF80  }
0x44: {  	[bflag:$0x0] =	sbarrier.arrive $0xFFFF  }
0x45: {  	[hbm:s10@s21], [sflag:s7] =	dma.strided [spmem:s13@s22], $0x50, s19, $0x10   }
0x46: {  	s23 =	sadd.s32 $0x1, s23;
	_ =	swait.ge [sflag:s14], $0x50  }
0x47: {  	p0 =	sne.s32 s23, s12;
	[sflag:s14] =	ssyncset.done $0x0  }
.Ltmp1:
0x48: {  	[sflag:s14] =	ssyncadd.s32 $0xFFFFFFB0;
	(pc) =	sbr.rel @p0 .LBB2_1-.Ltmp1, $4  }
0x49: {  	[hbm:s11@s21], [sflag:s7] =	dma.strided [spmem:s15@s22], $0x50, s19, $0x10   }
0x4a: {  	_ =	swait.ge [sflag:s14], $0x50  }
0x4b: {  	[sflag:s14] =	ssyncset.done $0x0  }
0x4c: {  	[sflag:s14] =	ssyncadd.s32 $0xFFFFFFB0  }
0x4d: {  	_ =	sfence.sel $0x180000  }
0x4e: {  	[bflag:$0x0] =	sbarrier.arrive $0xFFFF  }
0x4f: {  	p0 =	sne.s32 s0, $0x0;
	_ =	strace $0x90000047  }
0x50: {  	s0 =	sadd.s32 @!p0 $0x100000, s2;
	[bflag:$0x2] =	sbarrier.arrive $0xFFFF  }
0x51: {  	[sflag:s0] =	ssyncadd.tile.s32 @!p0 $0x1;
	_ =	shalt  }
.Lfunc_end2:
_tile_overlayer_lowered:
.L_overlay_start_2:
0x52: {  	(tag) =	ssettag $0x2  }
0x53: {  	s0 =	rddreg [dreg:$0x0];
	s2 =	stileid.u32  }
0x54: {  	s1 =	rddreg [dreg:$0x1];
	p0 =	sne.s32 s2, $0x0  }
0x55: {  	s3 =	rddreg [dreg:$0x2];
	[bflag:$0x3] =	sbarrier.arrive $0xFFFF;
	s2 =	simm.s32 @!p0 $0x1C03  }
0x56: {  	[timem:s3], [sflag:s2] =	dma.local @!p0 [hbm:s0], s1  }
0x57: {  	s0 =	simm.s32 @!p0 $0x3  }
0x58: {  	_ =	swait.ge @!p0 [sflag:s0], s1  }
0x59: {  	s1 =	ssub.s32 @!p0 $0x0, s1;
	[sflag:s0] =	ssyncset.done @!p0 $0x0  }
0x5a: {  	[sflag:s0] =	ssyncadd.s32 @!p0 s1  }
0x5b: {  	[bflag:$0x3] =	sbarrier.arrive $0xFFFF  }
0x5c: {  	_ =	shalt  }

</sc_bundles>
